<compile_context>
chip_gen: v7x
topology: tpu7x:2x2x1
jax: 0.10.2.dev20260603
libtpu: 0.0.44.dev20260713+nightly
codegen_flags: <defaults>
</compile_context>

<pallas_src>
import functools

import jax
import jax.numpy as jnp
from jax import lax
from jax.experimental import pallas as pl
from jax.experimental.pallas import tpu as pltpu
from jax.experimental.pallas import tpu_sc as plsc

_B, _C, _N, _K, _O = 8, 64, 2048, 16, 64
_R = 256
_RC = 256
_CH = 128
_NW = 32


def _knn_body(x_ref, xt_ref, idx_ref):
    b = pl.program_id(0)
    xb = x_ref[0]
    xr = xt_ref[0]
    inner = lax.dot_general(
        xr, xb, (((1,), (0,)), ((), ())),
        preferred_element_type=jnp.float32,
        precision=lax.Precision.DEFAULT,
    )
    sq_all = jnp.sum(xb * xb, axis=0)[None, :]
    sq_r = jnp.sum(xr * xr, axis=1, keepdims=True)
    d = sq_r + sq_all - 2.0 * inner
    h = _N // 2
    iota = lax.broadcasted_iota(jnp.int32, (_R, h), 1).astype(jnp.float32)
    dlo = d[:, :h]
    dhi = d[:, h:]
    le = dlo <= dhi
    p = jnp.where(le, dlo, dhi)
    a = jnp.where(le, iota, iota + h)
    q = jnp.where(le, dhi, dlo)
    a2 = jnp.where(le, iota + h, iota)
    big = jnp.float32(_N)
    cols = []
    for t in range(_K + 1):
        m = jnp.min(p, axis=1, keepdims=True)
        cand = jnp.where(p == m, a, big)
        j = jnp.min(cand, axis=1, keepdims=True)
        if t > 0:
            cols.append(j)
        e = cand == j
        p = jnp.where(e, q, p)
        a = jnp.where(e, a2, a)
        q = jnp.where(e, jnp.inf, q)
    base = b * _N
    idx_ref[0] = jnp.concatenate(cols, axis=1).astype(jnp.int32) + base


def _knn(x, xt):
    nb = _N // _R
    return pl.pallas_call(
        _knn_body,
        grid=(x.shape[0], nb),
        in_specs=[
            pl.BlockSpec((1, _C, _N), lambda b, i: (b, 0, 0)),
            pl.BlockSpec((1, _R, _C), lambda b, i: (b, i, 0)),
        ],
        out_specs=pl.BlockSpec((1, _R, _K), lambda b, i: (b, i, 0)),
        out_shape=jax.ShapeDtypeStruct((x.shape[0], _N, _K), jnp.int32),
    )(x, xt)


def _gather_body(nrows, idx_hbm, table_hbm, out_hbm, idx_v, rows_v, sem):
    wid = lax.axis_index("s") * 2 + lax.axis_index("c")
    rows_per_w = nrows // _NW
    base = wid * rows_per_w
    nch = rows_per_w // _CH

    def body(i, carry):
        off = base + i * _CH
        pltpu.sync_copy(idx_hbm.at[pl.ds(off, _CH)], idx_v)
        pltpu.async_copy(table_hbm.at[idx_v], rows_v, sem).wait()
        pltpu.sync_copy(rows_v, out_hbm.at[pl.ds(off, _CH)])
        return carry

    lax.fori_loop(0, nch, body, 0)


def _gather(idx_flat, table):
    nrows = idx_flat.shape[0]
    mesh = plsc.VectorSubcoreMesh(core_axis_name="c", subcore_axis_name="s")
    k = functools.partial(
        pl.kernel,
        mesh=mesh,
        out_type=jax.ShapeDtypeStruct((nrows, _C), jnp.float32),
        scratch_types=[
            pltpu.VMEM((_CH,), jnp.int32),
            pltpu.VMEM((_CH, _C), jnp.float32),
            pltpu.SemaphoreType.DMA,
        ],
        compiler_params=pltpu.CompilerParams(use_tc_tiling_on_sc=False),
    )(functools.partial(_gather_body, nrows))
    return k(idx_flat, table)


def _conv_body(xt_ref, g_ref, w2_ref, wc_ref, bb_ref, y_ref, ps_ref, pq_ref):
    xr = xt_ref[0]
    acc = lax.dot_general(
        xr, wc_ref[...], (((1,), (0,)), ((), ())),
        preferred_element_type=jnp.float32, precision=lax.Precision.DEFAULT,
    )
    acc = acc + lax.dot_general(
        g_ref[0], w2_ref[...], (((1,), (0,)), ((), ())),
        preferred_element_type=jnp.float32, precision=lax.Precision.DEFAULT,
    )
    acc = acc + bb_ref[...][None, :]
    i = pl.program_id(1)
    y_ref[0] = acc
    ps_ref[0, i, :] = jnp.sum(acc, axis=0)
    pq_ref[0, i, :] = jnp.sum(acc * acc, axis=0)


def _conv(xt3, g, w2, wc, bvec):
    nb = _N // _RC
    bsz = xt3.shape[0]
    return pl.pallas_call(
        _conv_body,
        grid=(bsz, nb),
        in_specs=[
            pl.BlockSpec((1, _RC, _C), lambda b, i: (b, i, 0)),
            pl.BlockSpec((1, _RC, _K * _C), lambda b, i: (b, i, 0)),
            pl.BlockSpec((_K * _C, _O), lambda b, i: (0, 0)),
            pl.BlockSpec((_C, _O), lambda b, i: (0, 0)),
            pl.BlockSpec((_O,), lambda b, i: (0,)),
        ],
        out_specs=[
            pl.BlockSpec((1, _RC, _O), lambda b, i: (b, i, 0)),
            pl.BlockSpec((1, _N // _RC, _O), lambda b, i: (b, 0, 0)),
            pl.BlockSpec((1, _N // _RC, _O), lambda b, i: (b, 0, 0)),
        ],
        out_shape=[
            jax.ShapeDtypeStruct((bsz, _N, _O), jnp.float32),
            jax.ShapeDtypeStruct((bsz, nb, _O), jnp.float32),
            jax.ShapeDtypeStruct((bsz, nb, _O), jnp.float32),
        ],
    )(xt3, g, w2, wc, bvec)


def _norm_body(y_ref, ps_ref, pq_ref, gamma_ref, beta_ref, o_ref):
    cnt = jnp.float32(_B * _N)
    mean = jnp.sum(ps_ref[...], axis=(0, 1)) / cnt
    msq = jnp.sum(pq_ref[...], axis=(0, 1)) / cnt
    var = msq - mean * mean
    scale = gamma_ref[...] * lax.rsqrt(var + 1e-5)
    shift = beta_ref[...] - mean * scale
    z = y_ref[0] * scale[None, :] + shift[None, :]
    o_ref[0] = jnp.where(z >= 0.0, z, 0.2 * z)


def _norm(y, ps, pq, gamma, beta):
    nb = _N // _RC
    return pl.pallas_call(
        _norm_body,
        grid=(_B, nb),
        in_specs=[
            pl.BlockSpec((1, _RC, _O), lambda b, i: (b, i, 0)),
            pl.BlockSpec((_B, nb, _O), lambda b, i: (0, 0, 0)),
            pl.BlockSpec((_B, nb, _O), lambda b, i: (0, 0, 0)),
            pl.BlockSpec((_O,), lambda b, i: (0,)),
            pl.BlockSpec((_O,), lambda b, i: (0,)),
        ],
        out_specs=pl.BlockSpec((1, _RC, _O), lambda b, i: (b, i, 0)),
        out_shape=jax.ShapeDtypeStruct((_B, _N, _O), jnp.float32),
    )(y, ps, pq, gamma, beta)


def kernel(x, W, b, gamma, beta):
    xt = jnp.transpose(x, (0, 2, 1))
    w = W[:, :, 0, :]
    w1 = w[:, :_C, :]
    w2 = w[:, _C:, :]
    wc = jnp.transpose(jnp.sum(w1 - w2, axis=2))
    w2k = jnp.transpose(w2, (2, 1, 0)).reshape(_K * _C, _O)

    ys, pss, pqs = [], [], []
    for bi in range(_B):
        xtb = lax.slice_in_dim(xt, bi, bi + 1, axis=0)
        idx = _knn(lax.slice_in_dim(x, bi, bi + 1, axis=0), xtb)
        g = _gather(idx.reshape(-1), xtb.reshape(_N, _C))
        y, ps, pq = _conv(xtb, g.reshape(1, _N, _K * _C), w2k, wc, b)
        ys.append(y)
        pss.append(ps)
        pqs.append(pq)
    y = jnp.concatenate(ys, axis=0)
    ps = jnp.concatenate(pss, axis=0)
    pq = jnp.concatenate(pqs, axis=0)
    out = _norm(y, ps, pq, gamma, beta)
    return jnp.transpose(out, (0, 2, 1))

# --- scband reference (transcript-rebuilt; emitter-appended) ---
"""Pipeline reference for scband-edge-conv-85779086836263 (READ-ONLY COPY).

The authoritative reference and input builder live on the scoring server;
editing this copy changes nothing except your own understanding.
"""

import jax, jax.numpy as jnp
import numpy as np

B, C, N, K, O = 8, 64, 2048, 16, 64


def setup_inputs(seed: int = 0) -> dict:
    key = jax.random.key(seed)
    k1, k2, k3 = jax.random.split(key, 3)
    x = jax.random.normal(k1, (B, C, N), dtype=jnp.float32)
    fan_in = 2 * C * 1 * K
    bound = 1.0 / np.sqrt(fan_in)
    W = jax.random.uniform(k2, (O, 2 * C, 1, K), minval=-bound, maxval=bound, dtype=jnp.float32)
    b = jax.random.uniform(k3, (O,), minval=-bound, maxval=bound, dtype=jnp.float32)
    gamma = jnp.ones((O,), dtype=jnp.float32)
    beta = jnp.zeros((O,), dtype=jnp.float32)
    return {"x": x, "W": W, "b": b, "gamma": gamma, "beta": beta}


def _edge_features(x, k):
    # x: [B, C, N] -> edge features [B, 2C, N, k] (DGCNN style: [x_i, x_j - x_i])
    Bb, Cc, Nn = x.shape
    xt = jnp.transpose(x, (0, 2, 1))  # [B, N, C]
    inner = jnp.einsum('bnc,bmc->bnm', xt, xt)
    sq = jnp.sum(xt * xt, axis=2)
    dist = sq[:, :, None] + sq[:, None, :] - 2.0 * inner  # [B, N, N]
    _, idx = jax.lax.top_k(-dist, k + 1)  # nearest first (includes self)
    idx = idx[:, :, 1:]  # drop self -> [B, N, k]
    batch_idx = jnp.arange(Bb)[:, None, None]
    nbrs = xt[batch_idx, idx]  # gather neighbors [B, N, k, C]
    central = jnp.broadcast_to(xt[:, :, None, :], (Bb, Nn, k, Cc))
    ee = jnp.concatenate([central, nbrs - central], axis=-1)  # [B, N, k, 2C]
    return jnp.transpose(ee, (0, 3, 1, 2))  # [B, 2C, N, k]


def reference(x, W, b, gamma, beta):
    ee = _edge_features(x, K)  # [B, 2C, N, K]
    # Conv2d(2C, O, kernel=[1,K]) -> output [B, O, N, 1]
    y = jnp.einsum('bcnk,ock->bon', ee, W[:, :, 0, :]) + b[None, :, None]
    y = y[..., None]  # [B, O, N, 1]
    # BatchNorm2d (training-mode batch statistics, eps=1e-5)
    mean = jnp.mean(y, axis=(0, 2, 3), keepdims=True)
    var = jnp.var(y, axis=(0, 2, 3), keepdims=True)
    yn = (y - mean) / jnp.sqrt(var + 1e-5)
    yn = yn * gamma[None, :, None, None] + beta[None, :, None, None]
    # LeakyReLU(0.2)
    out = jnp.where(yn >= 0, yn, 0.2 * yn)
    return out[:, :, :, 0]  # squeeze(3) -> [B, O, N]

if __name__ == "__main__":
    import jax
    _d = setup_inputs()
    print(jax.jit(kernel)(*tuple(_d.values())))

</pallas_src>

<mosaic_0001>
#map = affine_map<(d0, d1) -> (0)>
#map1 = affine_map<(d0, d1) -> (0, 0)>
module attributes {stable_mosaic.version = 14 : i64} {
  func.func @_gather_body(%arg0: i32, %arg1: i32, %arg2: memref<32768xi32, #tpu.memory_space<hbm>>, %arg3: memref<2048x64xf32, #tpu.memory_space<hbm>>, %arg4: memref<32768x64xf32, #tpu.memory_space<hbm>>, %arg5: memref<128xi32, #tpu.memory_space<vmem>>, %arg6: memref<128x64xf32, #tpu.memory_space<vmem>>, %arg7: memref<!tpu.dma_semaphore, #tpu.memory_space<semaphore_mem>>) attributes {dimension_semantics = [#tpu.dimension_semantics<core_parallel>, #tpu.dimension_semantics<subcore_parallel>], iteration_bounds = array<i64: 2, 16>, scalar_prefetch = 0 : i64, scratch_operands = 3 : i64, tpu.core_type = #tpu.core_type<sc_vector_subcore>, window_params = [{transform_indices = #map}, {transform_indices = #map1}, {transform_indices = #map1}]} {
    %mul3A = arith.constant 2 : i32
    %mul3A_0 = arith.muli %arg1, %mul3A : i32
    %add3A = arith.addi %mul3A_0, %arg0 : i32
    %mul3A_1 = arith.constant 1024 : i32
    %mul3A_2 = arith.muli %add3A, %mul3A_1 : i32
    %scan3A = arith.constant 0 : i32
    %scan3A_3 = arith.constant 0 : i32
    %scan3A_4 = arith.constant 8 : i32
    %scan3A_5 = arith.addi %scan3A_3, %scan3A_4 : i32
    %scan3A_6 = arith.constant 1 : i32
    scf.for %scan3A_8 = %scan3A_3 to %scan3A_5 step %scan3A_6  : i32 {
      %mul3A_9 = arith.constant 128 : i32
      %mul3A_10 = arith.muli %scan3A_8, %mul3A_9 : i32
      %add3A_11 = arith.addi %mul3A_2, %mul3A_10 : i32
      "tpu.region"() ({
        %run_scoped3A = tpu.sem_alloc : memref<!tpu.dma_semaphore, #tpu.memory_space<semaphore_mem>>
        %dma_start3A_16 = tpu.memref_slice %arg2[%add3A_11] : memref<32768xi32, #tpu.memory_space<hbm>> -> memref<128xi32, #tpu.memory_space<hbm>>
        %dma_start3A_17 = tpu.memref_slice %arg2[%add3A_11] : memref<32768xi32, #tpu.memory_space<hbm>> -> memref<128xi32, #tpu.memory_space<hbm>>
        tpu.enqueue_dma source(%dma_start3A_17 : memref<128xi32, #tpu.memory_space<hbm>>) target(%arg5 : memref<128xi32, #tpu.memory_space<vmem>>) target_semaphore(%run_scoped3A : memref<!tpu.dma_semaphore, #tpu.memory_space<semaphore_mem>>)
        %dma_wait3A_18 = tpu.memref_slice %arg2[%add3A_11] : memref<32768xi32, #tpu.memory_space<hbm>> -> memref<128xi32, #tpu.memory_space<hbm>>
        %dma_wait3A_19 = tpu.memref_slice %arg2[%add3A_11] : memref<32768xi32, #tpu.memory_space<hbm>> -> memref<128xi32, #tpu.memory_space<hbm>>
        tpu.wait_dma2 semaphore(%run_scoped3A : memref<!tpu.dma_semaphore, #tpu.memory_space<semaphore_mem>>) src(%dma_wait3A_19 : memref<128xi32, #tpu.memory_space<hbm>>) dst(%arg5 : memref<128xi32, #tpu.memory_space<vmem>>)
        tpu.yield
      }) : () -> ()
      %dma_start3A = arith.constant 0 : i32
      %dma_start3A_12 = arith.constant 0 : i32
      %dma_start3A_13 = tpu.memref_slice %arg3[%dma_start3A, %dma_start3A_12] : memref<2048x64xf32, #tpu.memory_space<hbm>> -> memref<2048x64xf32, #tpu.memory_space<hbm>>
      tpu.enqueue_indirect_dma source(%dma_start3A_13 : memref<2048x64xf32, #tpu.memory_space<hbm>>) target(%arg6 : memref<128x64xf32, #tpu.memory_space<vmem>>) offsets(%arg5 : memref<128xi32, #tpu.memory_space<vmem>>) semaphore(%arg7 : memref<!tpu.dma_semaphore, #tpu.memory_space<semaphore_mem>>)
      %dma_wait3A = arith.constant 0 : i32
      %dma_wait3A_14 = arith.constant 0 : i32
      %dma_wait3A_15 = tpu.memref_slice %arg3[%dma_wait3A, %dma_wait3A_14] : memref<2048x64xf32, #tpu.memory_space<hbm>> -> memref<2048x64xf32, #tpu.memory_space<hbm>>
      tpu.wait_indirect_dma semaphore(%arg7 : memref<!tpu.dma_semaphore, #tpu.memory_space<semaphore_mem>>) src(%dma_wait3A_15 : memref<2048x64xf32, #tpu.memory_space<hbm>>) dst(%arg6 : memref<128x64xf32, #tpu.memory_space<vmem>>)
      "tpu.region"() ({
        %run_scoped3A = tpu.sem_alloc : memref<!tpu.dma_semaphore, #tpu.memory_space<semaphore_mem>>
        %dma_start3A_16 = arith.constant 0 : i32
        %dma_start3A_17 = tpu.memref_slice %arg4[%add3A_11, %dma_start3A_16] : memref<32768x64xf32, #tpu.memory_space<hbm>> -> memref<128x64xf32, #tpu.memory_space<hbm>>
        %dma_start3A_18 = arith.constant 0 : i32
        %dma_start3A_19 = tpu.memref_slice %arg4[%add3A_11, %dma_start3A_18] : memref<32768x64xf32, #tpu.memory_space<hbm>> -> memref<128x64xf32, #tpu.memory_space<hbm>>
        tpu.enqueue_dma source(%arg6 : memref<128x64xf32, #tpu.memory_space<vmem>>) target(%dma_start3A_19 : memref<128x64xf32, #tpu.memory_space<hbm>>) target_semaphore(%run_scoped3A : memref<!tpu.dma_semaphore, #tpu.memory_space<semaphore_mem>>)
        %dma_wait3A_20 = arith.constant 0 : i32
        %dma_wait3A_21 = tpu.memref_slice %arg4[%add3A_11, %dma_wait3A_20] : memref<32768x64xf32, #tpu.memory_space<hbm>> -> memref<128x64xf32, #tpu.memory_space<hbm>>
        %dma_wait3A_22 = arith.constant 0 : i32
        %dma_wait3A_23 = tpu.memref_slice %arg4[%add3A_11, %dma_wait3A_22] : memref<32768x64xf32, #tpu.memory_space<hbm>> -> memref<128x64xf32, #tpu.memory_space<hbm>>
        tpu.wait_dma2 semaphore(%run_scoped3A : memref<!tpu.dma_semaphore, #tpu.memory_space<semaphore_mem>>) src(%arg6 : memref<128x64xf32, #tpu.memory_space<vmem>>) dst(%dma_wait3A_23 : memref<128x64xf32, #tpu.memory_space<hbm>>)
        tpu.yield
      }) : () -> ()
    }
    %scan3A_7 = arith.constant 8 : i32
    return
  }
}

#map = affine_map<(d0, d1) -> (0)>
#map1 = affine_map<(d0, d1) -> (0, 0)>
module attributes {stable_mosaic.version = 14 : i64} {
  func.func @_gather_body(%arg0: i32, %arg1: i32, %arg2: memref<32768xi32, #tpu.memory_space<hbm>>, %arg3: memref<2048x64xf32, #tpu.memory_space<hbm>>, %arg4: memref<32768x64xf32, #tpu.memory_space<hbm>>, %arg5: memref<128xi32, #tpu.memory_space<vmem>>, %arg6: memref<128x64xf32, #tpu.memory_space<vmem>>, %arg7: memref<!tpu.dma_semaphore, #tpu.memory_space<semaphore_mem>>) attributes {dimension_semantics = [#tpu.dimension_semantics<core_parallel>, #tpu.dimension_semantics<subcore_parallel>], iteration_bounds = array<i64: 2, 16>, scalar_prefetch = 0 : i64, scratch_operands = 3 : i64, tpu.core_type = #tpu.core_type<sc_vector_subcore>, window_params = [{transform_indices = #map}, {transform_indices = #map1}, {transform_indices = #map1}]} {
    %mul3A = arith.constant 2 : i32
    %mul3A_0 = arith.muli %arg1, %mul3A : i32
    %add3A = arith.addi %mul3A_0, %arg0 : i32
    %mul3A_1 = arith.constant 1024 : i32
    %mul3A_2 = arith.muli %add3A, %mul3A_1 : i32
    %scan3A = arith.constant 0 : i32
    %scan3A_3 = arith.constant 0 : i32
    %scan3A_4 = arith.constant 8 : i32
    %scan3A_5 = arith.addi %scan3A_3, %scan3A_4 : i32
    %scan3A_6 = arith.constant 1 : i32
    scf.for %scan3A_8 = %scan3A_3 to %scan3A_5 step %scan3A_6  : i32 {
      %mul3A_9 = arith.constant 128 : i32
      %mul3A_10 = arith.muli %scan3A_8, %mul3A_9 : i32
      %add3A_11 = arith.addi %mul3A_2, %mul3A_10 : i32
      "tpu.region"() ({
        %run_scoped3A = tpu.sem_alloc : memref<!tpu.dma_semaphore, #tpu.memory_space<semaphore_mem>>
        %dma_start3A_16 = tpu.memref_slice %arg2[%add3A_11] : memref<32768xi32, #tpu.memory_space<hbm>> -> memref<128xi32, #tpu.memory_space<hbm>>
        %dma_start3A_17 = tpu.memref_slice %arg2[%add3A_11] : memref<32768xi32, #tpu.memory_space<hbm>> -> memref<128xi32, #tpu.memory_space<hbm>>
        tpu.enqueue_dma source(%dma_start3A_17 : memref<128xi32, #tpu.memory_space<hbm>>) target(%arg5 : memref<128xi32, #tpu.memory_space<vmem>>) target_semaphore(%run_scoped3A : memref<!tpu.dma_semaphore, #tpu.memory_space<semaphore_mem>>)
        %dma_wait3A_18 = tpu.memref_slice %arg2[%add3A_11] : memref<32768xi32, #tpu.memory_space<hbm>> -> memref<128xi32, #tpu.memory_space<hbm>>
        %dma_wait3A_19 = tpu.memref_slice %arg2[%add3A_11] : memref<32768xi32, #tpu.memory_space<hbm>> -> memref<128xi32, #tpu.memory_space<hbm>>
        tpu.wait_dma2 semaphore(%run_scoped3A : memref<!tpu.dma_semaphore, #tpu.memory_space<semaphore_mem>>) src(%dma_wait3A_19 : memref<128xi32, #tpu.memory_space<hbm>>) dst(%arg5 : memref<128xi32, #tpu.memory_space<vmem>>)
        tpu.yield
      }) : () -> ()
      %dma_start3A = arith.constant 0 : i32
      %dma_start3A_12 = arith.constant 0 : i32
      %dma_start3A_13 = tpu.memref_slice %arg3[%dma_start3A, %dma_start3A_12] : memref<2048x64xf32, #tpu.memory_space<hbm>> -> memref<2048x64xf32, #tpu.memory_space<hbm>>
      tpu.enqueue_indirect_dma source(%dma_start3A_13 : memref<2048x64xf32, #tpu.memory_space<hbm>>) target(%arg6 : memref<128x64xf32, #tpu.memory_space<vmem>>) offsets(%arg5 : memref<128xi32, #tpu.memory_space<vmem>>) semaphore(%arg7 : memref<!tpu.dma_semaphore, #tpu.memory_space<semaphore_mem>>)
      %dma_wait3A = arith.constant 0 : i32
      %dma_wait3A_14 = arith.constant 0 : i32
      %dma_wait3A_15 = tpu.memref_slice %arg3[%dma_wait3A, %dma_wait3A_14] : memref<2048x64xf32, #tpu.memory_space<hbm>> -> memref<2048x64xf32, #tpu.memory_space<hbm>>
      tpu.wait_indirect_dma semaphore(%arg7 : memref<!tpu.dma_semaphore, #tpu.memory_space<semaphore_mem>>) src(%dma_wait3A_15 : memref<2048x64xf32, #tpu.memory_space<hbm>>) dst(%arg6 : memref<128x64xf32, #tpu.memory_space<vmem>>)
      "tpu.region"() ({
        %run_scoped3A = tpu.sem_alloc : memref<!tpu.dma_semaphore, #tpu.memory_space<semaphore_mem>>
        %dma_start3A_16 = arith.constant 0 : i32
        %dma_start3A_17 = tpu.memref_slice %arg4[%add3A_11, %dma_start3A_16] : memref<32768x64xf32, #tpu.memory_space<hbm>> -> memref<128x64xf32, #tpu.memory_space<hbm>>
        %dma_start3A_18 = arith.constant 0 : i32
        %dma_start3A_19 = tpu.memref_slice %arg4[%add3A_11, %dma_start3A_18] : memref<32768x64xf32, #tpu.memory_space<hbm>> -> memref<128x64xf32, #tpu.memory_space<hbm>>
        tpu.enqueue_dma source(%arg6 : memref<128x64xf32, #tpu.memory_space<vmem>>) target(%dma_start3A_19 : memref<128x64xf32, #tpu.memory_space<hbm>>) target_semaphore(%run_scoped3A : memref<!tpu.dma_semaphore, #tpu.memory_space<semaphore_mem>>)
        %dma_wait3A_20 = arith.constant 0 : i32
        %dma_wait3A_21 = tpu.memref_slice %arg4[%add3A_11, %dma_wait3A_20] : memref<32768x64xf32, #tpu.memory_space<hbm>> -> memref<128x64xf32, #tpu.memory_space<hbm>>
        %dma_wait3A_22 = arith.constant 0 : i32
        %dma_wait3A_23 = tpu.memref_slice %arg4[%add3A_11, %dma_wait3A_22] : memref<32768x64xf32, #tpu.memory_space<hbm>> -> memref<128x64xf32, #tpu.memory_space<hbm>>
        tpu.wait_dma2 semaphore(%run_scoped3A : memref<!tpu.dma_semaphore, #tpu.memory_space<semaphore_mem>>) src(%arg6 : memref<128x64xf32, #tpu.memory_space<vmem>>) dst(%dma_wait3A_23 : memref<128x64xf32, #tpu.memory_space<hbm>>)
        tpu.yield
      }) : () -> ()
    }
    %scan3A_7 = arith.constant 8 : i32
    return
  }
}

#map = affine_map<(d0, d1) -> (0)>
#map1 = affine_map<(d0, d1) -> (0, 0)>
module attributes {stable_mosaic.version = 14 : i64} {
  func.func @_gather_body(%arg0: i32, %arg1: i32, %arg2: memref<32768xi32, #tpu.memory_space<hbm>>, %arg3: memref<2048x64xf32, #tpu.memory_space<hbm>>, %arg4: memref<32768x64xf32, #tpu.memory_space<hbm>>, %arg5: memref<128xi32, #tpu.memory_space<vmem>>, %arg6: memref<128x64xf32, #tpu.memory_space<vmem>>, %arg7: memref<!tpu.dma_semaphore, #tpu.memory_space<semaphore_mem>>) attributes {dimension_semantics = [#tpu.dimension_semantics<core_parallel>, #tpu.dimension_semantics<subcore_parallel>], iteration_bounds = array<i64: 2, 16>, scalar_prefetch = 0 : i64, scratch_operands = 3 : i64, tpu.core_type = #tpu.core_type<sc_vector_subcore>, window_params = [{transform_indices = #map}, {transform_indices = #map1}, {transform_indices = #map1}]} {
    %mul3A = arith.constant 2 : i32
    %mul3A_0 = arith.muli %arg1, %mul3A : i32
    %add3A = arith.addi %mul3A_0, %arg0 : i32
    %mul3A_1 = arith.constant 1024 : i32
    %mul3A_2 = arith.muli %add3A, %mul3A_1 : i32
    %scan3A = arith.constant 0 : i32
    %scan3A_3 = arith.constant 0 : i32
    %scan3A_4 = arith.constant 8 : i32
    %scan3A_5 = arith.addi %scan3A_3, %scan3A_4 : i32
    %scan3A_6 = arith.constant 1 : i32
    scf.for %scan3A_8 = %scan3A_3 to %scan3A_5 step %scan3A_6  : i32 {
      %mul3A_9 = arith.constant 128 : i32
      %mul3A_10 = arith.muli %scan3A_8, %mul3A_9 : i32
      %add3A_11 = arith.addi %mul3A_2, %mul3A_10 : i32
      "tpu.region"() ({
        %run_scoped3A = tpu.sem_alloc : memref<!tpu.dma_semaphore, #tpu.memory_space<semaphore_mem>>
        %dma_start3A_16 = tpu.memref_slice %arg2[%add3A_11] : memref<32768xi32, #tpu.memory_space<hbm>> -> memref<128xi32, #tpu.memory_space<hbm>>
        %dma_start3A_17 = tpu.memref_slice %arg2[%add3A_11] : memref<32768xi32, #tpu.memory_space<hbm>> -> memref<128xi32, #tpu.memory_space<hbm>>
        tpu.enqueue_dma source(%dma_start3A_17 : memref<128xi32, #tpu.memory_space<hbm>>) target(%arg5 : memref<128xi32, #tpu.memory_space<vmem>>) target_semaphore(%run_scoped3A : memref<!tpu.dma_semaphore, #tpu.memory_space<semaphore_mem>>)
        %dma_wait3A_18 = tpu.memref_slice %arg2[%add3A_11] : memref<32768xi32, #tpu.memory_space<hbm>> -> memref<128xi32, #tpu.memory_space<hbm>>
        %dma_wait3A_19 = tpu.memref_slice %arg2[%add3A_11] : memref<32768xi32, #tpu.memory_space<hbm>> -> memref<128xi32, #tpu.memory_space<hbm>>
        tpu.wait_dma2 semaphore(%run_scoped3A : memref<!tpu.dma_semaphore, #tpu.memory_space<semaphore_mem>>) src(%dma_wait3A_19 : memref<128xi32, #tpu.memory_space<hbm>>) dst(%arg5 : memref<128xi32, #tpu.memory_space<vmem>>)
        tpu.yield
      }) : () -> ()
      %dma_start3A = arith.constant 0 : i32
      %dma_start3A_12 = arith.constant 0 : i32
      %dma_start3A_13 = tpu.memref_slice %arg3[%dma_start3A, %dma_start3A_12] : memref<2048x64xf32, #tpu.memory_space<hbm>> -> memref<2048x64xf32, #tpu.memory_space<hbm>>
      tpu.enqueue_indirect_dma source(%dma_start3A_13 : memref<2048x64xf32, #tpu.memory_space<hbm>>) target(%arg6 : memref<128x64xf32, #tpu.memory_space<vmem>>) offsets(%arg5 : memref<128xi32, #tpu.memory_space<vmem>>) semaphore(%arg7 : memref<!tpu.dma_semaphore, #tpu.memory_space<semaphore_mem>>)
      %dma_wait3A = arith.constant 0 : i32
      %dma_wait3A_14 = arith.constant 0 : i32
      %dma_wait3A_15 = tpu.memref_slice %arg3[%dma_wait3A, %dma_wait3A_14] : memref<2048x64xf32, #tpu.memory_space<hbm>> -> memref<2048x64xf32, #tpu.memory_space<hbm>>
      tpu.wait_indirect_dma semaphore(%arg7 : memref<!tpu.dma_semaphore, #tpu.memory_space<semaphore_mem>>) src(%dma_wait3A_15 : memref<2048x64xf32, #tpu.memory_space<hbm>>) dst(%arg6 : memref<128x64xf32, #tpu.memory_space<vmem>>)
      "tpu.region"() ({
        %run_scoped3A = tpu.sem_alloc : memref<!tpu.dma_semaphore, #tpu.memory_space<semaphore_mem>>
        %dma_start3A_16 = arith.constant 0 : i32
        %dma_start3A_17 = tpu.memref_slice %arg4[%add3A_11, %dma_start3A_16] : memref<32768x64xf32, #tpu.memory_space<hbm>> -> memref<128x64xf32, #tpu.memory_space<hbm>>
        %dma_start3A_18 = arith.constant 0 : i32
        %dma_start3A_19 = tpu.memref_slice %arg4[%add3A_11, %dma_start3A_18] : memref<32768x64xf32, #tpu.memory_space<hbm>> -> memref<128x64xf32, #tpu.memory_space<hbm>>
        tpu.enqueue_dma source(%arg6 : memref<128x64xf32, #tpu.memory_space<vmem>>) target(%dma_start3A_19 : memref<128x64xf32, #tpu.memory_space<hbm>>) target_semaphore(%run_scoped3A : memref<!tpu.dma_semaphore, #tpu.memory_space<semaphore_mem>>)
        %dma_wait3A_20 = arith.constant 0 : i32
        %dma_wait3A_21 = tpu.memref_slice %arg4[%add3A_11, %dma_wait3A_20] : memref<32768x64xf32, #tpu.memory_space<hbm>> -> memref<128x64xf32, #tpu.memory_space<hbm>>
        %dma_wait3A_22 = arith.constant 0 : i32
        %dma_wait3A_23 = tpu.memref_slice %arg4[%add3A_11, %dma_wait3A_22] : memref<32768x64xf32, #tpu.memory_space<hbm>> -> memref<128x64xf32, #tpu.memory_space<hbm>>
        tpu.wait_dma2 semaphore(%run_scoped3A : memref<!tpu.dma_semaphore, #tpu.memory_space<semaphore_mem>>) src(%arg6 : memref<128x64xf32, #tpu.memory_space<vmem>>) dst(%dma_wait3A_23 : memref<128x64xf32, #tpu.memory_space<hbm>>)
        tpu.yield
      }) : () -> ()
    }
    %scan3A_7 = arith.constant 8 : i32
    return
  }
}

#map = affine_map<(d0, d1) -> (0)>
#map1 = affine_map<(d0, d1) -> (0, 0)>
module attributes {stable_mosaic.version = 14 : i64} {
  func.func @_gather_body(%arg0: i32, %arg1: i32, %arg2: memref<32768xi32, #tpu.memory_space<hbm>>, %arg3: memref<2048x64xf32, #tpu.memory_space<hbm>>, %arg4: memref<32768x64xf32, #tpu.memory_space<hbm>>, %arg5: memref<128xi32, #tpu.memory_space<vmem>>, %arg6: memref<128x64xf32, #tpu.memory_space<vmem>>, %arg7: memref<!tpu.dma_semaphore, #tpu.memory_space<semaphore_mem>>) attributes {dimension_semantics = [#tpu.dimension_semantics<core_parallel>, #tpu.dimension_semantics<subcore_parallel>], iteration_bounds = array<i64: 2, 16>, scalar_prefetch = 0 : i64, scratch_operands = 3 : i64, tpu.core_type = #tpu.core_type<sc_vector_subcore>, window_params = [{transform_indices = #map}, {transform_indices = #map1}, {transform_indices = #map1}]} {
    %mul3A = arith.constant 2 : i32
    %mul3A_0 = arith.muli %arg1, %mul3A : i32
    %add3A = arith.addi %mul3A_0, %arg0 : i32
    %mul3A_1 = arith.constant 1024 : i32
    %mul3A_2 = arith.muli %add3A, %mul3A_1 : i32
    %scan3A = arith.constant 0 : i32
    %scan3A_3 = arith.constant 0 : i32
    %scan3A_4 = arith.constant 8 : i32
    %scan3A_5 = arith.addi %scan3A_3, %scan3A_4 : i32
    %scan3A_6 = arith.constant 1 : i32
    scf.for %scan3A_8 = %scan3A_3 to %scan3A_5 step %scan3A_6  : i32 {
      %mul3A_9 = arith.constant 128 : i32
      %mul3A_10 = arith.muli %scan3A_8, %mul3A_9 : i32
      %add3A_11 = arith.addi %mul3A_2, %mul3A_10 : i32
      "tpu.region"() ({
        %run_scoped3A = tpu.sem_alloc : memref<!tpu.dma_semaphore, #tpu.memory_space<semaphore_mem>>
        %dma_start3A_16 = tpu.memref_slice %arg2[%add3A_11] : memref<32768xi32, #tpu.memory_space<hbm>> -> memref<128xi32, #tpu.memory_space<hbm>>
        %dma_start3A_17 = tpu.memref_slice %arg2[%add3A_11] : memref<32768xi32, #tpu.memory_space<hbm>> -> memref<128xi32, #tpu.memory_space<hbm>>
        tpu.enqueue_dma source(%dma_start3A_17 : memref<128xi32, #tpu.memory_space<hbm>>) target(%arg5 : memref<128xi32, #tpu.memory_space<vmem>>) target_semaphore(%run_scoped3A : memref<!tpu.dma_semaphore, #tpu.memory_space<semaphore_mem>>)
        %dma_wait3A_18 = tpu.memref_slice %arg2[%add3A_11] : memref<32768xi32, #tpu.memory_space<hbm>> -> memref<128xi32, #tpu.memory_space<hbm>>
        %dma_wait3A_19 = tpu.memref_slice %arg2[%add3A_11] : memref<32768xi32, #tpu.memory_space<hbm>> -> memref<128xi32, #tpu.memory_space<hbm>>
        tpu.wait_dma2 semaphore(%run_scoped3A : memref<!tpu.dma_semaphore, #tpu.memory_space<semaphore_mem>>) src(%dma_wait3A_19 : memref<128xi32, #tpu.memory_space<hbm>>) dst(%arg5 : memref<128xi32, #tpu.memory_space<vmem>>)
        tpu.yield
      }) : () -> ()
      %dma_start3A = arith.constant 0 : i32
      %dma_start3A_12 = arith.constant 0 : i32
      %dma_start3A_13 = tpu.memref_slice %arg3[%dma_start3A, %dma_start3A_12] : memref<2048x64xf32, #tpu.memory_space<hbm>> -> memref<2048x64xf32, #tpu.memory_space<hbm>>
      tpu.enqueue_indirect_dma source(%dma_start3A_13 : memref<2048x64xf32, #tpu.memory_space<hbm>>) target(%arg6 : memref<128x64xf32, #tpu.memory_space<vmem>>) offsets(%arg5 : memref<128xi32, #tpu.memory_space<vmem>>) semaphore(%arg7 : memref<!tpu.dma_semaphore, #tpu.memory_space<semaphore_mem>>)
      %dma_wait3A = arith.constant 0 : i32
      %dma_wait3A_14 = arith.constant 0 : i32
      %dma_wait3A_15 = tpu.memref_slice %arg3[%dma_wait3A, %dma_wait3A_14] : memref<2048x64xf32, #tpu.memory_space<hbm>> -> memref<2048x64xf32, #tpu.memory_space<hbm>>
      tpu.wait_indirect_dma semaphore(%arg7 : memref<!tpu.dma_semaphore, #tpu.memory_space<semaphore_mem>>) src(%dma_wait3A_15 : memref<2048x64xf32, #tpu.memory_space<hbm>>) dst(%arg6 : memref<128x64xf32, #tpu.memory_space<vmem>>)
      "tpu.region"() ({
        %run_scoped3A = tpu.sem_alloc : memref<!tpu.dma_semaphore, #tpu.memory_space<semaphore_mem>>
        %dma_start3A_16 = arith.constant 0 : i32
        %dma_start3A_17 = tpu.memref_slice %arg4[%add3A_11, %dma_start3A_16] : memref<32768x64xf32, #tpu.memory_space<hbm>> -> memref<128x64xf32, #tpu.memory_space<hbm>>
        %dma_start3A_18 = arith.constant 0 : i32
        %dma_start3A_19 = tpu.memref_slice %arg4[%add3A_11, %dma_start3A_18] : memref<32768x64xf32, #tpu.memory_space<hbm>> -> memref<128x64xf32, #tpu.memory_space<hbm>>
        tpu.enqueue_dma source(%arg6 : memref<128x64xf32, #tpu.memory_space<vmem>>) target(%dma_start3A_19 : memref<128x64xf32, #tpu.memory_space<hbm>>) target_semaphore(%run_scoped3A : memref<!tpu.dma_semaphore, #tpu.memory_space<semaphore_mem>>)
        %dma_wait3A_20 = arith.constant 0 : i32
        %dma_wait3A_21 = tpu.memref_slice %arg4[%add3A_11, %dma_wait3A_20] : memref<32768x64xf32, #tpu.memory_space<hbm>> -> memref<128x64xf32, #tpu.memory_space<hbm>>
        %dma_wait3A_22 = arith.constant 0 : i32
        %dma_wait3A_23 = tpu.memref_slice %arg4[%add3A_11, %dma_wait3A_22] : memref<32768x64xf32, #tpu.memory_space<hbm>> -> memref<128x64xf32, #tpu.memory_space<hbm>>
        tpu.wait_dma2 semaphore(%run_scoped3A : memref<!tpu.dma_semaphore, #tpu.memory_space<semaphore_mem>>) src(%arg6 : memref<128x64xf32, #tpu.memory_space<vmem>>) dst(%dma_wait3A_23 : memref<128x64xf32, #tpu.memory_space<hbm>>)
        tpu.yield
      }) : () -> ()
    }
    %scan3A_7 = arith.constant 8 : i32
    return
  }
}

#map = affine_map<(d0, d1) -> (0)>
#map1 = affine_map<(d0, d1) -> (0, 0)>
module attributes {stable_mosaic.version = 14 : i64} {
  func.func @_gather_body(%arg0: i32, %arg1: i32, %arg2: memref<32768xi32, #tpu.memory_space<hbm>>, %arg3: memref<2048x64xf32, #tpu.memory_space<hbm>>, %arg4: memref<32768x64xf32, #tpu.memory_space<hbm>>, %arg5: memref<128xi32, #tpu.memory_space<vmem>>, %arg6: memref<128x64xf32, #tpu.memory_space<vmem>>, %arg7: memref<!tpu.dma_semaphore, #tpu.memory_space<semaphore_mem>>) attributes {dimension_semantics = [#tpu.dimension_semantics<core_parallel>, #tpu.dimension_semantics<subcore_parallel>], iteration_bounds = array<i64: 2, 16>, scalar_prefetch = 0 : i64, scratch_operands = 3 : i64, tpu.core_type = #tpu.core_type<sc_vector_subcore>, window_params = [{transform_indices = #map}, {transform_indices = #map1}, {transform_indices = #map1}]} {
    %mul3A = arith.constant 2 : i32
    %mul3A_0 = arith.muli %arg1, %mul3A : i32
    %add3A = arith.addi %mul3A_0, %arg0 : i32
    %mul3A_1 = arith.constant 1024 : i32
    %mul3A_2 = arith.muli %add3A, %mul3A_1 : i32
    %scan3A = arith.constant 0 : i32
    %scan3A_3 = arith.constant 0 : i32
    %scan3A_4 = arith.constant 8 : i32
    %scan3A_5 = arith.addi %scan3A_3, %scan3A_4 : i32
    %scan3A_6 = arith.constant 1 : i32
    scf.for %scan3A_8 = %scan3A_3 to %scan3A_5 step %scan3A_6  : i32 {
      %mul3A_9 = arith.constant 128 : i32
      %mul3A_10 = arith.muli %scan3A_8, %mul3A_9 : i32
      %add3A_11 = arith.addi %mul3A_2, %mul3A_10 : i32
      "tpu.region"() ({
        %run_scoped3A = tpu.sem_alloc : memref<!tpu.dma_semaphore, #tpu.memory_space<semaphore_mem>>
        %dma_start3A_16 = tpu.memref_slice %arg2[%add3A_11] : memref<32768xi32, #tpu.memory_space<hbm>> -> memref<128xi32, #tpu.memory_space<hbm>>
        %dma_start3A_17 = tpu.memref_slice %arg2[%add3A_11] : memref<32768xi32, #tpu.memory_space<hbm>> -> memref<128xi32, #tpu.memory_space<hbm>>
        tpu.enqueue_dma source(%dma_start3A_17 : memref<128xi32, #tpu.memory_space<hbm>>) target(%arg5 : memref<128xi32, #tpu.memory_space<vmem>>) target_semaphore(%run_scoped3A : memref<!tpu.dma_semaphore, #tpu.memory_space<semaphore_mem>>)
        %dma_wait3A_18 = tpu.memref_slice %arg2[%add3A_11] : memref<32768xi32, #tpu.memory_space<hbm>> -> memref<128xi32, #tpu.memory_space<hbm>>
        %dma_wait3A_19 = tpu.memref_slice %arg2[%add3A_11] : memref<32768xi32, #tpu.memory_space<hbm>> -> memref<128xi32, #tpu.memory_space<hbm>>
        tpu.wait_dma2 semaphore(%run_scoped3A : memref<!tpu.dma_semaphore, #tpu.memory_space<semaphore_mem>>) src(%dma_wait3A_19 : memref<128xi32, #tpu.memory_space<hbm>>) dst(%arg5 : memref<128xi32, #tpu.memory_space<vmem>>)
        tpu.yield
      }) : () -> ()
      %dma_start3A = arith.constant 0 : i32
      %dma_start3A_12 = arith.constant 0 : i32
      %dma_start3A_13 = tpu.memref_slice %arg3[%dma_start3A, %dma_start3A_12] : memref<2048x64xf32, #tpu.memory_space<hbm>> -> memref<2048x64xf32, #tpu.memory_space<hbm>>
      tpu.enqueue_indirect_dma source(%dma_start3A_13 : memref<2048x64xf32, #tpu.memory_space<hbm>>) target(%arg6 : memref<128x64xf32, #tpu.memory_space<vmem>>) offsets(%arg5 : memref<128xi32, #tpu.memory_space<vmem>>) semaphore(%arg7 : memref<!tpu.dma_semaphore, #tpu.memory_space<semaphore_mem>>)
      %dma_wait3A = arith.constant 0 : i32
      %dma_wait3A_14 = arith.constant 0 : i32
      %dma_wait3A_15 = tpu.memref_slice %arg3[%dma_wait3A, %dma_wait3A_14] : memref<2048x64xf32, #tpu.memory_space<hbm>> -> memref<2048x64xf32, #tpu.memory_space<hbm>>
      tpu.wait_indirect_dma semaphore(%arg7 : memref<!tpu.dma_semaphore, #tpu.memory_space<semaphore_mem>>) src(%dma_wait3A_15 : memref<2048x64xf32, #tpu.memory_space<hbm>>) dst(%arg6 : memref<128x64xf32, #tpu.memory_space<vmem>>)
      "tpu.region"() ({
        %run_scoped3A = tpu.sem_alloc : memref<!tpu.dma_semaphore, #tpu.memory_space<semaphore_mem>>
        %dma_start3A_16 = arith.constant 0 : i32
        %dma_start3A_17 = tpu.memref_slice %arg4[%add3A_11, %dma_start3A_16] : memref<32768x64xf32, #tpu.memory_space<hbm>> -> memref<128x64xf32, #tpu.memory_space<hbm>>
        %dma_start3A_18 = arith.constant 0 : i32
        %dma_start3A_19 = tpu.memref_slice %arg4[%add3A_11, %dma_start3A_18] : memref<32768x64xf32, #tpu.memory_space<hbm>> -> memref<128x64xf32, #tpu.memory_space<hbm>>
        tpu.enqueue_dma source(%arg6 : memref<128x64xf32, #tpu.memory_space<vmem>>) target(%dma_start3A_19 : memref<128x64xf32, #tpu.memory_space<hbm>>) target_semaphore(%run_scoped3A : memref<!tpu.dma_semaphore, #tpu.memory_space<semaphore_mem>>)
        %dma_wait3A_20 = arith.constant 0 : i32
        %dma_wait3A_21 = tpu.memref_slice %arg4[%add3A_11, %dma_wait3A_20] : memref<32768x64xf32, #tpu.memory_space<hbm>> -> memref<128x64xf32, #tpu.memory_space<hbm>>
        %dma_wait3A_22 = arith.constant 0 : i32
        %dma_wait3A_23 = tpu.memref_slice %arg4[%add3A_11, %dma_wait3A_22] : memref<32768x64xf32, #tpu.memory_space<hbm>> -> memref<128x64xf32, #tpu.memory_space<hbm>>
        tpu.wait_dma2 semaphore(%run_scoped3A : memref<!tpu.dma_semaphore, #tpu.memory_space<semaphore_mem>>) src(%arg6 : memref<128x64xf32, #tpu.memory_space<vmem>>) dst(%dma_wait3A_23 : memref<128x64xf32, #tpu.memory_space<hbm>>)
        tpu.yield
      }) : () -> ()
    }
    %scan3A_7 = arith.constant 8 : i32
    return
  }
}

#map = affine_map<(d0, d1) -> (0)>
#map1 = affine_map<(d0, d1) -> (0, 0)>
module attributes {stable_mosaic.version = 14 : i64} {
  func.func @_gather_body(%arg0: i32, %arg1: i32, %arg2: memref<32768xi32, #tpu.memory_space<hbm>>, %arg3: memref<2048x64xf32, #tpu.memory_space<hbm>>, %arg4: memref<32768x64xf32, #tpu.memory_space<hbm>>, %arg5: memref<128xi32, #tpu.memory_space<vmem>>, %arg6: memref<128x64xf32, #tpu.memory_space<vmem>>, %arg7: memref<!tpu.dma_semaphore, #tpu.memory_space<semaphore_mem>>) attributes {dimension_semantics = [#tpu.dimension_semantics<core_parallel>, #tpu.dimension_semantics<subcore_parallel>], iteration_bounds = array<i64: 2, 16>, scalar_prefetch = 0 : i64, scratch_operands = 3 : i64, tpu.core_type = #tpu.core_type<sc_vector_subcore>, window_params = [{transform_indices = #map}, {transform_indices = #map1}, {transform_indices = #map1}]} {
    %mul3A = arith.constant 2 : i32
    %mul3A_0 = arith.muli %arg1, %mul3A : i32
    %add3A = arith.addi %mul3A_0, %arg0 : i32
    %mul3A_1 = arith.constant 1024 : i32
    %mul3A_2 = arith.muli %add3A, %mul3A_1 : i32
    %scan3A = arith.constant 0 : i32
    %scan3A_3 = arith.constant 0 : i32
    %scan3A_4 = arith.constant 8 : i32
    %scan3A_5 = arith.addi %scan3A_3, %scan3A_4 : i32
    %scan3A_6 = arith.constant 1 : i32
    scf.for %scan3A_8 = %scan3A_3 to %scan3A_5 step %scan3A_6  : i32 {
      %mul3A_9 = arith.constant 128 : i32
      %mul3A_10 = arith.muli %scan3A_8, %mul3A_9 : i32
      %add3A_11 = arith.addi %mul3A_2, %mul3A_10 : i32
      "tpu.region"() ({
        %run_scoped3A = tpu.sem_alloc : memref<!tpu.dma_semaphore, #tpu.memory_space<semaphore_mem>>
        %dma_start3A_16 = tpu.memref_slice %arg2[%add3A_11] : memref<32768xi32, #tpu.memory_space<hbm>> -> memref<128xi32, #tpu.memory_space<hbm>>
        %dma_start3A_17 = tpu.memref_slice %arg2[%add3A_11] : memref<32768xi32, #tpu.memory_space<hbm>> -> memref<128xi32, #tpu.memory_space<hbm>>
        tpu.enqueue_dma source(%dma_start3A_17 : memref<128xi32, #tpu.memory_space<hbm>>) target(%arg5 : memref<128xi32, #tpu.memory_space<vmem>>) target_semaphore(%run_scoped3A : memref<!tpu.dma_semaphore, #tpu.memory_space<semaphore_mem>>)
        %dma_wait3A_18 = tpu.memref_slice %arg2[%add3A_11] : memref<32768xi32, #tpu.memory_space<hbm>> -> memref<128xi32, #tpu.memory_space<hbm>>
        %dma_wait3A_19 = tpu.memref_slice %arg2[%add3A_11] : memref<32768xi32, #tpu.memory_space<hbm>> -> memref<128xi32, #tpu.memory_space<hbm>>
        tpu.wait_dma2 semaphore(%run_scoped3A : memref<!tpu.dma_semaphore, #tpu.memory_space<semaphore_mem>>) src(%dma_wait3A_19 : memref<128xi32, #tpu.memory_space<hbm>>) dst(%arg5 : memref<128xi32, #tpu.memory_space<vmem>>)
        tpu.yield
      }) : () -> ()
      %dma_start3A = arith.constant 0 : i32
      %dma_start3A_12 = arith.constant 0 : i32
      %dma_start3A_13 = tpu.memref_slice %arg3[%dma_start3A, %dma_start3A_12] : memref<2048x64xf32, #tpu.memory_space<hbm>> -> memref<2048x64xf32, #tpu.memory_space<hbm>>
      tpu.enqueue_indirect_dma source(%dma_start3A_13 : memref<2048x64xf32, #tpu.memory_space<hbm>>) target(%arg6 : memref<128x64xf32, #tpu.memory_space<vmem>>) offsets(%arg5 : memref<128xi32, #tpu.memory_space<vmem>>) semaphore(%arg7 : memref<!tpu.dma_semaphore, #tpu.memory_space<semaphore_mem>>)
      %dma_wait3A = arith.constant 0 : i32
      %dma_wait3A_14 = arith.constant 0 : i32
      %dma_wait3A_15 = tpu.memref_slice %arg3[%dma_wait3A, %dma_wait3A_14] : memref<2048x64xf32, #tpu.memory_space<hbm>> -> memref<2048x64xf32, #tpu.memory_space<hbm>>
      tpu.wait_indirect_dma semaphore(%arg7 : memref<!tpu.dma_semaphore, #tpu.memory_space<semaphore_mem>>) src(%dma_wait3A_15 : memref<2048x64xf32, #tpu.memory_space<hbm>>) dst(%arg6 : memref<128x64xf32, #tpu.memory_space<vmem>>)
      "tpu.region"() ({
        %run_scoped3A = tpu.sem_alloc : memref<!tpu.dma_semaphore, #tpu.memory_space<semaphore_mem>>
        %dma_start3A_16 = arith.constant 0 : i32
        %dma_start3A_17 = tpu.memref_slice %arg4[%add3A_11, %dma_start3A_16] : memref<32768x64xf32, #tpu.memory_space<hbm>> -> memref<128x64xf32, #tpu.memory_space<hbm>>
        %dma_start3A_18 = arith.constant 0 : i32
        %dma_start3A_19 = tpu.memref_slice %arg4[%add3A_11, %dma_start3A_18] : memref<32768x64xf32, #tpu.memory_space<hbm>> -> memref<128x64xf32, #tpu.memory_space<hbm>>
        tpu.enqueue_dma source(%arg6 : memref<128x64xf32, #tpu.memory_space<vmem>>) target(%dma_start3A_19 : memref<128x64xf32, #tpu.memory_space<hbm>>) target_semaphore(%run_scoped3A : memref<!tpu.dma_semaphore, #tpu.memory_space<semaphore_mem>>)
        %dma_wait3A_20 = arith.constant 0 : i32
        %dma_wait3A_21 = tpu.memref_slice %arg4[%add3A_11, %dma_wait3A_20] : memref<32768x64xf32, #tpu.memory_space<hbm>> -> memref<128x64xf32, #tpu.memory_space<hbm>>
        %dma_wait3A_22 = arith.constant 0 : i32
        %dma_wait3A_23 = tpu.memref_slice %arg4[%add3A_11, %dma_wait3A_22] : memref<32768x64xf32, #tpu.memory_space<hbm>> -> memref<128x64xf32, #tpu.memory_space<hbm>>
        tpu.wait_dma2 semaphore(%run_scoped3A : memref<!tpu.dma_semaphore, #tpu.memory_space<semaphore_mem>>) src(%arg6 : memref<128x64xf32, #tpu.memory_space<vmem>>) dst(%dma_wait3A_23 : memref<128x64xf32, #tpu.memory_space<hbm>>)
        tpu.yield
      }) : () -> ()
    }
    %scan3A_7 = arith.constant 8 : i32
    return
  }
}

#map = affine_map<(d0, d1) -> (0)>
#map1 = affine_map<(d0, d1) -> (0, 0)>
module attributes {stable_mosaic.version = 14 : i64} {
  func.func @_gather_body(%arg0: i32, %arg1: i32, %arg2: memref<32768xi32, #tpu.memory_space<hbm>>, %arg3: memref<2048x64xf32, #tpu.memory_space<hbm>>, %arg4: memref<32768x64xf32, #tpu.memory_space<hbm>>, %arg5: memref<128xi32, #tpu.memory_space<vmem>>, %arg6: memref<128x64xf32, #tpu.memory_space<vmem>>, %arg7: memref<!tpu.dma_semaphore, #tpu.memory_space<semaphore_mem>>) attributes {dimension_semantics = [#tpu.dimension_semantics<core_parallel>, #tpu.dimension_semantics<subcore_parallel>], iteration_bounds = array<i64: 2, 16>, scalar_prefetch = 0 : i64, scratch_operands = 3 : i64, tpu.core_type = #tpu.core_type<sc_vector_subcore>, window_params = [{transform_indices = #map}, {transform_indices = #map1}, {transform_indices = #map1}]} {
    %mul3A = arith.constant 2 : i32
    %mul3A_0 = arith.muli %arg1, %mul3A : i32
    %add3A = arith.addi %mul3A_0, %arg0 : i32
    %mul3A_1 = arith.constant 1024 : i32
    %mul3A_2 = arith.muli %add3A, %mul3A_1 : i32
    %scan3A = arith.constant 0 : i32
    %scan3A_3 = arith.constant 0 : i32
    %scan3A_4 = arith.constant 8 : i32
    %scan3A_5 = arith.addi %scan3A_3, %scan3A_4 : i32
    %scan3A_6 = arith.constant 1 : i32
    scf.for %scan3A_8 = %scan3A_3 to %scan3A_5 step %scan3A_6  : i32 {
      %mul3A_9 = arith.constant 128 : i32
      %mul3A_10 = arith.muli %scan3A_8, %mul3A_9 : i32
      %add3A_11 = arith.addi %mul3A_2, %mul3A_10 : i32
      "tpu.region"() ({
        %run_scoped3A = tpu.sem_alloc : memref<!tpu.dma_semaphore, #tpu.memory_space<semaphore_mem>>
        %dma_start3A_16 = tpu.memref_slice %arg2[%add3A_11] : memref<32768xi32, #tpu.memory_space<hbm>> -> memref<128xi32, #tpu.memory_space<hbm>>
        %dma_start3A_17 = tpu.memref_slice %arg2[%add3A_11] : memref<32768xi32, #tpu.memory_space<hbm>> -> memref<128xi32, #tpu.memory_space<hbm>>
        tpu.enqueue_dma source(%dma_start3A_17 : memref<128xi32, #tpu.memory_space<hbm>>) target(%arg5 : memref<128xi32, #tpu.memory_space<vmem>>) target_semaphore(%run_scoped3A : memref<!tpu.dma_semaphore, #tpu.memory_space<semaphore_mem>>)
        %dma_wait3A_18 = tpu.memref_slice %arg2[%add3A_11] : memref<32768xi32, #tpu.memory_space<hbm>> -> memref<128xi32, #tpu.memory_space<hbm>>
        %dma_wait3A_19 = tpu.memref_slice %arg2[%add3A_11] : memref<32768xi32, #tpu.memory_space<hbm>> -> memref<128xi32, #tpu.memory_space<hbm>>
        tpu.wait_dma2 semaphore(%run_scoped3A : memref<!tpu.dma_semaphore, #tpu.memory_space<semaphore_mem>>) src(%dma_wait3A_19 : memref<128xi32, #tpu.memory_space<hbm>>) dst(%arg5 : memref<128xi32, #tpu.memory_space<vmem>>)
        tpu.yield
      }) : () -> ()
      %dma_start3A = arith.constant 0 : i32
      %dma_start3A_12 = arith.constant 0 : i32
      %dma_start3A_13 = tpu.memref_slice %arg3[%dma_start3A, %dma_start3A_12] : memref<2048x64xf32, #tpu.memory_space<hbm>> -> memref<2048x64xf32, #tpu.memory_space<hbm>>
      tpu.enqueue_indirect_dma source(%dma_start3A_13 : memref<2048x64xf32, #tpu.memory_space<hbm>>) target(%arg6 : memref<128x64xf32, #tpu.memory_space<vmem>>) offsets(%arg5 : memref<128xi32, #tpu.memory_space<vmem>>) semaphore(%arg7 : memref<!tpu.dma_semaphore, #tpu.memory_space<semaphore_mem>>)
      %dma_wait3A = arith.constant 0 : i32
      %dma_wait3A_14 = arith.constant 0 : i32
      %dma_wait3A_15 = tpu.memref_slice %arg3[%dma_wait3A, %dma_wait3A_14] : memref<2048x64xf32, #tpu.memory_space<hbm>> -> memref<2048x64xf32, #tpu.memory_space<hbm>>
      tpu.wait_indirect_dma semaphore(%arg7 : memref<!tpu.dma_semaphore, #tpu.memory_space<semaphore_mem>>) src(%dma_wait3A_15 : memref<2048x64xf32, #tpu.memory_space<hbm>>) dst(%arg6 : memref<128x64xf32, #tpu.memory_space<vmem>>)
      "tpu.region"() ({
        %run_scoped3A = tpu.sem_alloc : memref<!tpu.dma_semaphore, #tpu.memory_space<semaphore_mem>>
        %dma_start3A_16 = arith.constant 0 : i32
        %dma_start3A_17 = tpu.memref_slice %arg4[%add3A_11, %dma_start3A_16] : memref<32768x64xf32, #tpu.memory_space<hbm>> -> memref<128x64xf32, #tpu.memory_space<hbm>>
        %dma_start3A_18 = arith.constant 0 : i32
        %dma_start3A_19 = tpu.memref_slice %arg4[%add3A_11, %dma_start3A_18] : memref<32768x64xf32, #tpu.memory_space<hbm>> -> memref<128x64xf32, #tpu.memory_space<hbm>>
        tpu.enqueue_dma source(%arg6 : memref<128x64xf32, #tpu.memory_space<vmem>>) target(%dma_start3A_19 : memref<128x64xf32, #tpu.memory_space<hbm>>) target_semaphore(%run_scoped3A : memref<!tpu.dma_semaphore, #tpu.memory_space<semaphore_mem>>)
        %dma_wait3A_20 = arith.constant 0 : i32
        %dma_wait3A_21 = tpu.memref_slice %arg4[%add3A_11, %dma_wait3A_20] : memref<32768x64xf32, #tpu.memory_space<hbm>> -> memref<128x64xf32, #tpu.memory_space<hbm>>
        %dma_wait3A_22 = arith.constant 0 : i32
        %dma_wait3A_23 = tpu.memref_slice %arg4[%add3A_11, %dma_wait3A_22] : memref<32768x64xf32, #tpu.memory_space<hbm>> -> memref<128x64xf32, #tpu.memory_space<hbm>>
        tpu.wait_dma2 semaphore(%run_scoped3A : memref<!tpu.dma_semaphore, #tpu.memory_space<semaphore_mem>>) src(%arg6 : memref<128x64xf32, #tpu.memory_space<vmem>>) dst(%dma_wait3A_23 : memref<128x64xf32, #tpu.memory_space<hbm>>)
        tpu.yield
      }) : () -> ()
    }
    %scan3A_7 = arith.constant 8 : i32
    return
  }
}

#map = affine_map<(d0, d1) -> (0)>
#map1 = affine_map<(d0, d1) -> (0, 0)>
module attributes {stable_mosaic.version = 14 : i64} {
  func.func @_gather_body(%arg0: i32, %arg1: i32, %arg2: memref<32768xi32, #tpu.memory_space<hbm>>, %arg3: memref<2048x64xf32, #tpu.memory_space<hbm>>, %arg4: memref<32768x64xf32, #tpu.memory_space<hbm>>, %arg5: memref<128xi32, #tpu.memory_space<vmem>>, %arg6: memref<128x64xf32, #tpu.memory_space<vmem>>, %arg7: memref<!tpu.dma_semaphore, #tpu.memory_space<semaphore_mem>>) attributes {dimension_semantics = [#tpu.dimension_semantics<core_parallel>, #tpu.dimension_semantics<subcore_parallel>], iteration_bounds = array<i64: 2, 16>, scalar_prefetch = 0 : i64, scratch_operands = 3 : i64, tpu.core_type = #tpu.core_type<sc_vector_subcore>, window_params = [{transform_indices = #map}, {transform_indices = #map1}, {transform_indices = #map1}]} {
    %mul3A = arith.constant 2 : i32
    %mul3A_0 = arith.muli %arg1, %mul3A : i32
    %add3A = arith.addi %mul3A_0, %arg0 : i32
    %mul3A_1 = arith.constant 1024 : i32
    %mul3A_2 = arith.muli %add3A, %mul3A_1 : i32
    %scan3A = arith.constant 0 : i32
    %scan3A_3 = arith.constant 0 : i32
    %scan3A_4 = arith.constant 8 : i32
    %scan3A_5 = arith.addi %scan3A_3, %scan3A_4 : i32
    %scan3A_6 = arith.constant 1 : i32
    scf.for %scan3A_8 = %scan3A_3 to %scan3A_5 step %scan3A_6  : i32 {
      %mul3A_9 = arith.constant 128 : i32
      %mul3A_10 = arith.muli %scan3A_8, %mul3A_9 : i32
      %add3A_11 = arith.addi %mul3A_2, %mul3A_10 : i32
      "tpu.region"() ({
        %run_scoped3A = tpu.sem_alloc : memref<!tpu.dma_semaphore, #tpu.memory_space<semaphore_mem>>
        %dma_start3A_16 = tpu.memref_slice %arg2[%add3A_11] : memref<32768xi32, #tpu.memory_space<hbm>> -> memref<128xi32, #tpu.memory_space<hbm>>
        %dma_start3A_17 = tpu.memref_slice %arg2[%add3A_11] : memref<32768xi32, #tpu.memory_space<hbm>> -> memref<128xi32, #tpu.memory_space<hbm>>
        tpu.enqueue_dma source(%dma_start3A_17 : memref<128xi32, #tpu.memory_space<hbm>>) target(%arg5 : memref<128xi32, #tpu.memory_space<vmem>>) target_semaphore(%run_scoped3A : memref<!tpu.dma_semaphore, #tpu.memory_space<semaphore_mem>>)
        %dma_wait3A_18 = tpu.memref_slice %arg2[%add3A_11] : memref<32768xi32, #tpu.memory_space<hbm>> -> memref<128xi32, #tpu.memory_space<hbm>>
        %dma_wait3A_19 = tpu.memref_slice %arg2[%add3A_11] : memref<32768xi32, #tpu.memory_space<hbm>> -> memref<128xi32, #tpu.memory_space<hbm>>
        tpu.wait_dma2 semaphore(%run_scoped3A : memref<!tpu.dma_semaphore, #tpu.memory_space<semaphore_mem>>) src(%dma_wait3A_19 : memref<128xi32, #tpu.memory_space<hbm>>) dst(%arg5 : memref<128xi32, #tpu.memory_space<vmem>>)
        tpu.yield
      }) : () -> ()
      %dma_start3A = arith.constant 0 : i32
      %dma_start3A_12 = arith.constant 0 : i32
      %dma_start3A_13 = tpu.memref_slice %arg3[%dma_start3A, %dma_start3A_12] : memref<2048x64xf32, #tpu.memory_space<hbm>> -> memref<2048x64xf32, #tpu.memory_space<hbm>>
      tpu.enqueue_indirect_dma source(%dma_start3A_13 : memref<2048x64xf32, #tpu.memory_space<hbm>>) target(%arg6 : memref<128x64xf32, #tpu.memory_space<vmem>>) offsets(%arg5 : memref<128xi32, #tpu.memory_space<vmem>>) semaphore(%arg7 : memref<!tpu.dma_semaphore, #tpu.memory_space<semaphore_mem>>)
      %dma_wait3A = arith.constant 0 : i32
      %dma_wait3A_14 = arith.constant 0 : i32
      %dma_wait3A_15 = tpu.memref_slice %arg3[%dma_wait3A, %dma_wait3A_14] : memref<2048x64xf32, #tpu.memory_space<hbm>> -> memref<2048x64xf32, #tpu.memory_space<hbm>>
      tpu.wait_indirect_dma semaphore(%arg7 : memref<!tpu.dma_semaphore, #tpu.memory_space<semaphore_mem>>) src(%dma_wait3A_15 : memref<2048x64xf32, #tpu.memory_space<hbm>>) dst(%arg6 : memref<128x64xf32, #tpu.memory_space<vmem>>)
      "tpu.region"() ({
        %run_scoped3A = tpu.sem_alloc : memref<!tpu.dma_semaphore, #tpu.memory_space<semaphore_mem>>
        %dma_start3A_16 = arith.constant 0 : i32
        %dma_start3A_17 = tpu.memref_slice %arg4[%add3A_11, %dma_start3A_16] : memref<32768x64xf32, #tpu.memory_space<hbm>> -> memref<128x64xf32, #tpu.memory_space<hbm>>
        %dma_start3A_18 = arith.constant 0 : i32
        %dma_start3A_19 = tpu.memref_slice %arg4[%add3A_11, %dma_start3A_18] : memref<32768x64xf32, #tpu.memory_space<hbm>> -> memref<128x64xf32, #tpu.memory_space<hbm>>
        tpu.enqueue_dma source(%arg6 : memref<128x64xf32, #tpu.memory_space<vmem>>) target(%dma_start3A_19 : memref<128x64xf32, #tpu.memory_space<hbm>>) target_semaphore(%run_scoped3A : memref<!tpu.dma_semaphore, #tpu.memory_space<semaphore_mem>>)
        %dma_wait3A_20 = arith.constant 0 : i32
        %dma_wait3A_21 = tpu.memref_slice %arg4[%add3A_11, %dma_wait3A_20] : memref<32768x64xf32, #tpu.memory_space<hbm>> -> memref<128x64xf32, #tpu.memory_space<hbm>>
        %dma_wait3A_22 = arith.constant 0 : i32
        %dma_wait3A_23 = tpu.memref_slice %arg4[%add3A_11, %dma_wait3A_22] : memref<32768x64xf32, #tpu.memory_space<hbm>> -> memref<128x64xf32, #tpu.memory_space<hbm>>
        tpu.wait_dma2 semaphore(%run_scoped3A : memref<!tpu.dma_semaphore, #tpu.memory_space<semaphore_mem>>) src(%arg6 : memref<128x64xf32, #tpu.memory_space<vmem>>) dst(%dma_wait3A_23 : memref<128x64xf32, #tpu.memory_space<hbm>>)
        tpu.yield
      }) : () -> ()
    }
    %scan3A_7 = arith.constant 8 : i32
    return
  }
}

module attributes {stable_mosaic.version = 14 : i64} {
  func.func @_knn_body(%arg0: i32, %arg1: i32, %arg2: memref<1x64x2048xf32, #tpu.memory_space<vmem>>, %arg3: memref<1x256x64xf32, #tpu.memory_space<vmem>>, %arg4: memref<1x256x16xi32, #tpu.memory_space<vmem>>) attributes {dimension_semantics = [#tpu.dimension_semantics<arbitrary>, #tpu.dimension_semantics<arbitrary>], iteration_bounds = array<i64: 1, 8>, scalar_prefetch = 0 : i64, scratch_operands = 0 : i64, tpu.core_type = #tpu.core_type<tc>, window_params = [{transform_indices = @transform_0, window_bounds = array<i64: 1, 64, 2048>}, {transform_indices = @transform_1, window_bounds = array<i64: 1, 256, 64>}, {transform_indices = @transform_2, window_bounds = array<i64: 1, 256, 16>}]} {
    %get3A = arith.constant 0 : index
    %get3A_0 = arith.constant 0 : index
    %get3A_1 = arith.constant 0 : index
    %get3A_2 = vector.load %arg2[%get3A, %get3A_0, %get3A_1] : memref<1x64x2048xf32, #tpu.memory_space<vmem>>, vector<1x64x2048xf32>
    %get3A_3 = vector.shape_cast %get3A_2 : vector<1x64x2048xf32> to vector<64x2048xf32>
    %get3A_4 = arith.constant 0 : index
    %get3A_5 = arith.constant 0 : index
    %get3A_6 = arith.constant 0 : index
    %get3A_7 = vector.load %arg3[%get3A_4, %get3A_5, %get3A_6] : memref<1x256x64xf32, #tpu.memory_space<vmem>>, vector<1x256x64xf32>
    %get3A_8 = vector.shape_cast %get3A_7 : vector<1x256x64xf32> to vector<256x64xf32>
    %dot_general3A = arith.constant dense<0.000000e+00> : vector<256x2048xf32>
    %dot_general3A_9 = tpu.matmul %get3A_8, %get3A_3, %dot_general3A {dimension_numbers = #tpu.dot_dimension_numbers<[1], [0], [0], [1], [0, 0, 1, 1], [], []>, transpose_lhs_hint = false} : vector<256x64xf32>, vector<64x2048xf32>, vector<256x2048xf32> -> vector<256x2048xf32>
    %mul3A = arith.mulf %get3A_3, %get3A_3 : vector<64x2048xf32>
    %reduce_sum3A = arith.constant dense<0.000000e+00> : vector<2048xf32>
    %reduce_sum3A_10 = vector.multi_reduction <add>, %mul3A, %reduce_sum3A [0] : vector<64x2048xf32> to vector<2048xf32>
    %broadcast_in_dim3A = vector.shape_cast %reduce_sum3A_10 : vector<2048xf32> to vector<1x2048xf32>
    %mul3A_11 = arith.mulf %get3A_8, %get3A_8 : vector<256x64xf32>
    %reduce_sum3A_12 = arith.constant dense<0.000000e+00> : vector<256xf32>
    %reduce_sum3A_13 = vector.multi_reduction <add>, %mul3A_11, %reduce_sum3A_12 [1] : vector<256x64xf32> to vector<256xf32>
    %broadcast_in_dim3A_14 = vector.shape_cast %reduce_sum3A_13 : vector<256xf32> to vector<256x1xf32>
    %add3A = vector.broadcast %broadcast_in_dim3A_14 : vector<256x1xf32> to vector<256x2048xf32>
    %add3A_15 = vector.broadcast %broadcast_in_dim3A : vector<1x2048xf32> to vector<256x2048xf32>
    %add3A_16 = arith.addf %add3A, %add3A_15 : vector<256x2048xf32>
    %mul3A_17 = arith.constant 2.000000e+00 : f32
    %mul3A_18 = vector.broadcast %mul3A_17 : f32 to vector<256x2048xf32>
    %mul3A_19 = arith.mulf %mul3A_18, %dot_general3A_9 : vector<256x2048xf32>
    %sub3A = arith.subf %add3A_16, %mul3A_19 : vector<256x2048xf32>
    %iota3A = tpu.iota {dimensions = array<i32: 1>} : vector<256x1024xi32>
    %convert_element_type3A = arith.sitofp %iota3A : vector<256x1024xi32> to vector<256x1024xf32>
    %slice3A = vector.extract_strided_slice %sub3A {offsets = [0, 0], sizes = [256, 1024], strides = [1, 1]} : vector<256x2048xf32> to vector<256x1024xf32>
    %slice3A_20 = vector.extract_strided_slice %sub3A {offsets = [0, 1024], sizes = [256, 1024], strides = [1, 1]} : vector<256x2048xf32> to vector<256x1024xf32>
    %le3A = arith.cmpf ole, %slice3A, %slice3A_20 : vector<256x1024xf32>
    %select_n3A = arith.select %le3A, %slice3A, %slice3A_20 : vector<256x1024xi1>, vector<256x1024xf32>
    %add3A_21 = arith.constant 1.024000e+03 : f32
    %add3A_22 = vector.broadcast %add3A_21 : f32 to vector<256x1024xf32>
    %add3A_23 = arith.addf %convert_element_type3A, %add3A_22 : vector<256x1024xf32>
    %select_n3A_24 = arith.select %le3A, %convert_element_type3A, %add3A_23 : vector<256x1024xi1>, vector<256x1024xf32>
    %select_n3A_25 = arith.select %le3A, %slice3A_20, %slice3A : vector<256x1024xi1>, vector<256x1024xf32>
    %add3A_26 = arith.constant 1.024000e+03 : f32
    %add3A_27 = vector.broadcast %add3A_26 : f32 to vector<256x1024xf32>
    %add3A_28 = arith.addf %convert_element_type3A, %add3A_27 : vector<256x1024xf32>
    %select_n3A_29 = arith.select %le3A, %add3A_28, %convert_element_type3A : vector<256x1024xi1>, vector<256x1024xf32>
    %reduce_min3A = arith.constant dense<0x7F800000> : vector<256xf32>
    %reduce_min3A_30 = vector.multi_reduction <minimumf>, %select_n3A, %reduce_min3A [1] : vector<256x1024xf32> to vector<256xf32>
    %broadcast_in_dim3A_31 = vector.shape_cast %reduce_min3A_30 : vector<256xf32> to vector<256x1xf32>
    %eq3A = vector.broadcast %broadcast_in_dim3A_31 : vector<256x1xf32> to vector<256x1024xf32>
    %eq3A_32 = arith.cmpf oeq, %select_n3A, %eq3A : vector<256x1024xf32>
    %jit3A = arith.constant 2.048000e+03 : f32
    %broadcast_in_dim3A_33 = vector.broadcast %jit3A : f32 to vector<256x1024xf32>
    %select_n3A_34 = arith.select %eq3A_32, %select_n3A_24, %broadcast_in_dim3A_33 : vector<256x1024xi1>, vector<256x1024xf32>
    %reduce_min3A_35 = arith.constant dense<0x7F800000> : vector<256xf32>
    %reduce_min3A_36 = vector.multi_reduction <minimumf>, %select_n3A_34, %reduce_min3A_35 [1] : vector<256x1024xf32> to vector<256xf32>
    %broadcast_in_dim3A_37 = vector.shape_cast %reduce_min3A_36 : vector<256xf32> to vector<256x1xf32>
    %eq3A_38 = vector.broadcast %broadcast_in_dim3A_37 : vector<256x1xf32> to vector<256x1024xf32>
    %eq3A_39 = arith.cmpf oeq, %select_n3A_34, %eq3A_38 : vector<256x1024xf32>
    %select_n3A_40 = arith.select %eq3A_39, %select_n3A_25, %select_n3A : vector<256x1024xi1>, vector<256x1024xf32>
    %select_n3A_41 = arith.select %eq3A_39, %select_n3A_29, %select_n3A_24 : vector<256x1024xi1>, vector<256x1024xf32>
    %jit3A_42 = arith.constant 0x7F800000 : f32
    %broadcast_in_dim3A_43 = vector.broadcast %jit3A_42 : f32 to vector<256x1024xf32>
    %select_n3A_44 = arith.select %eq3A_39, %broadcast_in_dim3A_43, %select_n3A_25 : vector<256x1024xi1>, vector<256x1024xf32>
    %reduce_min3A_45 = arith.constant dense<0x7F800000> : vector<256xf32>
    %reduce_min3A_46 = vector.multi_reduction <minimumf>, %select_n3A_40, %reduce_min3A_45 [1] : vector<256x1024xf32> to vector<256xf32>
    %broadcast_in_dim3A_47 = vector.shape_cast %reduce_min3A_46 : vector<256xf32> to vector<256x1xf32>
    %eq3A_48 = vector.broadcast %broadcast_in_dim3A_47 : vector<256x1xf32> to vector<256x1024xf32>
    %eq3A_49 = arith.cmpf oeq, %select_n3A_40, %eq3A_48 : vector<256x1024xf32>
    %jit3A_50 = arith.constant 2.048000e+03 : f32
    %broadcast_in_dim3A_51 = vector.broadcast %jit3A_50 : f32 to vector<256x1024xf32>
    %select_n3A_52 = arith.select %eq3A_49, %select_n3A_41, %broadcast_in_dim3A_51 : vector<256x1024xi1>, vector<256x1024xf32>
    %reduce_min3A_53 = arith.constant dense<0x7F800000> : vector<256xf32>
    %reduce_min3A_54 = vector.multi_reduction <minimumf>, %select_n3A_52, %reduce_min3A_53 [1] : vector<256x1024xf32> to vector<256xf32>
    %broadcast_in_dim3A_55 = vector.shape_cast %reduce_min3A_54 : vector<256xf32> to vector<256x1xf32>
    %eq3A_56 = vector.broadcast %broadcast_in_dim3A_55 : vector<256x1xf32> to vector<256x1024xf32>
    %eq3A_57 = arith.cmpf oeq, %select_n3A_52, %eq3A_56 : vector<256x1024xf32>
    %select_n3A_58 = arith.select %eq3A_57, %select_n3A_44, %select_n3A_40 : vector<256x1024xi1>, vector<256x1024xf32>
    %select_n3A_59 = arith.select %eq3A_57, %select_n3A_29, %select_n3A_41 : vector<256x1024xi1>, vector<256x1024xf32>
    %jit3A_60 = arith.constant 0x7F800000 : f32
    %broadcast_in_dim3A_61 = vector.broadcast %jit3A_60 : f32 to vector<256x1024xf32>
    %select_n3A_62 = arith.select %eq3A_57, %broadcast_in_dim3A_61, %select_n3A_44 : vector<256x1024xi1>, vector<256x1024xf32>
    %reduce_min3A_63 = arith.constant dense<0x7F800000> : vector<256xf32>
    %reduce_min3A_64 = vector.multi_reduction <minimumf>, %select_n3A_58, %reduce_min3A_63 [1] : vector<256x1024xf32> to vector<256xf32>
    %broadcast_in_dim3A_65 = vector.shape_cast %reduce_min3A_64 : vector<256xf32> to vector<256x1xf32>
    %eq3A_66 = vector.broadcast %broadcast_in_dim3A_65 : vector<256x1xf32> to vector<256x1024xf32>
    %eq3A_67 = arith.cmpf oeq, %select_n3A_58, %eq3A_66 : vector<256x1024xf32>
    %jit3A_68 = arith.constant 2.048000e+03 : f32
    %broadcast_in_dim3A_69 = vector.broadcast %jit3A_68 : f32 to vector<256x1024xf32>
    %select_n3A_70 = arith.select %eq3A_67, %select_n3A_59, %broadcast_in_dim3A_69 : vector<256x1024xi1>, vector<256x1024xf32>
    %reduce_min3A_71 = arith.constant dense<0x7F800000> : vector<256xf32>
    %reduce_min3A_72 = vector.multi_reduction <minimumf>, %select_n3A_70, %reduce_min3A_71 [1] : vector<256x1024xf32> to vector<256xf32>
    %broadcast_in_dim3A_73 = vector.shape_cast %reduce_min3A_72 : vector<256xf32> to vector<256x1xf32>
    %eq3A_74 = vector.broadcast %broadcast_in_dim3A_73 : vector<256x1xf32> to vector<256x1024xf32>
    %eq3A_75 = arith.cmpf oeq, %select_n3A_70, %eq3A_74 : vector<256x1024xf32>
    %select_n3A_76 = arith.select %eq3A_75, %select_n3A_62, %select_n3A_58 : vector<256x1024xi1>, vector<256x1024xf32>
    %select_n3A_77 = arith.select %eq3A_75, %select_n3A_29, %select_n3A_59 : vector<256x1024xi1>, vector<256x1024xf32>
    %jit3A_78 = arith.constant 0x7F800000 : f32
    %broadcast_in_dim3A_79 = vector.broadcast %jit3A_78 : f32 to vector<256x1024xf32>
    %select_n3A_80 = arith.select %eq3A_75, %broadcast_in_dim3A_79, %select_n3A_62 : vector<256x1024xi1>, vector<256x1024xf32>
    %reduce_min3A_81 = arith.constant dense<0x7F800000> : vector<256xf32>
    %reduce_min3A_82 = vector.multi_reduction <minimumf>, %select_n3A_76, %reduce_min3A_81 [1] : vector<256x1024xf32> to vector<256xf32>
    %broadcast_in_dim3A_83 = vector.shape_cast %reduce_min3A_82 : vector<256xf32> to vector<256x1xf32>
    %eq3A_84 = vector.broadcast %broadcast_in_dim3A_83 : vector<256x1xf32> to vector<256x1024xf32>
    %eq3A_85 = arith.cmpf oeq, %select_n3A_76, %eq3A_84 : vector<256x1024xf32>
    %jit3A_86 = arith.constant 2.048000e+03 : f32
    %broadcast_in_dim3A_87 = vector.broadcast %jit3A_86 : f32 to vector<256x1024xf32>
    %select_n3A_88 = arith.select %eq3A_85, %select_n3A_77, %broadcast_in_dim3A_87 : vector<256x1024xi1>, vector<256x1024xf32>
    %reduce_min3A_89 = arith.constant dense<0x7F800000> : vector<256xf32>
    %reduce_min3A_90 = vector.multi_reduction <minimumf>, %select_n3A_88, %reduce_min3A_89 [1] : vector<256x1024xf32> to vector<256xf32>
    %broadcast_in_dim3A_91 = vector.shape_cast %reduce_min3A_90 : vector<256xf32> to vector<256x1xf32>
    %eq3A_92 = vector.broadcast %broadcast_in_dim3A_91 : vector<256x1xf32> to vector<256x1024xf32>
    %eq3A_93 = arith.cmpf oeq, %select_n3A_88, %eq3A_92 : vector<256x1024xf32>
    %select_n3A_94 = arith.select %eq3A_93, %select_n3A_80, %select_n3A_76 : vector<256x1024xi1>, vector<256x1024xf32>
    %select_n3A_95 = arith.select %eq3A_93, %select_n3A_29, %select_n3A_77 : vector<256x1024xi1>, vector<256x1024xf32>
    %jit3A_96 = arith.constant 0x7F800000 : f32
    %broadcast_in_dim3A_97 = vector.broadcast %jit3A_96 : f32 to vector<256x1024xf32>
    %select_n3A_98 = arith.select %eq3A_93, %broadcast_in_dim3A_97, %select_n3A_80 : vector<256x1024xi1>, vector<256x1024xf32>
    %reduce_min3A_99 = arith.constant dense<0x7F800000> : vector<256xf32>
    %reduce_min3A_100 = vector.multi_reduction <minimumf>, %select_n3A_94, %reduce_min3A_99 [1] : vector<256x1024xf32> to vector<256xf32>
    %broadcast_in_dim3A_101 = vector.shape_cast %reduce_min3A_100 : vector<256xf32> to vector<256x1xf32>
    %eq3A_102 = vector.broadcast %broadcast_in_dim3A_101 : vector<256x1xf32> to vector<256x1024xf32>
    %eq3A_103 = arith.cmpf oeq, %select_n3A_94, %eq3A_102 : vector<256x1024xf32>
    %jit3A_104 = arith.constant 2.048000e+03 : f32
    %broadcast_in_dim3A_105 = vector.broadcast %jit3A_104 : f32 to vector<256x1024xf32>
    %select_n3A_106 = arith.select %eq3A_103, %select_n3A_95, %broadcast_in_dim3A_105 : vector<256x1024xi1>, vector<256x1024xf32>
    %reduce_min3A_107 = arith.constant dense<0x7F800000> : vector<256xf32>
    %reduce_min3A_108 = vector.multi_reduction <minimumf>, %select_n3A_106, %reduce_min3A_107 [1] : vector<256x1024xf32> to vector<256xf32>
    %broadcast_in_dim3A_109 = vector.shape_cast %reduce_min3A_108 : vector<256xf32> to vector<256x1xf32>
    %eq3A_110 = vector.broadcast %broadcast_in_dim3A_109 : vector<256x1xf32> to vector<256x1024xf32>
    %eq3A_111 = arith.cmpf oeq, %select_n3A_106, %eq3A_110 : vector<256x1024xf32>
    %select_n3A_112 = arith.select %eq3A_111, %select_n3A_98, %select_n3A_94 : vector<256x1024xi1>, vector<256x1024xf32>
    %select_n3A_113 = arith.select %eq3A_111, %select_n3A_29, %select_n3A_95 : vector<256x1024xi1>, vector<256x1024xf32>
    %jit3A_114 = arith.constant 0x7F800000 : f32
    %broadcast_in_dim3A_115 = vector.broadcast %jit3A_114 : f32 to vector<256x1024xf32>
    %select_n3A_116 = arith.select %eq3A_111, %broadcast_in_dim3A_115, %select_n3A_98 : vector<256x1024xi1>, vector<256x1024xf32>
    %reduce_min3A_117 = arith.constant dense<0x7F800000> : vector<256xf32>
    %reduce_min3A_118 = vector.multi_reduction <minimumf>, %select_n3A_112, %reduce_min3A_117 [1] : vector<256x1024xf32> to vector<256xf32>
    %broadcast_in_dim3A_119 = vector.shape_cast %reduce_min3A_118 : vector<256xf32> to vector<256x1xf32>
    %eq3A_120 = vector.broadcast %broadcast_in_dim3A_119 : vector<256x1xf32> to vector<256x1024xf32>
    %eq3A_121 = arith.cmpf oeq, %select_n3A_112, %eq3A_120 : vector<256x1024xf32>
    %jit3A_122 = arith.constant 2.048000e+03 : f32
    %broadcast_in_dim3A_123 = vector.broadcast %jit3A_122 : f32 to vector<256x1024xf32>
    %select_n3A_124 = arith.select %eq3A_121, %select_n3A_113, %broadcast_in_dim3A_123 : vector<256x1024xi1>, vector<256x1024xf32>
    %reduce_min3A_125 = arith.constant dense<0x7F800000> : vector<256xf32>
    %reduce_min3A_126 = vector.multi_reduction <minimumf>, %select_n3A_124, %reduce_min3A_125 [1] : vector<256x1024xf32> to vector<256xf32>
    %broadcast_in_dim3A_127 = vector.shape_cast %reduce_min3A_126 : vector<256xf32> to vector<256x1xf32>
    %eq3A_128 = vector.broadcast %broadcast_in_dim3A_127 : vector<256x1xf32> to vector<256x1024xf32>
    %eq3A_129 = arith.cmpf oeq, %select_n3A_124, %eq3A_128 : vector<256x1024xf32>
    %select_n3A_130 = arith.select %eq3A_129, %select_n3A_116, %select_n3A_112 : vector<256x1024xi1>, vector<256x1024xf32>
    %select_n3A_131 = arith.select %eq3A_129, %select_n3A_29, %select_n3A_113 : vector<256x1024xi1>, vector<256x1024xf32>
    %jit3A_132 = arith.constant 0x7F800000 : f32
    %broadcast_in_dim3A_133 = vector.broadcast %jit3A_132 : f32 to vector<256x1024xf32>
    %select_n3A_134 = arith.select %eq3A_129, %broadcast_in_dim3A_133, %select_n3A_116 : vector<256x1024xi1>, vector<256x1024xf32>
    %reduce_min3A_135 = arith.constant dense<0x7F800000> : vector<256xf32>
    %reduce_min3A_136 = vector.multi_reduction <minimumf>, %select_n3A_130, %reduce_min3A_135 [1] : vector<256x1024xf32> to vector<256xf32>
    %broadcast_in_dim3A_137 = vector.shape_cast %reduce_min3A_136 : vector<256xf32> to vector<256x1xf32>
    %eq3A_138 = vector.broadcast %broadcast_in_dim3A_137 : vector<256x1xf32> to vector<256x1024xf32>
    %eq3A_139 = arith.cmpf oeq, %select_n3A_130, %eq3A_138 : vector<256x1024xf32>
    %jit3A_140 = arith.constant 2.048000e+03 : f32
    %broadcast_in_dim3A_141 = vector.broadcast %jit3A_140 : f32 to vector<256x1024xf32>
    %select_n3A_142 = arith.select %eq3A_139, %select_n3A_131, %broadcast_in_dim3A_141 : vector<256x1024xi1>, vector<256x1024xf32>
    %reduce_min3A_143 = arith.constant dense<0x7F800000> : vector<256xf32>
    %reduce_min3A_144 = vector.multi_reduction <minimumf>, %select_n3A_142, %reduce_min3A_143 [1] : vector<256x1024xf32> to vector<256xf32>
    %broadcast_in_dim3A_145 = vector.shape_cast %reduce_min3A_144 : vector<256xf32> to vector<256x1xf32>
    %eq3A_146 = vector.broadcast %broadcast_in_dim3A_145 : vector<256x1xf32> to vector<256x1024xf32>
    %eq3A_147 = arith.cmpf oeq, %select_n3A_142, %eq3A_146 : vector<256x1024xf32>
    %select_n3A_148 = arith.select %eq3A_147, %select_n3A_134, %select_n3A_130 : vector<256x1024xi1>, vector<256x1024xf32>
    %select_n3A_149 = arith.select %eq3A_147, %select_n3A_29, %select_n3A_131 : vector<256x1024xi1>, vector<256x1024xf32>
    %jit3A_150 = arith.constant 0x7F800000 : f32
    %broadcast_in_dim3A_151 = vector.broadcast %jit3A_150 : f32 to vector<256x1024xf32>
    %select_n3A_152 = arith.select %eq3A_147, %broadcast_in_dim3A_151, %select_n3A_134 : vector<256x1024xi1>, vector<256x1024xf32>
    %reduce_min3A_153 = arith.constant dense<0x7F800000> : vector<256xf32>
    %reduce_min3A_154 = vector.multi_reduction <minimumf>, %select_n3A_148, %reduce_min3A_153 [1] : vector<256x1024xf32> to vector<256xf32>
    %broadcast_in_dim3A_155 = vector.shape_cast %reduce_min3A_154 : vector<256xf32> to vector<256x1xf32>
    %eq3A_156 = vector.broadcast %broadcast_in_dim3A_155 : vector<256x1xf32> to vector<256x1024xf32>
    %eq3A_157 = arith.cmpf oeq, %select_n3A_148, %eq3A_156 : vector<256x1024xf32>
    %jit3A_158 = arith.constant 2.048000e+03 : f32
    %broadcast_in_dim3A_159 = vector.broadcast %jit3A_158 : f32 to vector<256x1024xf32>
    %select_n3A_160 = arith.select %eq3A_157, %select_n3A_149, %broadcast_in_dim3A_159 : vector<256x1024xi1>, vector<256x1024xf32>
    %reduce_min3A_161 = arith.constant dense<0x7F800000> : vector<256xf32>
    %reduce_min3A_162 = vector.multi_reduction <minimumf>, %select_n3A_160, %reduce_min3A_161 [1] : vector<256x1024xf32> to vector<256xf32>
    %broadcast_in_dim3A_163 = vector.shape_cast %reduce_min3A_162 : vector<256xf32> to vector<256x1xf32>
    %eq3A_164 = vector.broadcast %broadcast_in_dim3A_163 : vector<256x1xf32> to vector<256x1024xf32>
    %eq3A_165 = arith.cmpf oeq, %select_n3A_160, %eq3A_164 : vector<256x1024xf32>
    %select_n3A_166 = arith.select %eq3A_165, %select_n3A_152, %select_n3A_148 : vector<256x1024xi1>, vector<256x1024xf32>
    %select_n3A_167 = arith.select %eq3A_165, %select_n3A_29, %select_n3A_149 : vector<256x1024xi1>, vector<256x1024xf32>
    %jit3A_168 = arith.constant 0x7F800000 : f32
    %broadcast_in_dim3A_169 = vector.broadcast %jit3A_168 : f32 to vector<256x1024xf32>
    %select_n3A_170 = arith.select %eq3A_165, %broadcast_in_dim3A_169, %select_n3A_152 : vector<256x1024xi1>, vector<256x1024xf32>
    %reduce_min3A_171 = arith.constant dense<0x7F800000> : vector<256xf32>
    %reduce_min3A_172 = vector.multi_reduction <minimumf>, %select_n3A_166, %reduce_min3A_171 [1] : vector<256x1024xf32> to vector<256xf32>
    %broadcast_in_dim3A_173 = vector.shape_cast %reduce_min3A_172 : vector<256xf32> to vector<256x1xf32>
    %eq3A_174 = vector.broadcast %broadcast_in_dim3A_173 : vector<256x1xf32> to vector<256x1024xf32>
    %eq3A_175 = arith.cmpf oeq, %select_n3A_166, %eq3A_174 : vector<256x1024xf32>
    %jit3A_176 = arith.constant 2.048000e+03 : f32
    %broadcast_in_dim3A_177 = vector.broadcast %jit3A_176 : f32 to vector<256x1024xf32>
    %select_n3A_178 = arith.select %eq3A_175, %select_n3A_167, %broadcast_in_dim3A_177 : vector<256x1024xi1>, vector<256x1024xf32>
    %reduce_min3A_179 = arith.constant dense<0x7F800000> : vector<256xf32>
    %reduce_min3A_180 = vector.multi_reduction <minimumf>, %select_n3A_178, %reduce_min3A_179 [1] : vector<256x1024xf32> to vector<256xf32>
    %broadcast_in_dim3A_181 = vector.shape_cast %reduce_min3A_180 : vector<256xf32> to vector<256x1xf32>
    %eq3A_182 = vector.broadcast %broadcast_in_dim3A_181 : vector<256x1xf32> to vector<256x1024xf32>
    %eq3A_183 = arith.cmpf oeq, %select_n3A_178, %eq3A_182 : vector<256x1024xf32>
    %select_n3A_184 = arith.select %eq3A_183, %select_n3A_170, %select_n3A_166 : vector<256x1024xi1>, vector<256x1024xf32>
    %select_n3A_185 = arith.select %eq3A_183, %select_n3A_29, %select_n3A_167 : vector<256x1024xi1>, vector<256x1024xf32>
    %jit3A_186 = arith.constant 0x7F800000 : f32
    %broadcast_in_dim3A_187 = vector.broadcast %jit3A_186 : f32 to vector<256x1024xf32>
    %select_n3A_188 = arith.select %eq3A_183, %broadcast_in_dim3A_187, %select_n3A_170 : vector<256x1024xi1>, vector<256x1024xf32>
    %reduce_min3A_189 = arith.constant dense<0x7F800000> : vector<256xf32>
    %reduce_min3A_190 = vector.multi_reduction <minimumf>, %select_n3A_184, %reduce_min3A_189 [1] : vector<256x1024xf32> to vector<256xf32>
    %broadcast_in_dim3A_191 = vector.shape_cast %reduce_min3A_190 : vector<256xf32> to vector<256x1xf32>
    %eq3A_192 = vector.broadcast %broadcast_in_dim3A_191 : vector<256x1xf32> to vector<256x1024xf32>
    %eq3A_193 = arith.cmpf oeq, %select_n3A_184, %eq3A_192 : vector<256x1024xf32>
    %jit3A_194 = arith.constant 2.048000e+03 : f32
    %broadcast_in_dim3A_195 = vector.broadcast %jit3A_194 : f32 to vector<256x1024xf32>
    %select_n3A_196 = arith.select %eq3A_193, %select_n3A_185, %broadcast_in_dim3A_195 : vector<256x1024xi1>, vector<256x1024xf32>
    %reduce_min3A_197 = arith.constant dense<0x7F800000> : vector<256xf32>
    %reduce_min3A_198 = vector.multi_reduction <minimumf>, %select_n3A_196, %reduce_min3A_197 [1] : vector<256x1024xf32> to vector<256xf32>
    %broadcast_in_dim3A_199 = vector.shape_cast %reduce_min3A_198 : vector<256xf32> to vector<256x1xf32>
    %eq3A_200 = vector.broadcast %broadcast_in_dim3A_199 : vector<256x1xf32> to vector<256x1024xf32>
    %eq3A_201 = arith.cmpf oeq, %select_n3A_196, %eq3A_200 : vector<256x1024xf32>
    %select_n3A_202 = arith.select %eq3A_201, %select_n3A_188, %select_n3A_184 : vector<256x1024xi1>, vector<256x1024xf32>
    %select_n3A_203 = arith.select %eq3A_201, %select_n3A_29, %select_n3A_185 : vector<256x1024xi1>, vector<256x1024xf32>
    %jit3A_204 = arith.constant 0x7F800000 : f32
    %broadcast_in_dim3A_205 = vector.broadcast %jit3A_204 : f32 to vector<256x1024xf32>
    %select_n3A_206 = arith.select %eq3A_201, %broadcast_in_dim3A_205, %select_n3A_188 : vector<256x1024xi1>, vector<256x1024xf32>
    %reduce_min3A_207 = arith.constant dense<0x7F800000> : vector<256xf32>
    %reduce_min3A_208 = vector.multi_reduction <minimumf>, %select_n3A_202, %reduce_min3A_207 [1] : vector<256x1024xf32> to vector<256xf32>
    %broadcast_in_dim3A_209 = vector.shape_cast %reduce_min3A_208 : vector<256xf32> to vector<256x1xf32>
    %eq3A_210 = vector.broadcast %broadcast_in_dim3A_209 : vector<256x1xf32> to vector<256x1024xf32>
    %eq3A_211 = arith.cmpf oeq, %select_n3A_202, %eq3A_210 : vector<256x1024xf32>
    %jit3A_212 = arith.constant 2.048000e+03 : f32
    %broadcast_in_dim3A_213 = vector.broadcast %jit3A_212 : f32 to vector<256x1024xf32>
    %select_n3A_214 = arith.select %eq3A_211, %select_n3A_203, %broadcast_in_dim3A_213 : vector<256x1024xi1>, vector<256x1024xf32>
    %reduce_min3A_215 = arith.constant dense<0x7F800000> : vector<256xf32>
    %reduce_min3A_216 = vector.multi_reduction <minimumf>, %select_n3A_214, %reduce_min3A_215 [1] : vector<256x1024xf32> to vector<256xf32>
    %broadcast_in_dim3A_217 = vector.shape_cast %reduce_min3A_216 : vector<256xf32> to vector<256x1xf32>
    %eq3A_218 = vector.broadcast %broadcast_in_dim3A_217 : vector<256x1xf32> to vector<256x1024xf32>
    %eq3A_219 = arith.cmpf oeq, %select_n3A_214, %eq3A_218 : vector<256x1024xf32>
    %select_n3A_220 = arith.select %eq3A_219, %select_n3A_206, %select_n3A_202 : vector<256x1024xi1>, vector<256x1024xf32>
    %select_n3A_221 = arith.select %eq3A_219, %select_n3A_29, %select_n3A_203 : vector<256x1024xi1>, vector<256x1024xf32>
    %jit3A_222 = arith.constant 0x7F800000 : f32
    %broadcast_in_dim3A_223 = vector.broadcast %jit3A_222 : f32 to vector<256x1024xf32>
    %select_n3A_224 = arith.select %eq3A_219, %broadcast_in_dim3A_223, %select_n3A_206 : vector<256x1024xi1>, vector<256x1024xf32>
    %reduce_min3A_225 = arith.constant dense<0x7F800000> : vector<256xf32>
    %reduce_min3A_226 = vector.multi_reduction <minimumf>, %select_n3A_220, %reduce_min3A_225 [1] : vector<256x1024xf32> to vector<256xf32>
    %broadcast_in_dim3A_227 = vector.shape_cast %reduce_min3A_226 : vector<256xf32> to vector<256x1xf32>
    %eq3A_228 = vector.broadcast %broadcast_in_dim3A_227 : vector<256x1xf32> to vector<256x1024xf32>
    %eq3A_229 = arith.cmpf oeq, %select_n3A_220, %eq3A_228 : vector<256x1024xf32>
    %jit3A_230 = arith.constant 2.048000e+03 : f32
    %broadcast_in_dim3A_231 = vector.broadcast %jit3A_230 : f32 to vector<256x1024xf32>
    %select_n3A_232 = arith.select %eq3A_229, %select_n3A_221, %broadcast_in_dim3A_231 : vector<256x1024xi1>, vector<256x1024xf32>
    %reduce_min3A_233 = arith.constant dense<0x7F800000> : vector<256xf32>
    %reduce_min3A_234 = vector.multi_reduction <minimumf>, %select_n3A_232, %reduce_min3A_233 [1] : vector<256x1024xf32> to vector<256xf32>
    %broadcast_in_dim3A_235 = vector.shape_cast %reduce_min3A_234 : vector<256xf32> to vector<256x1xf32>
    %eq3A_236 = vector.broadcast %broadcast_in_dim3A_235 : vector<256x1xf32> to vector<256x1024xf32>
    %eq3A_237 = arith.cmpf oeq, %select_n3A_232, %eq3A_236 : vector<256x1024xf32>
    %select_n3A_238 = arith.select %eq3A_237, %select_n3A_224, %select_n3A_220 : vector<256x1024xi1>, vector<256x1024xf32>
    %select_n3A_239 = arith.select %eq3A_237, %select_n3A_29, %select_n3A_221 : vector<256x1024xi1>, vector<256x1024xf32>
    %jit3A_240 = arith.constant 0x7F800000 : f32
    %broadcast_in_dim3A_241 = vector.broadcast %jit3A_240 : f32 to vector<256x1024xf32>
    %select_n3A_242 = arith.select %eq3A_237, %broadcast_in_dim3A_241, %select_n3A_224 : vector<256x1024xi1>, vector<256x1024xf32>
    %reduce_min3A_243 = arith.constant dense<0x7F800000> : vector<256xf32>
    %reduce_min3A_244 = vector.multi_reduction <minimumf>, %select_n3A_238, %reduce_min3A_243 [1] : vector<256x1024xf32> to vector<256xf32>
    %broadcast_in_dim3A_245 = vector.shape_cast %reduce_min3A_244 : vector<256xf32> to vector<256x1xf32>
    %eq3A_246 = vector.broadcast %broadcast_in_dim3A_245 : vector<256x1xf32> to vector<256x1024xf32>
    %eq3A_247 = arith.cmpf oeq, %select_n3A_238, %eq3A_246 : vector<256x1024xf32>
    %jit3A_248 = arith.constant 2.048000e+03 : f32
    %broadcast_in_dim3A_249 = vector.broadcast %jit3A_248 : f32 to vector<256x1024xf32>
    %select_n3A_250 = arith.select %eq3A_247, %select_n3A_239, %broadcast_in_dim3A_249 : vector<256x1024xi1>, vector<256x1024xf32>
    %reduce_min3A_251 = arith.constant dense<0x7F800000> : vector<256xf32>
    %reduce_min3A_252 = vector.multi_reduction <minimumf>, %select_n3A_250, %reduce_min3A_251 [1] : vector<256x1024xf32> to vector<256xf32>
    %broadcast_in_dim3A_253 = vector.shape_cast %reduce_min3A_252 : vector<256xf32> to vector<256x1xf32>
    %eq3A_254 = vector.broadcast %broadcast_in_dim3A_253 : vector<256x1xf32> to vector<256x1024xf32>
    %eq3A_255 = arith.cmpf oeq, %select_n3A_250, %eq3A_254 : vector<256x1024xf32>
    %select_n3A_256 = arith.select %eq3A_255, %select_n3A_242, %select_n3A_238 : vector<256x1024xi1>, vector<256x1024xf32>
    %select_n3A_257 = arith.select %eq3A_255, %select_n3A_29, %select_n3A_239 : vector<256x1024xi1>, vector<256x1024xf32>
    %jit3A_258 = arith.constant 0x7F800000 : f32
    %broadcast_in_dim3A_259 = vector.broadcast %jit3A_258 : f32 to vector<256x1024xf32>
    %select_n3A_260 = arith.select %eq3A_255, %broadcast_in_dim3A_259, %select_n3A_242 : vector<256x1024xi1>, vector<256x1024xf32>
    %reduce_min3A_261 = arith.constant dense<0x7F800000> : vector<256xf32>
    %reduce_min3A_262 = vector.multi_reduction <minimumf>, %select_n3A_256, %reduce_min3A_261 [1] : vector<256x1024xf32> to vector<256xf32>
    %broadcast_in_dim3A_263 = vector.shape_cast %reduce_min3A_262 : vector<256xf32> to vector<256x1xf32>
    %eq3A_264 = vector.broadcast %broadcast_in_dim3A_263 : vector<256x1xf32> to vector<256x1024xf32>
    %eq3A_265 = arith.cmpf oeq, %select_n3A_256, %eq3A_264 : vector<256x1024xf32>
    %jit3A_266 = arith.constant 2.048000e+03 : f32
    %broadcast_in_dim3A_267 = vector.broadcast %jit3A_266 : f32 to vector<256x1024xf32>
    %select_n3A_268 = arith.select %eq3A_265, %select_n3A_257, %broadcast_in_dim3A_267 : vector<256x1024xi1>, vector<256x1024xf32>
    %reduce_min3A_269 = arith.constant dense<0x7F800000> : vector<256xf32>
    %reduce_min3A_270 = vector.multi_reduction <minimumf>, %select_n3A_268, %reduce_min3A_269 [1] : vector<256x1024xf32> to vector<256xf32>
    %broadcast_in_dim3A_271 = vector.shape_cast %reduce_min3A_270 : vector<256xf32> to vector<256x1xf32>
    %eq3A_272 = vector.broadcast %broadcast_in_dim3A_271 : vector<256x1xf32> to vector<256x1024xf32>
    %eq3A_273 = arith.cmpf oeq, %select_n3A_268, %eq3A_272 : vector<256x1024xf32>
    %select_n3A_274 = arith.select %eq3A_273, %select_n3A_260, %select_n3A_256 : vector<256x1024xi1>, vector<256x1024xf32>
    %select_n3A_275 = arith.select %eq3A_273, %select_n3A_29, %select_n3A_257 : vector<256x1024xi1>, vector<256x1024xf32>
    %jit3A_276 = arith.constant 0x7F800000 : f32
    %broadcast_in_dim3A_277 = vector.broadcast %jit3A_276 : f32 to vector<256x1024xf32>
    %select_n3A_278 = arith.select %eq3A_273, %broadcast_in_dim3A_277, %select_n3A_260 : vector<256x1024xi1>, vector<256x1024xf32>
    %reduce_min3A_279 = arith.constant dense<0x7F800000> : vector<256xf32>
    %reduce_min3A_280 = vector.multi_reduction <minimumf>, %select_n3A_274, %reduce_min3A_279 [1] : vector<256x1024xf32> to vector<256xf32>
    %broadcast_in_dim3A_281 = vector.shape_cast %reduce_min3A_280 : vector<256xf32> to vector<256x1xf32>
    %eq3A_282 = vector.broadcast %broadcast_in_dim3A_281 : vector<256x1xf32> to vector<256x1024xf32>
    %eq3A_283 = arith.cmpf oeq, %select_n3A_274, %eq3A_282 : vector<256x1024xf32>
    %jit3A_284 = arith.constant 2.048000e+03 : f32
    %broadcast_in_dim3A_285 = vector.broadcast %jit3A_284 : f32 to vector<256x1024xf32>
    %select_n3A_286 = arith.select %eq3A_283, %select_n3A_275, %broadcast_in_dim3A_285 : vector<256x1024xi1>, vector<256x1024xf32>
    %reduce_min3A_287 = arith.constant dense<0x7F800000> : vector<256xf32>
    %reduce_min3A_288 = vector.multi_reduction <minimumf>, %select_n3A_286, %reduce_min3A_287 [1] : vector<256x1024xf32> to vector<256xf32>
    %broadcast_in_dim3A_289 = vector.shape_cast %reduce_min3A_288 : vector<256xf32> to vector<256x1xf32>
    %eq3A_290 = vector.broadcast %broadcast_in_dim3A_289 : vector<256x1xf32> to vector<256x1024xf32>
    %eq3A_291 = arith.cmpf oeq, %select_n3A_286, %eq3A_290 : vector<256x1024xf32>
    %select_n3A_292 = arith.select %eq3A_291, %select_n3A_278, %select_n3A_274 : vector<256x1024xi1>, vector<256x1024xf32>
    %select_n3A_293 = arith.select %eq3A_291, %select_n3A_29, %select_n3A_275 : vector<256x1024xi1>, vector<256x1024xf32>
    %jit3A_294 = arith.constant 0x7F800000 : f32
    %broadcast_in_dim3A_295 = vector.broadcast %jit3A_294 : f32 to vector<256x1024xf32>
    %select_n3A_296 = arith.select %eq3A_291, %broadcast_in_dim3A_295, %select_n3A_278 : vector<256x1024xi1>, vector<256x1024xf32>
    %reduce_min3A_297 = arith.constant dense<0x7F800000> : vector<256xf32>
    %reduce_min3A_298 = vector.multi_reduction <minimumf>, %select_n3A_292, %reduce_min3A_297 [1] : vector<256x1024xf32> to vector<256xf32>
    %broadcast_in_dim3A_299 = vector.shape_cast %reduce_min3A_298 : vector<256xf32> to vector<256x1xf32>
    %eq3A_300 = vector.broadcast %broadcast_in_dim3A_299 : vector<256x1xf32> to vector<256x1024xf32>
    %eq3A_301 = arith.cmpf oeq, %select_n3A_292, %eq3A_300 : vector<256x1024xf32>
    %jit3A_302 = arith.constant 2.048000e+03 : f32
    %broadcast_in_dim3A_303 = vector.broadcast %jit3A_302 : f32 to vector<256x1024xf32>
    %select_n3A_304 = arith.select %eq3A_301, %select_n3A_293, %broadcast_in_dim3A_303 : vector<256x1024xi1>, vector<256x1024xf32>
    %reduce_min3A_305 = arith.constant dense<0x7F800000> : vector<256xf32>
    %reduce_min3A_306 = vector.multi_reduction <minimumf>, %select_n3A_304, %reduce_min3A_305 [1] : vector<256x1024xf32> to vector<256xf32>
    %broadcast_in_dim3A_307 = vector.shape_cast %reduce_min3A_306 : vector<256xf32> to vector<256x1xf32>
    %eq3A_308 = vector.broadcast %broadcast_in_dim3A_307 : vector<256x1xf32> to vector<256x1024xf32>
    %eq3A_309 = arith.cmpf oeq, %select_n3A_304, %eq3A_308 : vector<256x1024xf32>
    %select_n3A_310 = arith.select %eq3A_309, %select_n3A_296, %select_n3A_292 : vector<256x1024xi1>, vector<256x1024xf32>
    %select_n3A_311 = arith.select %eq3A_309, %select_n3A_29, %select_n3A_293 : vector<256x1024xi1>, vector<256x1024xf32>
    %reduce_min3A_312 = arith.constant dense<0x7F800000> : vector<256xf32>
    %reduce_min3A_313 = vector.multi_reduction <minimumf>, %select_n3A_310, %reduce_min3A_312 [1] : vector<256x1024xf32> to vector<256xf32>
    %broadcast_in_dim3A_314 = vector.shape_cast %reduce_min3A_313 : vector<256xf32> to vector<256x1xf32>
    %eq3A_315 = vector.broadcast %broadcast_in_dim3A_314 : vector<256x1xf32> to vector<256x1024xf32>
    %eq3A_316 = arith.cmpf oeq, %select_n3A_310, %eq3A_315 : vector<256x1024xf32>
    %jit3A_317 = arith.constant 2.048000e+03 : f32
    %broadcast_in_dim3A_318 = vector.broadcast %jit3A_317 : f32 to vector<256x1024xf32>
    %select_n3A_319 = arith.select %eq3A_316, %select_n3A_311, %broadcast_in_dim3A_318 : vector<256x1024xi1>, vector<256x1024xf32>
    %reduce_min3A_320 = arith.constant dense<0x7F800000> : vector<256xf32>
    %reduce_min3A_321 = vector.multi_reduction <minimumf>, %select_n3A_319, %reduce_min3A_320 [1] : vector<256x1024xf32> to vector<256xf32>
    %broadcast_in_dim3A_322 = vector.shape_cast %reduce_min3A_321 : vector<256xf32> to vector<256x1xf32>
    %mul3A_323 = arith.constant 2048 : i32
    %mul3A_324 = arith.muli %arg0, %mul3A_323 : i32
    %concatenate3A = tpu.concatenate %broadcast_in_dim3A_55, %broadcast_in_dim3A_73, %broadcast_in_dim3A_91, %broadcast_in_dim3A_109, %broadcast_in_dim3A_127, %broadcast_in_dim3A_145, %broadcast_in_dim3A_163, %broadcast_in_dim3A_181, %broadcast_in_dim3A_199, %broadcast_in_dim3A_217, %broadcast_in_dim3A_235, %broadcast_in_dim3A_253, %broadcast_in_dim3A_271, %broadcast_in_dim3A_289, %broadcast_in_dim3A_307, %broadcast_in_dim3A_322 in 1 : vector<256x1xf32>, vector<256x1xf32>, vector<256x1xf32>, vector<256x1xf32>, vector<256x1xf32>, vector<256x1xf32>, vector<256x1xf32>, vector<256x1xf32>, vector<256x1xf32>, vector<256x1xf32>, vector<256x1xf32>, vector<256x1xf32>, vector<256x1xf32>, vector<256x1xf32>, vector<256x1xf32>, vector<256x1xf32> -> vector<256x16xf32>
    %convert_element_type3A_325 = arith.fptosi %concatenate3A : vector<256x16xf32> to vector<256x16xi32>
    %add3A_326 = vector.broadcast %mul3A_324 : i32 to vector<256x16xi32>
    %add3A_327 = arith.addi %convert_element_type3A_325, %add3A_326 : vector<256x16xi32>
    %swap3A = arith.constant 0 : index
    %swap3A_328 = arith.constant 0 : index
    %swap3A_329 = arith.constant 0 : index
    %swap3A_330 = vector.load %arg4[%swap3A, %swap3A_328, %swap3A_329] : memref<1x256x16xi32, #tpu.memory_space<vmem>>, vector<1x256x16xi32>
    %swap3A_331 = vector.shape_cast %swap3A_330 : vector<1x256x16xi32> to vector<256x16xi32>
    %swap3A_332 = vector.shape_cast %add3A_327 : vector<256x16xi32> to vector<1x256x16xi32>
    tpu.vector_store %arg4[%swap3A, %swap3A_328, %swap3A_329], %swap3A_332 {strides = array<i32>} : memref<1x256x16xi32, #tpu.memory_space<vmem>>, vector<1x256x16xi32>,
    return
  }
  func.func @transform_0(%arg0: i32, %arg1: i32) -> (i32, i32, i32) {
    %c0_i32 = arith.constant 0 : i32
    %c0_i32_0 = arith.constant 0 : i32
    %c0_i32_1 = arith.constant 0 : i32
    return %arg0, %c0_i32, %c0_i32_0 : i32, i32, i32
  }
  func.func @transform_1(%arg0: i32, %arg1: i32) -> (i32, i32, i32) {
    %c0_i32 = arith.constant 0 : i32
    %c0_i32_0 = arith.constant 0 : i32
    return %arg0, %arg1, %c0_i32 : i32, i32, i32
  }
  func.func @transform_2(%arg0: i32, %arg1: i32) -> (i32, i32, i32) {
    %c0_i32 = arith.constant 0 : i32
    %c0_i32_0 = arith.constant 0 : i32
    return %arg0, %arg1, %c0_i32 : i32, i32, i32
  }
}

module attributes {stable_mosaic.version = 14 : i64} {
  func.func @_conv_body(%arg0: i32, %arg1: i32, %arg2: memref<1x256x64xf32, #tpu.memory_space<vmem>>, %arg3: memref<1x256x1024xf32, #tpu.memory_space<vmem>>, %arg4: memref<1024x64xf32, #tpu.memory_space<vmem>>, %arg5: memref<64x64xf32, #tpu.memory_space<vmem>>, %arg6: memref<64xf32, #tpu.memory_space<vmem>>, %arg7: memref<1x256x64xf32, #tpu.memory_space<vmem>>, %arg8: memref<1x8x64xf32, #tpu.memory_space<vmem>>, %arg9: memref<1x8x64xf32, #tpu.memory_space<vmem>>) attributes {dimension_semantics = [#tpu.dimension_semantics<arbitrary>, #tpu.dimension_semantics<arbitrary>], iteration_bounds = array<i64: 1, 8>, scalar_prefetch = 0 : i64, scratch_operands = 0 : i64, tpu.core_type = #tpu.core_type<tc>, window_params = [{transform_indices = @transform_0, window_bounds = array<i64: 1, 256, 64>}, {transform_indices = @transform_1, window_bounds = array<i64: 1, 256, 1024>}, {pipeline_mode = #tpu.pipeline_mode<synchronous>, transform_indices = @transform_2, window_bounds = array<i64: 1024, 64>}, {pipeline_mode = #tpu.pipeline_mode<synchronous>, transform_indices = @transform_3, window_bounds = array<i64: 64, 64>}, {pipeline_mode = #tpu.pipeline_mode<synchronous>, transform_indices = @transform_4, window_bounds = array<i64: 64>}, {transform_indices = @transform_5, window_bounds = array<i64: 1, 256, 64>}, {transform_indices = @transform_6, window_bounds = array<i64: 1, 8, 64>}, {transform_indices = @transform_7, window_bounds = array<i64: 1, 8, 64>}]} {
    %get3A = arith.constant 0 : index
    %get3A_0 = arith.constant 0 : index
    %get3A_1 = arith.constant 0 : index
    %get3A_2 = vector.load %arg2[%get3A, %get3A_0, %get3A_1] : memref<1x256x64xf32, #tpu.memory_space<vmem>>, vector<1x256x64xf32>
    %get3A_3 = vector.shape_cast %get3A_2 : vector<1x256x64xf32> to vector<256x64xf32>
    %get3A_4 = arith.constant 0 : index
    %get3A_5 = arith.constant 0 : index
    %get3A_6 = vector.load %arg5[%get3A_4, %get3A_5] : memref<64x64xf32, #tpu.memory_space<vmem>>, vector<64x64xf32>
    %dot_general3A = arith.constant dense<0.000000e+00> : vector<256x64xf32>
    %dot_general3A_7 = tpu.matmul %get3A_3, %get3A_6, %dot_general3A {dimension_numbers = #tpu.dot_dimension_numbers<[1], [0], [0], [1], [0, 0, 1, 1], [], []>, transpose_lhs_hint = false} : vector<256x64xf32>, vector<64x64xf32>, vector<256x64xf32> -> vector<256x64xf32>
    %get3A_8 = arith.constant 0 : index
    %get3A_9 = arith.constant 0 : index
    %get3A_10 = arith.constant 0 : index
    %get3A_11 = vector.load %arg3[%get3A_8, %get3A_9, %get3A_10] : memref<1x256x1024xf32, #tpu.memory_space<vmem>>, vector<1x256x1024xf32>
    %get3A_12 = vector.shape_cast %get3A_11 : vector<1x256x1024xf32> to vector<256x1024xf32>
    %get3A_13 = arith.constant 0 : index
    %get3A_14 = arith.constant 0 : index
    %get3A_15 = vector.load %arg4[%get3A_13, %get3A_14] : memref<1024x64xf32, #tpu.memory_space<vmem>>, vector<1024x64xf32>
    %dot_general3A_16 = arith.constant dense<0.000000e+00> : vector<256x64xf32>
    %dot_general3A_17 = tpu.matmul %get3A_12, %get3A_15, %dot_general3A_16 {dimension_numbers = #tpu.dot_dimension_numbers<[1], [0], [0], [1], [0, 0, 1, 1], [], []>, transpose_lhs_hint = false} : vector<256x1024xf32>, vector<1024x64xf32>, vector<256x64xf32> -> vector<256x64xf32>
    %add3A = arith.addf %dot_general3A_7, %dot_general3A_17 : vector<256x64xf32>
    %get3A_18 = arith.constant 0 : index
    %get3A_19 = vector.load %arg6[%get3A_18] : memref<64xf32, #tpu.memory_space<vmem>>, vector<64xf32>
    %broadcast_in_dim3A = vector.shape_cast %get3A_19 : vector<64xf32> to vector<1x64xf32>
    %add3A_20 = vector.broadcast %broadcast_in_dim3A : vector<1x64xf32> to vector<256x64xf32>
    %add3A_21 = arith.addf %add3A, %add3A_20 : vector<256x64xf32>
    %swap3A = arith.constant 0 : index
    %swap3A_22 = arith.constant 0 : index
    %swap3A_23 = arith.constant 0 : index
    %swap3A_24 = vector.load %arg7[%swap3A, %swap3A_22, %swap3A_23] : memref<1x256x64xf32, #tpu.memory_space<vmem>>, vector<1x256x64xf32>
    %swap3A_25 = vector.shape_cast %swap3A_24 : vector<1x256x64xf32> to vector<256x64xf32>
    %swap3A_26 = vector.shape_cast %add3A_21 : vector<256x64xf32> to vector<1x256x64xf32>
    tpu.vector_store %arg7[%swap3A, %swap3A_22, %swap3A_23], %swap3A_26 {strides = array<i32>} : memref<1x256x64xf32, #tpu.memory_space<vmem>>, vector<1x256x64xf32>,
    %reduce_sum3A = arith.constant dense<0.000000e+00> : vector<64xf32>
    %reduce_sum3A_27 = vector.multi_reduction <add>, %add3A_21, %reduce_sum3A [0] : vector<256x64xf32> to vector<64xf32>
    %swap3A_28 = arith.constant 0 : index
    %swap3A_29 = arith.index_cast %arg1 : i32 to index
    %swap3A_30 = arith.constant 0 : index
    %swap3A_31 = vector.load %arg8[%swap3A_28, %swap3A_29, %swap3A_30] : memref<1x8x64xf32, #tpu.memory_space<vmem>>, vector<1x1x64xf32>
    %swap3A_32 = vector.shape_cast %swap3A_31 : vector<1x1x64xf32> to vector<64xf32>
    %swap3A_33 = vector.shape_cast %reduce_sum3A_27 : vector<64xf32> to vector<1x1x64xf32>
    tpu.vector_store %arg8[%swap3A_28, %swap3A_29, %swap3A_30], %swap3A_33 {strides = array<i32>} : memref<1x8x64xf32, #tpu.memory_space<vmem>>, vector<1x1x64xf32>,
    %mul3A = arith.mulf %add3A_21, %add3A_21 : vector<256x64xf32>
    %reduce_sum3A_34 = arith.constant dense<0.000000e+00> : vector<64xf32>
    %reduce_sum3A_35 = vector.multi_reduction <add>, %mul3A, %reduce_sum3A_34 [0] : vector<256x64xf32> to vector<64xf32>
    %swap3A_36 = arith.constant 0 : index
    %swap3A_37 = arith.index_cast %arg1 : i32 to index
    %swap3A_38 = arith.constant 0 : index
    %swap3A_39 = vector.load %arg9[%swap3A_36, %swap3A_37, %swap3A_38] : memref<1x8x64xf32, #tpu.memory_space<vmem>>, vector<1x1x64xf32>
    %swap3A_40 = vector.shape_cast %swap3A_39 : vector<1x1x64xf32> to vector<64xf32>
    %swap3A_41 = vector.shape_cast %reduce_sum3A_35 : vector<64xf32> to vector<1x1x64xf32>
    tpu.vector_store %arg9[%swap3A_36, %swap3A_37, %swap3A_38], %swap3A_41 {strides = array<i32>} : memref<1x8x64xf32, #tpu.memory_space<vmem>>, vector<1x1x64xf32>,
    return
  }
  func.func @transform_0(%arg0: i32, %arg1: i32) -> (i32, i32, i32) {
    %c0_i32 = arith.constant 0 : i32
    %c0_i32_0 = arith.constant 0 : i32
    return %arg0, %arg1, %c0_i32 : i32, i32, i32
  }
  func.func @transform_1(%arg0: i32, %arg1: i32) -> (i32, i32, i32) {
    %c0_i32 = arith.constant 0 : i32
    %c0_i32_0 = arith.constant 0 : i32
    return %arg0, %arg1, %c0_i32 : i32, i32, i32
  }
  func.func @transform_2(%arg0: i32, %arg1: i32) -> (i32, i32) {
    %c0_i32 = arith.constant 0 : i32
    %c0_i32_0 = arith.constant 0 : i32
    %c0_i32_1 = arith.constant 0 : i32
    return %c0_i32, %c0_i32_0 : i32, i32
  }
  func.func @transform_3(%arg0: i32, %arg1: i32) -> (i32, i32) {
    %c0_i32 = arith.constant 0 : i32
    %c0_i32_0 = arith.constant 0 : i32
    %c0_i32_1 = arith.constant 0 : i32
    return %c0_i32, %c0_i32_0 : i32, i32
  }
  func.func @transform_4(%arg0: i32, %arg1: i32) -> i32 {
    %c0_i32 = arith.constant 0 : i32
    %c0_i32_0 = arith.constant 0 : i32
    return %c0_i32 : i32
  }
  func.func @transform_5(%arg0: i32, %arg1: i32) -> (i32, i32, i32) {
    %c0_i32 = arith.constant 0 : i32
    %c0_i32_0 = arith.constant 0 : i32
    return %arg0, %arg1, %c0_i32 : i32, i32, i32
  }
  func.func @transform_6(%arg0: i32, %arg1: i32) -> (i32, i32, i32) {
    %c0_i32 = arith.constant 0 : i32
    %c0_i32_0 = arith.constant 0 : i32
    %c0_i32_1 = arith.constant 0 : i32
    return %arg0, %c0_i32, %c0_i32_0 : i32, i32, i32
  }
  func.func @transform_7(%arg0: i32, %arg1: i32) -> (i32, i32, i32) {
    %c0_i32 = arith.constant 0 : i32
    %c0_i32_0 = arith.constant 0 : i32
    %c0_i32_1 = arith.constant 0 : i32
    return %arg0, %c0_i32, %c0_i32_0 : i32, i32, i32
  }
}

module attributes {stable_mosaic.version = 14 : i64} {
  func.func @_conv_body(%arg0: i32, %arg1: i32, %arg2: memref<1x256x64xf32, #tpu.memory_space<vmem>>, %arg3: memref<1x256x1024xf32, #tpu.memory_space<vmem>>, %arg4: memref<1024x64xf32, #tpu.memory_space<vmem>>, %arg5: memref<64x64xf32, #tpu.memory_space<vmem>>, %arg6: memref<64xf32, #tpu.memory_space<vmem>>, %arg7: memref<1x256x64xf32, #tpu.memory_space<vmem>>, %arg8: memref<1x8x64xf32, #tpu.memory_space<vmem>>, %arg9: memref<1x8x64xf32, #tpu.memory_space<vmem>>) attributes {dimension_semantics = [#tpu.dimension_semantics<arbitrary>, #tpu.dimension_semantics<arbitrary>], iteration_bounds = array<i64: 1, 8>, scalar_prefetch = 0 : i64, scratch_operands = 0 : i64, tpu.core_type = #tpu.core_type<tc>, window_params = [{transform_indices = @transform_0, window_bounds = array<i64: 1, 256, 64>}, {transform_indices = @transform_1, window_bounds = array<i64: 1, 256, 1024>}, {pipeline_mode = #tpu.pipeline_mode<synchronous>, transform_indices = @transform_2, window_bounds = array<i64: 1024, 64>}, {pipeline_mode = #tpu.pipeline_mode<synchronous>, transform_indices = @transform_3, window_bounds = array<i64: 64, 64>}, {pipeline_mode = #tpu.pipeline_mode<synchronous>, transform_indices = @transform_4, window_bounds = array<i64: 64>}, {transform_indices = @transform_5, window_bounds = array<i64: 1, 256, 64>}, {transform_indices = @transform_6, window_bounds = array<i64: 1, 8, 64>}, {transform_indices = @transform_7, window_bounds = array<i64: 1, 8, 64>}]} {
    %get3A = arith.constant 0 : index
    %get3A_0 = arith.constant 0 : index
    %get3A_1 = arith.constant 0 : index
    %get3A_2 = vector.load %arg2[%get3A, %get3A_0, %get3A_1] : memref<1x256x64xf32, #tpu.memory_space<vmem>>, vector<1x256x64xf32>
    %get3A_3 = vector.shape_cast %get3A_2 : vector<1x256x64xf32> to vector<256x64xf32>
    %get3A_4 = arith.constant 0 : index
    %get3A_5 = arith.constant 0 : index
    %get3A_6 = vector.load %arg5[%get3A_4, %get3A_5] : memref<64x64xf32, #tpu.memory_space<vmem>>, vector<64x64xf32>
    %dot_general3A = arith.constant dense<0.000000e+00> : vector<256x64xf32>
    %dot_general3A_7 = tpu.matmul %get3A_3, %get3A_6, %dot_general3A {dimension_numbers = #tpu.dot_dimension_numbers<[1], [0], [0], [1], [0, 0, 1, 1], [], []>, transpose_lhs_hint = false} : vector<256x64xf32>, vector<64x64xf32>, vector<256x64xf32> -> vector<256x64xf32>
    %get3A_8 = arith.constant 0 : index
    %get3A_9 = arith.constant 0 : index
    %get3A_10 = arith.constant 0 : index
    %get3A_11 = vector.load %arg3[%get3A_8, %get3A_9, %get3A_10] : memref<1x256x1024xf32, #tpu.memory_space<vmem>>, vector<1x256x1024xf32>
    %get3A_12 = vector.shape_cast %get3A_11 : vector<1x256x1024xf32> to vector<256x1024xf32>
    %get3A_13 = arith.constant 0 : index
    %get3A_14 = arith.constant 0 : index
    %get3A_15 = vector.load %arg4[%get3A_13, %get3A_14] : memref<1024x64xf32, #tpu.memory_space<vmem>>, vector<1024x64xf32>
    %dot_general3A_16 = arith.constant dense<0.000000e+00> : vector<256x64xf32>
    %dot_general3A_17 = tpu.matmul %get3A_12, %get3A_15, %dot_general3A_16 {dimension_numbers = #tpu.dot_dimension_numbers<[1], [0], [0], [1], [0, 0, 1, 1], [], []>, transpose_lhs_hint = false} : vector<256x1024xf32>, vector<1024x64xf32>, vector<256x64xf32> -> vector<256x64xf32>
    %add3A = arith.addf %dot_general3A_7, %dot_general3A_17 : vector<256x64xf32>
    %get3A_18 = arith.constant 0 : index
    %get3A_19 = vector.load %arg6[%get3A_18] : memref<64xf32, #tpu.memory_space<vmem>>, vector<64xf32>
    %broadcast_in_dim3A = vector.shape_cast %get3A_19 : vector<64xf32> to vector<1x64xf32>
    %add3A_20 = vector.broadcast %broadcast_in_dim3A : vector<1x64xf32> to vector<256x64xf32>
    %add3A_21 = arith.addf %add3A, %add3A_20 : vector<256x64xf32>
    %swap3A = arith.constant 0 : index
    %swap3A_22 = arith.constant 0 : index
    %swap3A_23 = arith.constant 0 : index
    %swap3A_24 = vector.load %arg7[%swap3A, %swap3A_22, %swap3A_23] : memref<1x256x64xf32, #tpu.memory_space<vmem>>, vector<1x256x64xf32>
    %swap3A_25 = vector.shape_cast %swap3A_24 : vector<1x256x64xf32> to vector<256x64xf32>
    %swap3A_26 = vector.shape_cast %add3A_21 : vector<256x64xf32> to vector<1x256x64xf32>
    tpu.vector_store %arg7[%swap3A, %swap3A_22, %swap3A_23], %swap3A_26 {strides = array<i32>} : memref<1x256x64xf32, #tpu.memory_space<vmem>>, vector<1x256x64xf32>,
    %reduce_sum3A = arith.constant dense<0.000000e+00> : vector<64xf32>
    %reduce_sum3A_27 = vector.multi_reduction <add>, %add3A_21, %reduce_sum3A [0] : vector<256x64xf32> to vector<64xf32>
    %swap3A_28 = arith.constant 0 : index
    %swap3A_29 = arith.index_cast %arg1 : i32 to index
    %swap3A_30 = arith.constant 0 : index
    %swap3A_31 = vector.load %arg8[%swap3A_28, %swap3A_29, %swap3A_30] : memref<1x8x64xf32, #tpu.memory_space<vmem>>, vector<1x1x64xf32>
    %swap3A_32 = vector.shape_cast %swap3A_31 : vector<1x1x64xf32> to vector<64xf32>
    %swap3A_33 = vector.shape_cast %reduce_sum3A_27 : vector<64xf32> to vector<1x1x64xf32>
    tpu.vector_store %arg8[%swap3A_28, %swap3A_29, %swap3A_30], %swap3A_33 {strides = array<i32>} : memref<1x8x64xf32, #tpu.memory_space<vmem>>, vector<1x1x64xf32>,
    %mul3A = arith.mulf %add3A_21, %add3A_21 : vector<256x64xf32>
    %reduce_sum3A_34 = arith.constant dense<0.000000e+00> : vector<64xf32>
    %reduce_sum3A_35 = vector.multi_reduction <add>, %mul3A, %reduce_sum3A_34 [0] : vector<256x64xf32> to vector<64xf32>
    %swap3A_36 = arith.constant 0 : index
    %swap3A_37 = arith.index_cast %arg1 : i32 to index
    %swap3A_38 = arith.constant 0 : index
    %swap3A_39 = vector.load %arg9[%swap3A_36, %swap3A_37, %swap3A_38] : memref<1x8x64xf32, #tpu.memory_space<vmem>>, vector<1x1x64xf32>
    %swap3A_40 = vector.shape_cast %swap3A_39 : vector<1x1x64xf32> to vector<64xf32>
    %swap3A_41 = vector.shape_cast %reduce_sum3A_35 : vector<64xf32> to vector<1x1x64xf32>
    tpu.vector_store %arg9[%swap3A_36, %swap3A_37, %swap3A_38], %swap3A_41 {strides = array<i32>} : memref<1x8x64xf32, #tpu.memory_space<vmem>>, vector<1x1x64xf32>,
    return
  }
  func.func @transform_0(%arg0: i32, %arg1: i32) -> (i32, i32, i32) {
    %c0_i32 = arith.constant 0 : i32
    %c0_i32_0 = arith.constant 0 : i32
    return %arg0, %arg1, %c0_i32 : i32, i32, i32
  }
  func.func @transform_1(%arg0: i32, %arg1: i32) -> (i32, i32, i32) {
    %c0_i32 = arith.constant 0 : i32
    %c0_i32_0 = arith.constant 0 : i32
    return %arg0, %arg1, %c0_i32 : i32, i32, i32
  }
  func.func @transform_2(%arg0: i32, %arg1: i32) -> (i32, i32) {
    %c0_i32 = arith.constant 0 : i32
    %c0_i32_0 = arith.constant 0 : i32
    %c0_i32_1 = arith.constant 0 : i32
    return %c0_i32, %c0_i32_0 : i32, i32
  }
  func.func @transform_3(%arg0: i32, %arg1: i32) -> (i32, i32) {
    %c0_i32 = arith.constant 0 : i32
    %c0_i32_0 = arith.constant 0 : i32
    %c0_i32_1 = arith.constant 0 : i32
    return %c0_i32, %c0_i32_0 : i32, i32
  }
  func.func @transform_4(%arg0: i32, %arg1: i32) -> i32 {
    %c0_i32 = arith.constant 0 : i32
    %c0_i32_0 = arith.constant 0 : i32
    return %c0_i32 : i32
  }
  func.func @transform_5(%arg0: i32, %arg1: i32) -> (i32, i32, i32) {
    %c0_i32 = arith.constant 0 : i32
    %c0_i32_0 = arith.constant 0 : i32
    return %arg0, %arg1, %c0_i32 : i32, i32, i32
  }
  func.func @transform_6(%arg0: i32, %arg1: i32) -> (i32, i32, i32) {
    %c0_i32 = arith.constant 0 : i32
    %c0_i32_0 = arith.constant 0 : i32
    %c0_i32_1 = arith.constant 0 : i32
    return %arg0, %c0_i32, %c0_i32_0 : i32, i32, i32
  }
  func.func @transform_7(%arg0: i32, %arg1: i32) -> (i32, i32, i32) {
    %c0_i32 = arith.constant 0 : i32
    %c0_i32_0 = arith.constant 0 : i32
    %c0_i32_1 = arith.constant 0 : i32
    return %arg0, %c0_i32, %c0_i32_0 : i32, i32, i32
  }
}

module attributes {stable_mosaic.version = 14 : i64} {
  func.func @_conv_body(%arg0: i32, %arg1: i32, %arg2: memref<1x256x64xf32, #tpu.memory_space<vmem>>, %arg3: memref<1x256x1024xf32, #tpu.memory_space<vmem>>, %arg4: memref<1024x64xf32, #tpu.memory_space<vmem>>, %arg5: memref<64x64xf32, #tpu.memory_space<vmem>>, %arg6: memref<64xf32, #tpu.memory_space<vmem>>, %arg7: memref<1x256x64xf32, #tpu.memory_space<vmem>>, %arg8: memref<1x8x64xf32, #tpu.memory_space<vmem>>, %arg9: memref<1x8x64xf32, #tpu.memory_space<vmem>>) attributes {dimension_semantics = [#tpu.dimension_semantics<arbitrary>, #tpu.dimension_semantics<arbitrary>], iteration_bounds = array<i64: 1, 8>, scalar_prefetch = 0 : i64, scratch_operands = 0 : i64, tpu.core_type = #tpu.core_type<tc>, window_params = [{transform_indices = @transform_0, window_bounds = array<i64: 1, 256, 64>}, {transform_indices = @transform_1, window_bounds = array<i64: 1, 256, 1024>}, {pipeline_mode = #tpu.pipeline_mode<synchronous>, transform_indices = @transform_2, window_bounds = array<i64: 1024, 64>}, {pipeline_mode = #tpu.pipeline_mode<synchronous>, transform_indices = @transform_3, window_bounds = array<i64: 64, 64>}, {pipeline_mode = #tpu.pipeline_mode<synchronous>, transform_indices = @transform_4, window_bounds = array<i64: 64>}, {transform_indices = @transform_5, window_bounds = array<i64: 1, 256, 64>}, {transform_indices = @transform_6, window_bounds = array<i64: 1, 8, 64>}, {transform_indices = @transform_7, window_bounds = array<i64: 1, 8, 64>}]} {
    %get3A = arith.constant 0 : index
    %get3A_0 = arith.constant 0 : index
    %get3A_1 = arith.constant 0 : index
    %get3A_2 = vector.load %arg2[%get3A, %get3A_0, %get3A_1] : memref<1x256x64xf32, #tpu.memory_space<vmem>>, vector<1x256x64xf32>
    %get3A_3 = vector.shape_cast %get3A_2 : vector<1x256x64xf32> to vector<256x64xf32>
    %get3A_4 = arith.constant 0 : index
    %get3A_5 = arith.constant 0 : index
    %get3A_6 = vector.load %arg5[%get3A_4, %get3A_5] : memref<64x64xf32, #tpu.memory_space<vmem>>, vector<64x64xf32>
    %dot_general3A = arith.constant dense<0.000000e+00> : vector<256x64xf32>
    %dot_general3A_7 = tpu.matmul %get3A_3, %get3A_6, %dot_general3A {dimension_numbers = #tpu.dot_dimension_numbers<[1], [0], [0], [1], [0, 0, 1, 1], [], []>, transpose_lhs_hint = false} : vector<256x64xf32>, vector<64x64xf32>, vector<256x64xf32> -> vector<256x64xf32>
    %get3A_8 = arith.constant 0 : index
    %get3A_9 = arith.constant 0 : index
    %get3A_10 = arith.constant 0 : index
    %get3A_11 = vector.load %arg3[%get3A_8, %get3A_9, %get3A_10] : memref<1x256x1024xf32, #tpu.memory_space<vmem>>, vector<1x256x1024xf32>
    %get3A_12 = vector.shape_cast %get3A_11 : vector<1x256x1024xf32> to vector<256x1024xf32>
    %get3A_13 = arith.constant 0 : index
    %get3A_14 = arith.constant 0 : index
    %get3A_15 = vector.load %arg4[%get3A_13, %get3A_14] : memref<1024x64xf32, #tpu.memory_space<vmem>>, vector<1024x64xf32>
    %dot_general3A_16 = arith.constant dense<0.000000e+00> : vector<256x64xf32>
    %dot_general3A_17 = tpu.matmul %get3A_12, %get3A_15, %dot_general3A_16 {dimension_numbers = #tpu.dot_dimension_numbers<[1], [0], [0], [1], [0, 0, 1, 1], [], []>, transpose_lhs_hint = false} : vector<256x1024xf32>, vector<1024x64xf32>, vector<256x64xf32> -> vector<256x64xf32>
    %add3A = arith.addf %dot_general3A_7, %dot_general3A_17 : vector<256x64xf32>
    %get3A_18 = arith.constant 0 : index
    %get3A_19 = vector.load %arg6[%get3A_18] : memref<64xf32, #tpu.memory_space<vmem>>, vector<64xf32>
    %broadcast_in_dim3A = vector.shape_cast %get3A_19 : vector<64xf32> to vector<1x64xf32>
    %add3A_20 = vector.broadcast %broadcast_in_dim3A : vector<1x64xf32> to vector<256x64xf32>
    %add3A_21 = arith.addf %add3A, %add3A_20 : vector<256x64xf32>
    %swap3A = arith.constant 0 : index
    %swap3A_22 = arith.constant 0 : index
    %swap3A_23 = arith.constant 0 : index
    %swap3A_24 = vector.load %arg7[%swap3A, %swap3A_22, %swap3A_23] : memref<1x256x64xf32, #tpu.memory_space<vmem>>, vector<1x256x64xf32>
    %swap3A_25 = vector.shape_cast %swap3A_24 : vector<1x256x64xf32> to vector<256x64xf32>
    %swap3A_26 = vector.shape_cast %add3A_21 : vector<256x64xf32> to vector<1x256x64xf32>
    tpu.vector_store %arg7[%swap3A, %swap3A_22, %swap3A_23], %swap3A_26 {strides = array<i32>} : memref<1x256x64xf32, #tpu.memory_space<vmem>>, vector<1x256x64xf32>,
    %reduce_sum3A = arith.constant dense<0.000000e+00> : vector<64xf32>
    %reduce_sum3A_27 = vector.multi_reduction <add>, %add3A_21, %reduce_sum3A [0] : vector<256x64xf32> to vector<64xf32>
    %swap3A_28 = arith.constant 0 : index
    %swap3A_29 = arith.index_cast %arg1 : i32 to index
    %swap3A_30 = arith.constant 0 : index
    %swap3A_31 = vector.load %arg8[%swap3A_28, %swap3A_29, %swap3A_30] : memref<1x8x64xf32, #tpu.memory_space<vmem>>, vector<1x1x64xf32>
    %swap3A_32 = vector.shape_cast %swap3A_31 : vector<1x1x64xf32> to vector<64xf32>
    %swap3A_33 = vector.shape_cast %reduce_sum3A_27 : vector<64xf32> to vector<1x1x64xf32>
    tpu.vector_store %arg8[%swap3A_28, %swap3A_29, %swap3A_30], %swap3A_33 {strides = array<i32>} : memref<1x8x64xf32, #tpu.memory_space<vmem>>, vector<1x1x64xf32>,
    %mul3A = arith.mulf %add3A_21, %add3A_21 : vector<256x64xf32>
    %reduce_sum3A_34 = arith.constant dense<0.000000e+00> : vector<64xf32>
    %reduce_sum3A_35 = vector.multi_reduction <add>, %mul3A, %reduce_sum3A_34 [0] : vector<256x64xf32> to vector<64xf32>
    %swap3A_36 = arith.constant 0 : index
    %swap3A_37 = arith.index_cast %arg1 : i32 to index
    %swap3A_38 = arith.constant 0 : index
    %swap3A_39 = vector.load %arg9[%swap3A_36, %swap3A_37, %swap3A_38] : memref<1x8x64xf32, #tpu.memory_space<vmem>>, vector<1x1x64xf32>
    %swap3A_40 = vector.shape_cast %swap3A_39 : vector<1x1x64xf32> to vector<64xf32>
    %swap3A_41 = vector.shape_cast %reduce_sum3A_35 : vector<64xf32> to vector<1x1x64xf32>
    tpu.vector_store %arg9[%swap3A_36, %swap3A_37, %swap3A_38], %swap3A_41 {strides = array<i32>} : memref<1x8x64xf32, #tpu.memory_space<vmem>>, vector<1x1x64xf32>,
    return
  }
  func.func @transform_0(%arg0: i32, %arg1: i32) -> (i32, i32, i32) {
    %c0_i32 = arith.constant 0 : i32
    %c0_i32_0 = arith.constant 0 : i32
    return %arg0, %arg1, %c0_i32 : i32, i32, i32
  }
  func.func @transform_1(%arg0: i32, %arg1: i32) -> (i32, i32, i32) {
    %c0_i32 = arith.constant 0 : i32
    %c0_i32_0 = arith.constant 0 : i32
    return %arg0, %arg1, %c0_i32 : i32, i32, i32
  }
  func.func @transform_2(%arg0: i32, %arg1: i32) -> (i32, i32) {
    %c0_i32 = arith.constant 0 : i32
    %c0_i32_0 = arith.constant 0 : i32
    %c0_i32_1 = arith.constant 0 : i32
    return %c0_i32, %c0_i32_0 : i32, i32
  }
  func.func @transform_3(%arg0: i32, %arg1: i32) -> (i32, i32) {
    %c0_i32 = arith.constant 0 : i32
    %c0_i32_0 = arith.constant 0 : i32
    %c0_i32_1 = arith.constant 0 : i32
    return %c0_i32, %c0_i32_0 : i32, i32
  }
  func.func @transform_4(%arg0: i32, %arg1: i32) -> i32 {
    %c0_i32 = arith.constant 0 : i32
    %c0_i32_0 = arith.constant 0 : i32
    return %c0_i32 : i32
  }
  func.func @transform_5(%arg0: i32, %arg1: i32) -> (i32, i32, i32) {
    %c0_i32 = arith.constant 0 : i32
    %c0_i32_0 = arith.constant 0 : i32
    return %arg0, %arg1, %c0_i32 : i32, i32, i32
  }
  func.func @transform_6(%arg0: i32, %arg1: i32) -> (i32, i32, i32) {
    %c0_i32 = arith.constant 0 : i32
    %c0_i32_0 = arith.constant 0 : i32
    %c0_i32_1 = arith.constant 0 : i32
    return %arg0, %c0_i32, %c0_i32_0 : i32, i32, i32
  }
  func.func @transform_7(%arg0: i32, %arg1: i32) -> (i32, i32, i32) {
    %c0_i32 = arith.constant 0 : i32
    %c0_i32_0 = arith.constant 0 : i32
    %c0_i32_1 = arith.constant 0 : i32
    return %arg0, %c0_i32, %c0_i32_0 : i32, i32, i32
  }
}

module attributes {stable_mosaic.version = 14 : i64} {
  func.func @_conv_body(%arg0: i32, %arg1: i32, %arg2: memref<1x256x64xf32, #tpu.memory_space<vmem>>, %arg3: memref<1x256x1024xf32, #tpu.memory_space<vmem>>, %arg4: memref<1024x64xf32, #tpu.memory_space<vmem>>, %arg5: memref<64x64xf32, #tpu.memory_space<vmem>>, %arg6: memref<64xf32, #tpu.memory_space<vmem>>, %arg7: memref<1x256x64xf32, #tpu.memory_space<vmem>>, %arg8: memref<1x8x64xf32, #tpu.memory_space<vmem>>, %arg9: memref<1x8x64xf32, #tpu.memory_space<vmem>>) attributes {dimension_semantics = [#tpu.dimension_semantics<arbitrary>, #tpu.dimension_semantics<arbitrary>], iteration_bounds = array<i64: 1, 8>, scalar_prefetch = 0 : i64, scratch_operands = 0 : i64, tpu.core_type = #tpu.core_type<tc>, window_params = [{transform_indices = @transform_0, window_bounds = array<i64: 1, 256, 64>}, {transform_indices = @transform_1, window_bounds = array<i64: 1, 256, 1024>}, {pipeline_mode = #tpu.pipeline_mode<synchronous>, transform_indices = @transform_2, window_bounds = array<i64: 1024, 64>}, {pipeline_mode = #tpu.pipeline_mode<synchronous>, transform_indices = @transform_3, window_bounds = array<i64: 64, 64>}, {pipeline_mode = #tpu.pipeline_mode<synchronous>, transform_indices = @transform_4, window_bounds = array<i64: 64>}, {transform_indices = @transform_5, window_bounds = array<i64: 1, 256, 64>}, {transform_indices = @transform_6, window_bounds = array<i64: 1, 8, 64>}, {transform_indices = @transform_7, window_bounds = array<i64: 1, 8, 64>}]} {
    %get3A = arith.constant 0 : index
    %get3A_0 = arith.constant 0 : index
    %get3A_1 = arith.constant 0 : index
    %get3A_2 = vector.load %arg2[%get3A, %get3A_0, %get3A_1] : memref<1x256x64xf32, #tpu.memory_space<vmem>>, vector<1x256x64xf32>
    %get3A_3 = vector.shape_cast %get3A_2 : vector<1x256x64xf32> to vector<256x64xf32>
    %get3A_4 = arith.constant 0 : index
    %get3A_5 = arith.constant 0 : index
    %get3A_6 = vector.load %arg5[%get3A_4, %get3A_5] : memref<64x64xf32, #tpu.memory_space<vmem>>, vector<64x64xf32>
    %dot_general3A = arith.constant dense<0.000000e+00> : vector<256x64xf32>
    %dot_general3A_7 = tpu.matmul %get3A_3, %get3A_6, %dot_general3A {dimension_numbers = #tpu.dot_dimension_numbers<[1], [0], [0], [1], [0, 0, 1, 1], [], []>, transpose_lhs_hint = false} : vector<256x64xf32>, vector<64x64xf32>, vector<256x64xf32> -> vector<256x64xf32>
    %get3A_8 = arith.constant 0 : index
    %get3A_9 = arith.constant 0 : index
    %get3A_10 = arith.constant 0 : index
    %get3A_11 = vector.load %arg3[%get3A_8, %get3A_9, %get3A_10] : memref<1x256x1024xf32, #tpu.memory_space<vmem>>, vector<1x256x1024xf32>
    %get3A_12 = vector.shape_cast %get3A_11 : vector<1x256x1024xf32> to vector<256x1024xf32>
    %get3A_13 = arith.constant 0 : index
    %get3A_14 = arith.constant 0 : index
    %get3A_15 = vector.load %arg4[%get3A_13, %get3A_14] : memref<1024x64xf32, #tpu.memory_space<vmem>>, vector<1024x64xf32>
    %dot_general3A_16 = arith.constant dense<0.000000e+00> : vector<256x64xf32>
    %dot_general3A_17 = tpu.matmul %get3A_12, %get3A_15, %dot_general3A_16 {dimension_numbers = #tpu.dot_dimension_numbers<[1], [0], [0], [1], [0, 0, 1, 1], [], []>, transpose_lhs_hint = false} : vector<256x1024xf32>, vector<1024x64xf32>, vector<256x64xf32> -> vector<256x64xf32>
    %add3A = arith.addf %dot_general3A_7, %dot_general3A_17 : vector<256x64xf32>
    %get3A_18 = arith.constant 0 : index
    %get3A_19 = vector.load %arg6[%get3A_18] : memref<64xf32, #tpu.memory_space<vmem>>, vector<64xf32>
    %broadcast_in_dim3A = vector.shape_cast %get3A_19 : vector<64xf32> to vector<1x64xf32>
    %add3A_20 = vector.broadcast %broadcast_in_dim3A : vector<1x64xf32> to vector<256x64xf32>
    %add3A_21 = arith.addf %add3A, %add3A_20 : vector<256x64xf32>
    %swap3A = arith.constant 0 : index
    %swap3A_22 = arith.constant 0 : index
    %swap3A_23 = arith.constant 0 : index
    %swap3A_24 = vector.load %arg7[%swap3A, %swap3A_22, %swap3A_23] : memref<1x256x64xf32, #tpu.memory_space<vmem>>, vector<1x256x64xf32>
    %swap3A_25 = vector.shape_cast %swap3A_24 : vector<1x256x64xf32> to vector<256x64xf32>
    %swap3A_26 = vector.shape_cast %add3A_21 : vector<256x64xf32> to vector<1x256x64xf32>
    tpu.vector_store %arg7[%swap3A, %swap3A_22, %swap3A_23], %swap3A_26 {strides = array<i32>} : memref<1x256x64xf32, #tpu.memory_space<vmem>>, vector<1x256x64xf32>,
    %reduce_sum3A = arith.constant dense<0.000000e+00> : vector<64xf32>
    %reduce_sum3A_27 = vector.multi_reduction <add>, %add3A_21, %reduce_sum3A [0] : vector<256x64xf32> to vector<64xf32>
    %swap3A_28 = arith.constant 0 : index
    %swap3A_29 = arith.index_cast %arg1 : i32 to index
    %swap3A_30 = arith.constant 0 : index
    %swap3A_31 = vector.load %arg8[%swap3A_28, %swap3A_29, %swap3A_30] : memref<1x8x64xf32, #tpu.memory_space<vmem>>, vector<1x1x64xf32>
    %swap3A_32 = vector.shape_cast %swap3A_31 : vector<1x1x64xf32> to vector<64xf32>
    %swap3A_33 = vector.shape_cast %reduce_sum3A_27 : vector<64xf32> to vector<1x1x64xf32>
    tpu.vector_store %arg8[%swap3A_28, %swap3A_29, %swap3A_30], %swap3A_33 {strides = array<i32>} : memref<1x8x64xf32, #tpu.memory_space<vmem>>, vector<1x1x64xf32>,
    %mul3A = arith.mulf %add3A_21, %add3A_21 : vector<256x64xf32>
    %reduce_sum3A_34 = arith.constant dense<0.000000e+00> : vector<64xf32>
    %reduce_sum3A_35 = vector.multi_reduction <add>, %mul3A, %reduce_sum3A_34 [0] : vector<256x64xf32> to vector<64xf32>
    %swap3A_36 = arith.constant 0 : index
    %swap3A_37 = arith.index_cast %arg1 : i32 to index
    %swap3A_38 = arith.constant 0 : index
    %swap3A_39 = vector.load %arg9[%swap3A_36, %swap3A_37, %swap3A_38] : memref<1x8x64xf32, #tpu.memory_space<vmem>>, vector<1x1x64xf32>
    %swap3A_40 = vector.shape_cast %swap3A_39 : vector<1x1x64xf32> to vector<64xf32>
    %swap3A_41 = vector.shape_cast %reduce_sum3A_35 : vector<64xf32> to vector<1x1x64xf32>
    tpu.vector_store %arg9[%swap3A_36, %swap3A_37, %swap3A_38], %swap3A_41 {strides = array<i32>} : memref<1x8x64xf32, #tpu.memory_space<vmem>>, vector<1x1x64xf32>,
    return
  }
  func.func @transform_0(%arg0: i32, %arg1: i32) -> (i32, i32, i32) {
    %c0_i32 = arith.constant 0 : i32
    %c0_i32_0 = arith.constant 0 : i32
    return %arg0, %arg1, %c0_i32 : i32, i32, i32
  }
  func.func @transform_1(%arg0: i32, %arg1: i32) -> (i32, i32, i32) {
    %c0_i32 = arith.constant 0 : i32
    %c0_i32_0 = arith.constant 0 : i32
    return %arg0, %arg1, %c0_i32 : i32, i32, i32
  }
  func.func @transform_2(%arg0: i32, %arg1: i32) -> (i32, i32) {
    %c0_i32 = arith.constant 0 : i32
    %c0_i32_0 = arith.constant 0 : i32
    %c0_i32_1 = arith.constant 0 : i32
    return %c0_i32, %c0_i32_0 : i32, i32
  }
  func.func @transform_3(%arg0: i32, %arg1: i32) -> (i32, i32) {
    %c0_i32 = arith.constant 0 : i32
    %c0_i32_0 = arith.constant 0 : i32
    %c0_i32_1 = arith.constant 0 : i32
    return %c0_i32, %c0_i32_0 : i32, i32
  }
  func.func @transform_4(%arg0: i32, %arg1: i32) -> i32 {
    %c0_i32 = arith.constant 0 : i32
    %c0_i32_0 = arith.constant 0 : i32
    return %c0_i32 : i32
  }
  func.func @transform_5(%arg0: i32, %arg1: i32) -> (i32, i32, i32) {
    %c0_i32 = arith.constant 0 : i32
    %c0_i32_0 = arith.constant 0 : i32
    return %arg0, %arg1, %c0_i32 : i32, i32, i32
  }
  func.func @transform_6(%arg0: i32, %arg1: i32) -> (i32, i32, i32) {
    %c0_i32 = arith.constant 0 : i32
    %c0_i32_0 = arith.constant 0 : i32
    %c0_i32_1 = arith.constant 0 : i32
    return %arg0, %c0_i32, %c0_i32_0 : i32, i32, i32
  }
  func.func @transform_7(%arg0: i32, %arg1: i32) -> (i32, i32, i32) {
    %c0_i32 = arith.constant 0 : i32
    %c0_i32_0 = arith.constant 0 : i32
    %c0_i32_1 = arith.constant 0 : i32
    return %arg0, %c0_i32, %c0_i32_0 : i32, i32, i32
  }
}

module attributes {stable_mosaic.version = 14 : i64} {
  func.func @_conv_body(%arg0: i32, %arg1: i32, %arg2: memref<1x256x64xf32, #tpu.memory_space<vmem>>, %arg3: memref<1x256x1024xf32, #tpu.memory_space<vmem>>, %arg4: memref<1024x64xf32, #tpu.memory_space<vmem>>, %arg5: memref<64x64xf32, #tpu.memory_space<vmem>>, %arg6: memref<64xf32, #tpu.memory_space<vmem>>, %arg7: memref<1x256x64xf32, #tpu.memory_space<vmem>>, %arg8: memref<1x8x64xf32, #tpu.memory_space<vmem>>, %arg9: memref<1x8x64xf32, #tpu.memory_space<vmem>>) attributes {dimension_semantics = [#tpu.dimension_semantics<arbitrary>, #tpu.dimension_semantics<arbitrary>], iteration_bounds = array<i64: 1, 8>, scalar_prefetch = 0 : i64, scratch_operands = 0 : i64, tpu.core_type = #tpu.core_type<tc>, window_params = [{transform_indices = @transform_0, window_bounds = array<i64: 1, 256, 64>}, {transform_indices = @transform_1, window_bounds = array<i64: 1, 256, 1024>}, {pipeline_mode = #tpu.pipeline_mode<synchronous>, transform_indices = @transform_2, window_bounds = array<i64: 1024, 64>}, {pipeline_mode = #tpu.pipeline_mode<synchronous>, transform_indices = @transform_3, window_bounds = array<i64: 64, 64>}, {pipeline_mode = #tpu.pipeline_mode<synchronous>, transform_indices = @transform_4, window_bounds = array<i64: 64>}, {transform_indices = @transform_5, window_bounds = array<i64: 1, 256, 64>}, {transform_indices = @transform_6, window_bounds = array<i64: 1, 8, 64>}, {transform_indices = @transform_7, window_bounds = array<i64: 1, 8, 64>}]} {
    %get3A = arith.constant 0 : index
    %get3A_0 = arith.constant 0 : index
    %get3A_1 = arith.constant 0 : index
    %get3A_2 = vector.load %arg2[%get3A, %get3A_0, %get3A_1] : memref<1x256x64xf32, #tpu.memory_space<vmem>>, vector<1x256x64xf32>
    %get3A_3 = vector.shape_cast %get3A_2 : vector<1x256x64xf32> to vector<256x64xf32>
    %get3A_4 = arith.constant 0 : index
    %get3A_5 = arith.constant 0 : index
    %get3A_6 = vector.load %arg5[%get3A_4, %get3A_5] : memref<64x64xf32, #tpu.memory_space<vmem>>, vector<64x64xf32>
    %dot_general3A = arith.constant dense<0.000000e+00> : vector<256x64xf32>
    %dot_general3A_7 = tpu.matmul %get3A_3, %get3A_6, %dot_general3A {dimension_numbers = #tpu.dot_dimension_numbers<[1], [0], [0], [1], [0, 0, 1, 1], [], []>, transpose_lhs_hint = false} : vector<256x64xf32>, vector<64x64xf32>, vector<256x64xf32> -> vector<256x64xf32>
    %get3A_8 = arith.constant 0 : index
    %get3A_9 = arith.constant 0 : index
    %get3A_10 = arith.constant 0 : index
    %get3A_11 = vector.load %arg3[%get3A_8, %get3A_9, %get3A_10] : memref<1x256x1024xf32, #tpu.memory_space<vmem>>, vector<1x256x1024xf32>
    %get3A_12 = vector.shape_cast %get3A_11 : vector<1x256x1024xf32> to vector<256x1024xf32>
    %get3A_13 = arith.constant 0 : index
    %get3A_14 = arith.constant 0 : index
    %get3A_15 = vector.load %arg4[%get3A_13, %get3A_14] : memref<1024x64xf32, #tpu.memory_space<vmem>>, vector<1024x64xf32>
    %dot_general3A_16 = arith.constant dense<0.000000e+00> : vector<256x64xf32>
    %dot_general3A_17 = tpu.matmul %get3A_12, %get3A_15, %dot_general3A_16 {dimension_numbers = #tpu.dot_dimension_numbers<[1], [0], [0], [1], [0, 0, 1, 1], [], []>, transpose_lhs_hint = false} : vector<256x1024xf32>, vector<1024x64xf32>, vector<256x64xf32> -> vector<256x64xf32>
    %add3A = arith.addf %dot_general3A_7, %dot_general3A_17 : vector<256x64xf32>
    %get3A_18 = arith.constant 0 : index
    %get3A_19 = vector.load %arg6[%get3A_18] : memref<64xf32, #tpu.memory_space<vmem>>, vector<64xf32>
    %broadcast_in_dim3A = vector.shape_cast %get3A_19 : vector<64xf32> to vector<1x64xf32>
    %add3A_20 = vector.broadcast %broadcast_in_dim3A : vector<1x64xf32> to vector<256x64xf32>
    %add3A_21 = arith.addf %add3A, %add3A_20 : vector<256x64xf32>
    %swap3A = arith.constant 0 : index
    %swap3A_22 = arith.constant 0 : index
    %swap3A_23 = arith.constant 0 : index
    %swap3A_24 = vector.load %arg7[%swap3A, %swap3A_22, %swap3A_23] : memref<1x256x64xf32, #tpu.memory_space<vmem>>, vector<1x256x64xf32>
    %swap3A_25 = vector.shape_cast %swap3A_24 : vector<1x256x64xf32> to vector<256x64xf32>
    %swap3A_26 = vector.shape_cast %add3A_21 : vector<256x64xf32> to vector<1x256x64xf32>
    tpu.vector_store %arg7[%swap3A, %swap3A_22, %swap3A_23], %swap3A_26 {strides = array<i32>} : memref<1x256x64xf32, #tpu.memory_space<vmem>>, vector<1x256x64xf32>,
    %reduce_sum3A = arith.constant dense<0.000000e+00> : vector<64xf32>
    %reduce_sum3A_27 = vector.multi_reduction <add>, %add3A_21, %reduce_sum3A [0] : vector<256x64xf32> to vector<64xf32>
    %swap3A_28 = arith.constant 0 : index
    %swap3A_29 = arith.index_cast %arg1 : i32 to index
    %swap3A_30 = arith.constant 0 : index
    %swap3A_31 = vector.load %arg8[%swap3A_28, %swap3A_29, %swap3A_30] : memref<1x8x64xf32, #tpu.memory_space<vmem>>, vector<1x1x64xf32>
    %swap3A_32 = vector.shape_cast %swap3A_31 : vector<1x1x64xf32> to vector<64xf32>
    %swap3A_33 = vector.shape_cast %reduce_sum3A_27 : vector<64xf32> to vector<1x1x64xf32>
    tpu.vector_store %arg8[%swap3A_28, %swap3A_29, %swap3A_30], %swap3A_33 {strides = array<i32>} : memref<1x8x64xf32, #tpu.memory_space<vmem>>, vector<1x1x64xf32>,
    %mul3A = arith.mulf %add3A_21, %add3A_21 : vector<256x64xf32>
    %reduce_sum3A_34 = arith.constant dense<0.000000e+00> : vector<64xf32>
    %reduce_sum3A_35 = vector.multi_reduction <add>, %mul3A, %reduce_sum3A_34 [0] : vector<256x64xf32> to vector<64xf32>
    %swap3A_36 = arith.constant 0 : index
    %swap3A_37 = arith.index_cast %arg1 : i32 to index
    %swap3A_38 = arith.constant 0 : index
    %swap3A_39 = vector.load %arg9[%swap3A_36, %swap3A_37, %swap3A_38] : memref<1x8x64xf32, #tpu.memory_space<vmem>>, vector<1x1x64xf32>
    %swap3A_40 = vector.shape_cast %swap3A_39 : vector<1x1x64xf32> to vector<64xf32>
    %swap3A_41 = vector.shape_cast %reduce_sum3A_35 : vector<64xf32> to vector<1x1x64xf32>
    tpu.vector_store %arg9[%swap3A_36, %swap3A_37, %swap3A_38], %swap3A_41 {strides = array<i32>} : memref<1x8x64xf32, #tpu.memory_space<vmem>>, vector<1x1x64xf32>,
    return
  }
  func.func @transform_0(%arg0: i32, %arg1: i32) -> (i32, i32, i32) {
    %c0_i32 = arith.constant 0 : i32
    %c0_i32_0 = arith.constant 0 : i32
    return %arg0, %arg1, %c0_i32 : i32, i32, i32
  }
  func.func @transform_1(%arg0: i32, %arg1: i32) -> (i32, i32, i32) {
    %c0_i32 = arith.constant 0 : i32
    %c0_i32_0 = arith.constant 0 : i32
    return %arg0, %arg1, %c0_i32 : i32, i32, i32
  }
  func.func @transform_2(%arg0: i32, %arg1: i32) -> (i32, i32) {
    %c0_i32 = arith.constant 0 : i32
    %c0_i32_0 = arith.constant 0 : i32
    %c0_i32_1 = arith.constant 0 : i32
    return %c0_i32, %c0_i32_0 : i32, i32
  }
  func.func @transform_3(%arg0: i32, %arg1: i32) -> (i32, i32) {
    %c0_i32 = arith.constant 0 : i32
    %c0_i32_0 = arith.constant 0 : i32
    %c0_i32_1 = arith.constant 0 : i32
    return %c0_i32, %c0_i32_0 : i32, i32
  }
  func.func @transform_4(%arg0: i32, %arg1: i32) -> i32 {
    %c0_i32 = arith.constant 0 : i32
    %c0_i32_0 = arith.constant 0 : i32
    return %c0_i32 : i32
  }
  func.func @transform_5(%arg0: i32, %arg1: i32) -> (i32, i32, i32) {
    %c0_i32 = arith.constant 0 : i32
    %c0_i32_0 = arith.constant 0 : i32
    return %arg0, %arg1, %c0_i32 : i32, i32, i32
  }
  func.func @transform_6(%arg0: i32, %arg1: i32) -> (i32, i32, i32) {
    %c0_i32 = arith.constant 0 : i32
    %c0_i32_0 = arith.constant 0 : i32
    %c0_i32_1 = arith.constant 0 : i32
    return %arg0, %c0_i32, %c0_i32_0 : i32, i32, i32
  }
  func.func @transform_7(%arg0: i32, %arg1: i32) -> (i32, i32, i32) {
    %c0_i32 = arith.constant 0 : i32
    %c0_i32_0 = arith.constant 0 : i32
    %c0_i32_1 = arith.constant 0 : i32
    return %arg0, %c0_i32, %c0_i32_0 : i32, i32, i32
  }
}

module attributes {stable_mosaic.version = 14 : i64} {
  func.func @_conv_body(%arg0: i32, %arg1: i32, %arg2: memref<1x256x64xf32, #tpu.memory_space<vmem>>, %arg3: memref<1x256x1024xf32, #tpu.memory_space<vmem>>, %arg4: memref<1024x64xf32, #tpu.memory_space<vmem>>, %arg5: memref<64x64xf32, #tpu.memory_space<vmem>>, %arg6: memref<64xf32, #tpu.memory_space<vmem>>, %arg7: memref<1x256x64xf32, #tpu.memory_space<vmem>>, %arg8: memref<1x8x64xf32, #tpu.memory_space<vmem>>, %arg9: memref<1x8x64xf32, #tpu.memory_space<vmem>>) attributes {dimension_semantics = [#tpu.dimension_semantics<arbitrary>, #tpu.dimension_semantics<arbitrary>], iteration_bounds = array<i64: 1, 8>, scalar_prefetch = 0 : i64, scratch_operands = 0 : i64, tpu.core_type = #tpu.core_type<tc>, window_params = [{transform_indices = @transform_0, window_bounds = array<i64: 1, 256, 64>}, {transform_indices = @transform_1, window_bounds = array<i64: 1, 256, 1024>}, {pipeline_mode = #tpu.pipeline_mode<synchronous>, transform_indices = @transform_2, window_bounds = array<i64: 1024, 64>}, {pipeline_mode = #tpu.pipeline_mode<synchronous>, transform_indices = @transform_3, window_bounds = array<i64: 64, 64>}, {pipeline_mode = #tpu.pipeline_mode<synchronous>, transform_indices = @transform_4, window_bounds = array<i64: 64>}, {transform_indices = @transform_5, window_bounds = array<i64: 1, 256, 64>}, {transform_indices = @transform_6, window_bounds = array<i64: 1, 8, 64>}, {transform_indices = @transform_7, window_bounds = array<i64: 1, 8, 64>}]} {
    %get3A = arith.constant 0 : index
    %get3A_0 = arith.constant 0 : index
    %get3A_1 = arith.constant 0 : index
    %get3A_2 = vector.load %arg2[%get3A, %get3A_0, %get3A_1] : memref<1x256x64xf32, #tpu.memory_space<vmem>>, vector<1x256x64xf32>
    %get3A_3 = vector.shape_cast %get3A_2 : vector<1x256x64xf32> to vector<256x64xf32>
    %get3A_4 = arith.constant 0 : index
    %get3A_5 = arith.constant 0 : index
    %get3A_6 = vector.load %arg5[%get3A_4, %get3A_5] : memref<64x64xf32, #tpu.memory_space<vmem>>, vector<64x64xf32>
    %dot_general3A = arith.constant dense<0.000000e+00> : vector<256x64xf32>
    %dot_general3A_7 = tpu.matmul %get3A_3, %get3A_6, %dot_general3A {dimension_numbers = #tpu.dot_dimension_numbers<[1], [0], [0], [1], [0, 0, 1, 1], [], []>, transpose_lhs_hint = false} : vector<256x64xf32>, vector<64x64xf32>, vector<256x64xf32> -> vector<256x64xf32>
    %get3A_8 = arith.constant 0 : index
    %get3A_9 = arith.constant 0 : index
    %get3A_10 = arith.constant 0 : index
    %get3A_11 = vector.load %arg3[%get3A_8, %get3A_9, %get3A_10] : memref<1x256x1024xf32, #tpu.memory_space<vmem>>, vector<1x256x1024xf32>
    %get3A_12 = vector.shape_cast %get3A_11 : vector<1x256x1024xf32> to vector<256x1024xf32>
    %get3A_13 = arith.constant 0 : index
    %get3A_14 = arith.constant 0 : index
    %get3A_15 = vector.load %arg4[%get3A_13, %get3A_14] : memref<1024x64xf32, #tpu.memory_space<vmem>>, vector<1024x64xf32>
    %dot_general3A_16 = arith.constant dense<0.000000e+00> : vector<256x64xf32>
    %dot_general3A_17 = tpu.matmul %get3A_12, %get3A_15, %dot_general3A_16 {dimension_numbers = #tpu.dot_dimension_numbers<[1], [0], [0], [1], [0, 0, 1, 1], [], []>, transpose_lhs_hint = false} : vector<256x1024xf32>, vector<1024x64xf32>, vector<256x64xf32> -> vector<256x64xf32>
    %add3A = arith.addf %dot_general3A_7, %dot_general3A_17 : vector<256x64xf32>
    %get3A_18 = arith.constant 0 : index
    %get3A_19 = vector.load %arg6[%get3A_18] : memref<64xf32, #tpu.memory_space<vmem>>, vector<64xf32>
    %broadcast_in_dim3A = vector.shape_cast %get3A_19 : vector<64xf32> to vector<1x64xf32>
    %add3A_20 = vector.broadcast %broadcast_in_dim3A : vector<1x64xf32> to vector<256x64xf32>
    %add3A_21 = arith.addf %add3A, %add3A_20 : vector<256x64xf32>
    %swap3A = arith.constant 0 : index
    %swap3A_22 = arith.constant 0 : index
    %swap3A_23 = arith.constant 0 : index
    %swap3A_24 = vector.load %arg7[%swap3A, %swap3A_22, %swap3A_23] : memref<1x256x64xf32, #tpu.memory_space<vmem>>, vector<1x256x64xf32>
    %swap3A_25 = vector.shape_cast %swap3A_24 : vector<1x256x64xf32> to vector<256x64xf32>
    %swap3A_26 = vector.shape_cast %add3A_21 : vector<256x64xf32> to vector<1x256x64xf32>
    tpu.vector_store %arg7[%swap3A, %swap3A_22, %swap3A_23], %swap3A_26 {strides = array<i32>} : memref<1x256x64xf32, #tpu.memory_space<vmem>>, vector<1x256x64xf32>,
    %reduce_sum3A = arith.constant dense<0.000000e+00> : vector<64xf32>
    %reduce_sum3A_27 = vector.multi_reduction <add>, %add3A_21, %reduce_sum3A [0] : vector<256x64xf32> to vector<64xf32>
    %swap3A_28 = arith.constant 0 : index
    %swap3A_29 = arith.index_cast %arg1 : i32 to index
    %swap3A_30 = arith.constant 0 : index
    %swap3A_31 = vector.load %arg8[%swap3A_28, %swap3A_29, %swap3A_30] : memref<1x8x64xf32, #tpu.memory_space<vmem>>, vector<1x1x64xf32>
    %swap3A_32 = vector.shape_cast %swap3A_31 : vector<1x1x64xf32> to vector<64xf32>
    %swap3A_33 = vector.shape_cast %reduce_sum3A_27 : vector<64xf32> to vector<1x1x64xf32>
    tpu.vector_store %arg8[%swap3A_28, %swap3A_29, %swap3A_30], %swap3A_33 {strides = array<i32>} : memref<1x8x64xf32, #tpu.memory_space<vmem>>, vector<1x1x64xf32>,
    %mul3A = arith.mulf %add3A_21, %add3A_21 : vector<256x64xf32>
    %reduce_sum3A_34 = arith.constant dense<0.000000e+00> : vector<64xf32>
    %reduce_sum3A_35 = vector.multi_reduction <add>, %mul3A, %reduce_sum3A_34 [0] : vector<256x64xf32> to vector<64xf32>
    %swap3A_36 = arith.constant 0 : index
    %swap3A_37 = arith.index_cast %arg1 : i32 to index
    %swap3A_38 = arith.constant 0 : index
    %swap3A_39 = vector.load %arg9[%swap3A_36, %swap3A_37, %swap3A_38] : memref<1x8x64xf32, #tpu.memory_space<vmem>>, vector<1x1x64xf32>
    %swap3A_40 = vector.shape_cast %swap3A_39 : vector<1x1x64xf32> to vector<64xf32>
    %swap3A_41 = vector.shape_cast %reduce_sum3A_35 : vector<64xf32> to vector<1x1x64xf32>
    tpu.vector_store %arg9[%swap3A_36, %swap3A_37, %swap3A_38], %swap3A_41 {strides = array<i32>} : memref<1x8x64xf32, #tpu.memory_space<vmem>>, vector<1x1x64xf32>,
    return
  }
  func.func @transform_0(%arg0: i32, %arg1: i32) -> (i32, i32, i32) {
    %c0_i32 = arith.constant 0 : i32
    %c0_i32_0 = arith.constant 0 : i32
    return %arg0, %arg1, %c0_i32 : i32, i32, i32
  }
  func.func @transform_1(%arg0: i32, %arg1: i32) -> (i32, i32, i32) {
    %c0_i32 = arith.constant 0 : i32
    %c0_i32_0 = arith.constant 0 : i32
    return %arg0, %arg1, %c0_i32 : i32, i32, i32
  }
  func.func @transform_2(%arg0: i32, %arg1: i32) -> (i32, i32) {
    %c0_i32 = arith.constant 0 : i32
    %c0_i32_0 = arith.constant 0 : i32
    %c0_i32_1 = arith.constant 0 : i32
    return %c0_i32, %c0_i32_0 : i32, i32
  }
  func.func @transform_3(%arg0: i32, %arg1: i32) -> (i32, i32) {
    %c0_i32 = arith.constant 0 : i32
    %c0_i32_0 = arith.constant 0 : i32
    %c0_i32_1 = arith.constant 0 : i32
    return %c0_i32, %c0_i32_0 : i32, i32
  }
  func.func @transform_4(%arg0: i32, %arg1: i32) -> i32 {
    %c0_i32 = arith.constant 0 : i32
    %c0_i32_0 = arith.constant 0 : i32
    return %c0_i32 : i32
  }
  func.func @transform_5(%arg0: i32, %arg1: i32) -> (i32, i32, i32) {
    %c0_i32 = arith.constant 0 : i32
    %c0_i32_0 = arith.constant 0 : i32
    return %arg0, %arg1, %c0_i32 : i32, i32, i32
  }
  func.func @transform_6(%arg0: i32, %arg1: i32) -> (i32, i32, i32) {
    %c0_i32 = arith.constant 0 : i32
    %c0_i32_0 = arith.constant 0 : i32
    %c0_i32_1 = arith.constant 0 : i32
    return %arg0, %c0_i32, %c0_i32_0 : i32, i32, i32
  }
  func.func @transform_7(%arg0: i32, %arg1: i32) -> (i32, i32, i32) {
    %c0_i32 = arith.constant 0 : i32
    %c0_i32_0 = arith.constant 0 : i32
    %c0_i32_1 = arith.constant 0 : i32
    return %arg0, %c0_i32, %c0_i32_0 : i32, i32, i32
  }
}

module attributes {stable_mosaic.version = 14 : i64} {
  func.func @_conv_body(%arg0: i32, %arg1: i32, %arg2: memref<1x256x64xf32, #tpu.memory_space<vmem>>, %arg3: memref<1x256x1024xf32, #tpu.memory_space<vmem>>, %arg4: memref<1024x64xf32, #tpu.memory_space<vmem>>, %arg5: memref<64x64xf32, #tpu.memory_space<vmem>>, %arg6: memref<64xf32, #tpu.memory_space<vmem>>, %arg7: memref<1x256x64xf32, #tpu.memory_space<vmem>>, %arg8: memref<1x8x64xf32, #tpu.memory_space<vmem>>, %arg9: memref<1x8x64xf32, #tpu.memory_space<vmem>>) attributes {dimension_semantics = [#tpu.dimension_semantics<arbitrary>, #tpu.dimension_semantics<arbitrary>], iteration_bounds = array<i64: 1, 8>, scalar_prefetch = 0 : i64, scratch_operands = 0 : i64, tpu.core_type = #tpu.core_type<tc>, window_params = [{transform_indices = @transform_0, window_bounds = array<i64: 1, 256, 64>}, {transform_indices = @transform_1, window_bounds = array<i64: 1, 256, 1024>}, {pipeline_mode = #tpu.pipeline_mode<synchronous>, transform_indices = @transform_2, window_bounds = array<i64: 1024, 64>}, {pipeline_mode = #tpu.pipeline_mode<synchronous>, transform_indices = @transform_3, window_bounds = array<i64: 64, 64>}, {pipeline_mode = #tpu.pipeline_mode<synchronous>, transform_indices = @transform_4, window_bounds = array<i64: 64>}, {transform_indices = @transform_5, window_bounds = array<i64: 1, 256, 64>}, {transform_indices = @transform_6, window_bounds = array<i64: 1, 8, 64>}, {transform_indices = @transform_7, window_bounds = array<i64: 1, 8, 64>}]} {
    %get3A = arith.constant 0 : index
    %get3A_0 = arith.constant 0 : index
    %get3A_1 = arith.constant 0 : index
    %get3A_2 = vector.load %arg2[%get3A, %get3A_0, %get3A_1] : memref<1x256x64xf32, #tpu.memory_space<vmem>>, vector<1x256x64xf32>
    %get3A_3 = vector.shape_cast %get3A_2 : vector<1x256x64xf32> to vector<256x64xf32>
    %get3A_4 = arith.constant 0 : index
    %get3A_5 = arith.constant 0 : index
    %get3A_6 = vector.load %arg5[%get3A_4, %get3A_5] : memref<64x64xf32, #tpu.memory_space<vmem>>, vector<64x64xf32>
    %dot_general3A = arith.constant dense<0.000000e+00> : vector<256x64xf32>
    %dot_general3A_7 = tpu.matmul %get3A_3, %get3A_6, %dot_general3A {dimension_numbers = #tpu.dot_dimension_numbers<[1], [0], [0], [1], [0, 0, 1, 1], [], []>, transpose_lhs_hint = false} : vector<256x64xf32>, vector<64x64xf32>, vector<256x64xf32> -> vector<256x64xf32>
    %get3A_8 = arith.constant 0 : index
    %get3A_9 = arith.constant 0 : index
    %get3A_10 = arith.constant 0 : index
    %get3A_11 = vector.load %arg3[%get3A_8, %get3A_9, %get3A_10] : memref<1x256x1024xf32, #tpu.memory_space<vmem>>, vector<1x256x1024xf32>
    %get3A_12 = vector.shape_cast %get3A_11 : vector<1x256x1024xf32> to vector<256x1024xf32>
    %get3A_13 = arith.constant 0 : index
    %get3A_14 = arith.constant 0 : index
    %get3A_15 = vector.load %arg4[%get3A_13, %get3A_14] : memref<1024x64xf32, #tpu.memory_space<vmem>>, vector<1024x64xf32>
    %dot_general3A_16 = arith.constant dense<0.000000e+00> : vector<256x64xf32>
    %dot_general3A_17 = tpu.matmul %get3A_12, %get3A_15, %dot_general3A_16 {dimension_numbers = #tpu.dot_dimension_numbers<[1], [0], [0], [1], [0, 0, 1, 1], [], []>, transpose_lhs_hint = false} : vector<256x1024xf32>, vector<1024x64xf32>, vector<256x64xf32> -> vector<256x64xf32>
    %add3A = arith.addf %dot_general3A_7, %dot_general3A_17 : vector<256x64xf32>
    %get3A_18 = arith.constant 0 : index
    %get3A_19 = vector.load %arg6[%get3A_18] : memref<64xf32, #tpu.memory_space<vmem>>, vector<64xf32>
    %broadcast_in_dim3A = vector.shape_cast %get3A_19 : vector<64xf32> to vector<1x64xf32>
    %add3A_20 = vector.broadcast %broadcast_in_dim3A : vector<1x64xf32> to vector<256x64xf32>
    %add3A_21 = arith.addf %add3A, %add3A_20 : vector<256x64xf32>
    %swap3A = arith.constant 0 : index
    %swap3A_22 = arith.constant 0 : index
    %swap3A_23 = arith.constant 0 : index
    %swap3A_24 = vector.load %arg7[%swap3A, %swap3A_22, %swap3A_23] : memref<1x256x64xf32, #tpu.memory_space<vmem>>, vector<1x256x64xf32>
    %swap3A_25 = vector.shape_cast %swap3A_24 : vector<1x256x64xf32> to vector<256x64xf32>
    %swap3A_26 = vector.shape_cast %add3A_21 : vector<256x64xf32> to vector<1x256x64xf32>
    tpu.vector_store %arg7[%swap3A, %swap3A_22, %swap3A_23], %swap3A_26 {strides = array<i32>} : memref<1x256x64xf32, #tpu.memory_space<vmem>>, vector<1x256x64xf32>,
    %reduce_sum3A = arith.constant dense<0.000000e+00> : vector<64xf32>
    %reduce_sum3A_27 = vector.multi_reduction <add>, %add3A_21, %reduce_sum3A [0] : vector<256x64xf32> to vector<64xf32>
    %swap3A_28 = arith.constant 0 : index
    %swap3A_29 = arith.index_cast %arg1 : i32 to index
    %swap3A_30 = arith.constant 0 : index
    %swap3A_31 = vector.load %arg8[%swap3A_28, %swap3A_29, %swap3A_30] : memref<1x8x64xf32, #tpu.memory_space<vmem>>, vector<1x1x64xf32>
    %swap3A_32 = vector.shape_cast %swap3A_31 : vector<1x1x64xf32> to vector<64xf32>
    %swap3A_33 = vector.shape_cast %reduce_sum3A_27 : vector<64xf32> to vector<1x1x64xf32>
    tpu.vector_store %arg8[%swap3A_28, %swap3A_29, %swap3A_30], %swap3A_33 {strides = array<i32>} : memref<1x8x64xf32, #tpu.memory_space<vmem>>, vector<1x1x64xf32>,
    %mul3A = arith.mulf %add3A_21, %add3A_21 : vector<256x64xf32>
    %reduce_sum3A_34 = arith.constant dense<0.000000e+00> : vector<64xf32>
    %reduce_sum3A_35 = vector.multi_reduction <add>, %mul3A, %reduce_sum3A_34 [0] : vector<256x64xf32> to vector<64xf32>
    %swap3A_36 = arith.constant 0 : index
    %swap3A_37 = arith.index_cast %arg1 : i32 to index
    %swap3A_38 = arith.constant 0 : index
    %swap3A_39 = vector.load %arg9[%swap3A_36, %swap3A_37, %swap3A_38] : memref<1x8x64xf32, #tpu.memory_space<vmem>>, vector<1x1x64xf32>
    %swap3A_40 = vector.shape_cast %swap3A_39 : vector<1x1x64xf32> to vector<64xf32>
    %swap3A_41 = vector.shape_cast %reduce_sum3A_35 : vector<64xf32> to vector<1x1x64xf32>
    tpu.vector_store %arg9[%swap3A_36, %swap3A_37, %swap3A_38], %swap3A_41 {strides = array<i32>} : memref<1x8x64xf32, #tpu.memory_space<vmem>>, vector<1x1x64xf32>,
    return
  }
  func.func @transform_0(%arg0: i32, %arg1: i32) -> (i32, i32, i32) {
    %c0_i32 = arith.constant 0 : i32
    %c0_i32_0 = arith.constant 0 : i32
    return %arg0, %arg1, %c0_i32 : i32, i32, i32
  }
  func.func @transform_1(%arg0: i32, %arg1: i32) -> (i32, i32, i32) {
    %c0_i32 = arith.constant 0 : i32
    %c0_i32_0 = arith.constant 0 : i32
    return %arg0, %arg1, %c0_i32 : i32, i32, i32
  }
  func.func @transform_2(%arg0: i32, %arg1: i32) -> (i32, i32) {
    %c0_i32 = arith.constant 0 : i32
    %c0_i32_0 = arith.constant 0 : i32
    %c0_i32_1 = arith.constant 0 : i32
    return %c0_i32, %c0_i32_0 : i32, i32
  }
  func.func @transform_3(%arg0: i32, %arg1: i32) -> (i32, i32) {
    %c0_i32 = arith.constant 0 : i32
    %c0_i32_0 = arith.constant 0 : i32
    %c0_i32_1 = arith.constant 0 : i32
    return %c0_i32, %c0_i32_0 : i32, i32
  }
  func.func @transform_4(%arg0: i32, %arg1: i32) -> i32 {
    %c0_i32 = arith.constant 0 : i32
    %c0_i32_0 = arith.constant 0 : i32
    return %c0_i32 : i32
  }
  func.func @transform_5(%arg0: i32, %arg1: i32) -> (i32, i32, i32) {
    %c0_i32 = arith.constant 0 : i32
    %c0_i32_0 = arith.constant 0 : i32
    return %arg0, %arg1, %c0_i32 : i32, i32, i32
  }
  func.func @transform_6(%arg0: i32, %arg1: i32) -> (i32, i32, i32) {
    %c0_i32 = arith.constant 0 : i32
    %c0_i32_0 = arith.constant 0 : i32
    %c0_i32_1 = arith.constant 0 : i32
    return %arg0, %c0_i32, %c0_i32_0 : i32, i32, i32
  }
  func.func @transform_7(%arg0: i32, %arg1: i32) -> (i32, i32, i32) {
    %c0_i32 = arith.constant 0 : i32
    %c0_i32_0 = arith.constant 0 : i32
    %c0_i32_1 = arith.constant 0 : i32
    return %arg0, %c0_i32, %c0_i32_0 : i32, i32, i32
  }
}

module attributes {stable_mosaic.version = 14 : i64} {
  func.func @_conv_body(%arg0: i32, %arg1: i32, %arg2: memref<1x256x64xf32, #tpu.memory_space<vmem>>, %arg3: memref<1x256x1024xf32, #tpu.memory_space<vmem>>, %arg4: memref<1024x64xf32, #tpu.memory_space<vmem>>, %arg5: memref<64x64xf32, #tpu.memory_space<vmem>>, %arg6: memref<64xf32, #tpu.memory_space<vmem>>, %arg7: memref<1x256x64xf32, #tpu.memory_space<vmem>>, %arg8: memref<1x8x64xf32, #tpu.memory_space<vmem>>, %arg9: memref<1x8x64xf32, #tpu.memory_space<vmem>>) attributes {dimension_semantics = [#tpu.dimension_semantics<arbitrary>, #tpu.dimension_semantics<arbitrary>], iteration_bounds = array<i64: 1, 8>, scalar_prefetch = 0 : i64, scratch_operands = 0 : i64, tpu.core_type = #tpu.core_type<tc>, window_params = [{transform_indices = @transform_0, window_bounds = array<i64: 1, 256, 64>}, {transform_indices = @transform_1, window_bounds = array<i64: 1, 256, 1024>}, {pipeline_mode = #tpu.pipeline_mode<synchronous>, transform_indices = @transform_2, window_bounds = array<i64: 1024, 64>}, {pipeline_mode = #tpu.pipeline_mode<synchronous>, transform_indices = @transform_3, window_bounds = array<i64: 64, 64>}, {pipeline_mode = #tpu.pipeline_mode<synchronous>, transform_indices = @transform_4, window_bounds = array<i64: 64>}, {transform_indices = @transform_5, window_bounds = array<i64: 1, 256, 64>}, {transform_indices = @transform_6, window_bounds = array<i64: 1, 8, 64>}, {transform_indices = @transform_7, window_bounds = array<i64: 1, 8, 64>}]} {
    %get3A = arith.constant 0 : index
    %get3A_0 = arith.constant 0 : index
    %get3A_1 = arith.constant 0 : index
    %get3A_2 = vector.load %arg2[%get3A, %get3A_0, %get3A_1] : memref<1x256x64xf32, #tpu.memory_space<vmem>>, vector<1x256x64xf32>
    %get3A_3 = vector.shape_cast %get3A_2 : vector<1x256x64xf32> to vector<256x64xf32>
    %get3A_4 = arith.constant 0 : index
    %get3A_5 = arith.constant 0 : index
    %get3A_6 = vector.load %arg5[%get3A_4, %get3A_5] : memref<64x64xf32, #tpu.memory_space<vmem>>, vector<64x64xf32>
    %dot_general3A = arith.constant dense<0.000000e+00> : vector<256x64xf32>
    %dot_general3A_7 = tpu.matmul %get3A_3, %get3A_6, %dot_general3A {dimension_numbers = #tpu.dot_dimension_numbers<[1], [0], [0], [1], [0, 0, 1, 1], [], []>, transpose_lhs_hint = false} : vector<256x64xf32>, vector<64x64xf32>, vector<256x64xf32> -> vector<256x64xf32>
    %get3A_8 = arith.constant 0 : index
    %get3A_9 = arith.constant 0 : index
    %get3A_10 = arith.constant 0 : index
    %get3A_11 = vector.load %arg3[%get3A_8, %get3A_9, %get3A_10] : memref<1x256x1024xf32, #tpu.memory_space<vmem>>, vector<1x256x1024xf32>
    %get3A_12 = vector.shape_cast %get3A_11 : vector<1x256x1024xf32> to vector<256x1024xf32>
    %get3A_13 = arith.constant 0 : index
    %get3A_14 = arith.constant 0 : index
    %get3A_15 = vector.load %arg4[%get3A_13, %get3A_14] : memref<1024x64xf32, #tpu.memory_space<vmem>>, vector<1024x64xf32>
    %dot_general3A_16 = arith.constant dense<0.000000e+00> : vector<256x64xf32>
    %dot_general3A_17 = tpu.matmul %get3A_12, %get3A_15, %dot_general3A_16 {dimension_numbers = #tpu.dot_dimension_numbers<[1], [0], [0], [1], [0, 0, 1, 1], [], []>, transpose_lhs_hint = false} : vector<256x1024xf32>, vector<1024x64xf32>, vector<256x64xf32> -> vector<256x64xf32>
    %add3A = arith.addf %dot_general3A_7, %dot_general3A_17 : vector<256x64xf32>
    %get3A_18 = arith.constant 0 : index
    %get3A_19 = vector.load %arg6[%get3A_18] : memref<64xf32, #tpu.memory_space<vmem>>, vector<64xf32>
    %broadcast_in_dim3A = vector.shape_cast %get3A_19 : vector<64xf32> to vector<1x64xf32>
    %add3A_20 = vector.broadcast %broadcast_in_dim3A : vector<1x64xf32> to vector<256x64xf32>
    %add3A_21 = arith.addf %add3A, %add3A_20 : vector<256x64xf32>
    %swap3A = arith.constant 0 : index
    %swap3A_22 = arith.constant 0 : index
    %swap3A_23 = arith.constant 0 : index
    %swap3A_24 = vector.load %arg7[%swap3A, %swap3A_22, %swap3A_23] : memref<1x256x64xf32, #tpu.memory_space<vmem>>, vector<1x256x64xf32>
    %swap3A_25 = vector.shape_cast %swap3A_24 : vector<1x256x64xf32> to vector<256x64xf32>
    %swap3A_26 = vector.shape_cast %add3A_21 : vector<256x64xf32> to vector<1x256x64xf32>
    tpu.vector_store %arg7[%swap3A, %swap3A_22, %swap3A_23], %swap3A_26 {strides = array<i32>} : memref<1x256x64xf32, #tpu.memory_space<vmem>>, vector<1x256x64xf32>,
    %reduce_sum3A = arith.constant dense<0.000000e+00> : vector<64xf32>
    %reduce_sum3A_27 = vector.multi_reduction <add>, %add3A_21, %reduce_sum3A [0] : vector<256x64xf32> to vector<64xf32>
    %swap3A_28 = arith.constant 0 : index
    %swap3A_29 = arith.index_cast %arg1 : i32 to index
    %swap3A_30 = arith.constant 0 : index
    %swap3A_31 = vector.load %arg8[%swap3A_28, %swap3A_29, %swap3A_30] : memref<1x8x64xf32, #tpu.memory_space<vmem>>, vector<1x1x64xf32>
    %swap3A_32 = vector.shape_cast %swap3A_31 : vector<1x1x64xf32> to vector<64xf32>
    %swap3A_33 = vector.shape_cast %reduce_sum3A_27 : vector<64xf32> to vector<1x1x64xf32>
    tpu.vector_store %arg8[%swap3A_28, %swap3A_29, %swap3A_30], %swap3A_33 {strides = array<i32>} : memref<1x8x64xf32, #tpu.memory_space<vmem>>, vector<1x1x64xf32>,
    %mul3A = arith.mulf %add3A_21, %add3A_21 : vector<256x64xf32>
    %reduce_sum3A_34 = arith.constant dense<0.000000e+00> : vector<64xf32>
    %reduce_sum3A_35 = vector.multi_reduction <add>, %mul3A, %reduce_sum3A_34 [0] : vector<256x64xf32> to vector<64xf32>
    %swap3A_36 = arith.constant 0 : index
    %swap3A_37 = arith.index_cast %arg1 : i32 to index
    %swap3A_38 = arith.constant 0 : index
    %swap3A_39 = vector.load %arg9[%swap3A_36, %swap3A_37, %swap3A_38] : memref<1x8x64xf32, #tpu.memory_space<vmem>>, vector<1x1x64xf32>
    %swap3A_40 = vector.shape_cast %swap3A_39 : vector<1x1x64xf32> to vector<64xf32>
    %swap3A_41 = vector.shape_cast %reduce_sum3A_35 : vector<64xf32> to vector<1x1x64xf32>
    tpu.vector_store %arg9[%swap3A_36, %swap3A_37, %swap3A_38], %swap3A_41 {strides = array<i32>} : memref<1x8x64xf32, #tpu.memory_space<vmem>>, vector<1x1x64xf32>,
    return
  }
  func.func @transform_0(%arg0: i32, %arg1: i32) -> (i32, i32, i32) {
    %c0_i32 = arith.constant 0 : i32
    %c0_i32_0 = arith.constant 0 : i32
    return %arg0, %arg1, %c0_i32 : i32, i32, i32
  }
  func.func @transform_1(%arg0: i32, %arg1: i32) -> (i32, i32, i32) {
    %c0_i32 = arith.constant 0 : i32
    %c0_i32_0 = arith.constant 0 : i32
    return %arg0, %arg1, %c0_i32 : i32, i32, i32
  }
  func.func @transform_2(%arg0: i32, %arg1: i32) -> (i32, i32) {
    %c0_i32 = arith.constant 0 : i32
    %c0_i32_0 = arith.constant 0 : i32
    %c0_i32_1 = arith.constant 0 : i32
    return %c0_i32, %c0_i32_0 : i32, i32
  }
  func.func @transform_3(%arg0: i32, %arg1: i32) -> (i32, i32) {
    %c0_i32 = arith.constant 0 : i32
    %c0_i32_0 = arith.constant 0 : i32
    %c0_i32_1 = arith.constant 0 : i32
    return %c0_i32, %c0_i32_0 : i32, i32
  }
  func.func @transform_4(%arg0: i32, %arg1: i32) -> i32 {
    %c0_i32 = arith.constant 0 : i32
    %c0_i32_0 = arith.constant 0 : i32
    return %c0_i32 : i32
  }
  func.func @transform_5(%arg0: i32, %arg1: i32) -> (i32, i32, i32) {
    %c0_i32 = arith.constant 0 : i32
    %c0_i32_0 = arith.constant 0 : i32
    return %arg0, %arg1, %c0_i32 : i32, i32, i32
  }
  func.func @transform_6(%arg0: i32, %arg1: i32) -> (i32, i32, i32) {
    %c0_i32 = arith.constant 0 : i32
    %c0_i32_0 = arith.constant 0 : i32
    %c0_i32_1 = arith.constant 0 : i32
    return %arg0, %c0_i32, %c0_i32_0 : i32, i32, i32
  }
  func.func @transform_7(%arg0: i32, %arg1: i32) -> (i32, i32, i32) {
    %c0_i32 = arith.constant 0 : i32
    %c0_i32_0 = arith.constant 0 : i32
    %c0_i32_1 = arith.constant 0 : i32
    return %arg0, %c0_i32, %c0_i32_0 : i32, i32, i32
  }
}

module attributes {stable_mosaic.version = 14 : i64} {
  func.func @_norm_body(%arg0: i32, %arg1: i32, %arg2: memref<1x256x64xf32, #tpu.memory_space<vmem>>, %arg3: memref<8x8x64xf32, #tpu.memory_space<vmem>>, %arg4: memref<8x8x64xf32, #tpu.memory_space<vmem>>, %arg5: memref<64xf32, #tpu.memory_space<vmem>>, %arg6: memref<64xf32, #tpu.memory_space<vmem>>, %arg7: memref<1x256x64xf32, #tpu.memory_space<vmem>>) attributes {dimension_semantics = [#tpu.dimension_semantics<arbitrary>, #tpu.dimension_semantics<arbitrary>], iteration_bounds = array<i64: 8, 8>, scalar_prefetch = 0 : i64, scratch_operands = 0 : i64, tpu.core_type = #tpu.core_type<tc>, window_params = [{transform_indices = @transform_0, window_bounds = array<i64: 1, 256, 64>}, {pipeline_mode = #tpu.pipeline_mode<synchronous>, transform_indices = @transform_1, window_bounds = array<i64: 8, 8, 64>}, {pipeline_mode = #tpu.pipeline_mode<synchronous>, transform_indices = @transform_2, window_bounds = array<i64: 8, 8, 64>}, {pipeline_mode = #tpu.pipeline_mode<synchronous>, transform_indices = @transform_3, window_bounds = array<i64: 64>}, {pipeline_mode = #tpu.pipeline_mode<synchronous>, transform_indices = @transform_4, window_bounds = array<i64: 64>}, {transform_indices = @transform_5, window_bounds = array<i64: 1, 256, 64>}]} {
    %get3A = arith.constant 0 : index
    %get3A_0 = arith.constant 0 : index
    %get3A_1 = arith.constant 0 : index
    %get3A_2 = vector.load %arg3[%get3A, %get3A_0, %get3A_1] : memref<8x8x64xf32, #tpu.memory_space<vmem>>, vector<8x8x64xf32>
    %reduce_sum3A = arith.constant dense<0.000000e+00> : vector<64xf32>
    %reduce_sum3A_3 = vector.multi_reduction <add>, %get3A_2, %reduce_sum3A [0, 1] : vector<8x8x64xf32> to vector<64xf32>
    %div3A = arith.constant 1.638400e+04 : f32
    %div3A_4 = vector.broadcast %div3A : f32 to vector<64xf32>
    %div3A_5 = arith.divf %reduce_sum3A_3, %div3A_4 : vector<64xf32>
    %get3A_6 = arith.constant 0 : index
    %get3A_7 = arith.constant 0 : index
    %get3A_8 = arith.constant 0 : index
    %get3A_9 = vector.load %arg4[%get3A_6, %get3A_7, %get3A_8] : memref<8x8x64xf32, #tpu.memory_space<vmem>>, vector<8x8x64xf32>
    %reduce_sum3A_10 = arith.constant dense<0.000000e+00> : vector<64xf32>
    %reduce_sum3A_11 = vector.multi_reduction <add>, %get3A_9, %reduce_sum3A_10 [0, 1] : vector<8x8x64xf32> to vector<64xf32>
    %div3A_12 = arith.constant 1.638400e+04 : f32
    %div3A_13 = vector.broadcast %div3A_12 : f32 to vector<64xf32>
    %div3A_14 = arith.divf %reduce_sum3A_11, %div3A_13 : vector<64xf32>
    %mul3A = arith.mulf %div3A_5, %div3A_5 : vector<64xf32>
    %sub3A = arith.subf %div3A_14, %mul3A : vector<64xf32>
    %get3A_15 = arith.constant 0 : index
    %get3A_16 = vector.load %arg5[%get3A_15] : memref<64xf32, #tpu.memory_space<vmem>>, vector<64xf32>
    %add3A = arith.constant 9.99999974E-6 : f32
    %add3A_17 = vector.broadcast %add3A : f32 to vector<64xf32>
    %add3A_18 = arith.addf %sub3A, %add3A_17 : vector<64xf32>
    %rsqrt3A = math.rsqrt %add3A_18 : vector<64xf32>
    %mul3A_19 = arith.mulf %get3A_16, %rsqrt3A : vector<64xf32>
    %get3A_20 = arith.constant 0 : index
    %get3A_21 = vector.load %arg6[%get3A_20] : memref<64xf32, #tpu.memory_space<vmem>>, vector<64xf32>
    %mul3A_22 = arith.mulf %div3A_5, %mul3A_19 : vector<64xf32>
    %sub3A_23 = arith.subf %get3A_21, %mul3A_22 : vector<64xf32>
    %get3A_24 = arith.constant 0 : index
    %get3A_25 = arith.constant 0 : index
    %get3A_26 = arith.constant 0 : index
    %get3A_27 = vector.load %arg2[%get3A_24, %get3A_25, %get3A_26] : memref<1x256x64xf32, #tpu.memory_space<vmem>>, vector<1x256x64xf32>
    %get3A_28 = vector.shape_cast %get3A_27 : vector<1x256x64xf32> to vector<256x64xf32>
    %broadcast_in_dim3A = vector.shape_cast %mul3A_19 : vector<64xf32> to vector<1x64xf32>
    %mul3A_29 = vector.broadcast %broadcast_in_dim3A : vector<1x64xf32> to vector<256x64xf32>
    %mul3A_30 = arith.mulf %get3A_28, %mul3A_29 : vector<256x64xf32>
    %broadcast_in_dim3A_31 = vector.shape_cast %sub3A_23 : vector<64xf32> to vector<1x64xf32>
    %add3A_32 = vector.broadcast %broadcast_in_dim3A_31 : vector<1x64xf32> to vector<256x64xf32>
    %add3A_33 = arith.addf %mul3A_30, %add3A_32 : vector<256x64xf32>
    %ge3A = arith.constant 0.000000e+00 : f32
    %ge3A_34 = vector.broadcast %ge3A : f32 to vector<256x64xf32>
    %ge3A_35 = arith.cmpf oge, %add3A_33, %ge3A_34 : vector<256x64xf32>
    %mul3A_36 = arith.constant 2.000000e-01 : f32
    %mul3A_37 = vector.broadcast %mul3A_36 : f32 to vector<256x64xf32>
    %mul3A_38 = arith.mulf %mul3A_37, %add3A_33 : vector<256x64xf32>
    %select_n3A = arith.select %ge3A_35, %add3A_33, %mul3A_38 : vector<256x64xi1>, vector<256x64xf32>
    %swap3A = arith.constant 0 : index
    %swap3A_39 = arith.constant 0 : index
    %swap3A_40 = arith.constant 0 : index
    %swap3A_41 = vector.load %arg7[%swap3A, %swap3A_39, %swap3A_40] : memref<1x256x64xf32, #tpu.memory_space<vmem>>, vector<1x256x64xf32>
    %swap3A_42 = vector.shape_cast %swap3A_41 : vector<1x256x64xf32> to vector<256x64xf32>
    %swap3A_43 = vector.shape_cast %select_n3A : vector<256x64xf32> to vector<1x256x64xf32>
    tpu.vector_store %arg7[%swap3A, %swap3A_39, %swap3A_40], %swap3A_43 {strides = array<i32>} : memref<1x256x64xf32, #tpu.memory_space<vmem>>, vector<1x256x64xf32>,
    return
  }
  func.func @transform_0(%arg0: i32, %arg1: i32) -> (i32, i32, i32) {
    %c0_i32 = arith.constant 0 : i32
    %c0_i32_0 = arith.constant 0 : i32
    return %arg0, %arg1, %c0_i32 : i32, i32, i32
  }
  func.func @transform_1(%arg0: i32, %arg1: i32) -> (i32, i32, i32) {
    %c0_i32 = arith.constant 0 : i32
    %c0_i32_0 = arith.constant 0 : i32
    %c0_i32_1 = arith.constant 0 : i32
    %c0_i32_2 = arith.constant 0 : i32
    return %c0_i32, %c0_i32_0, %c0_i32_1 : i32, i32, i32
  }
  func.func @transform_2(%arg0: i32, %arg1: i32) -> (i32, i32, i32) {
    %c0_i32 = arith.constant 0 : i32
    %c0_i32_0 = arith.constant 0 : i32
    %c0_i32_1 = arith.constant 0 : i32
    %c0_i32_2 = arith.constant 0 : i32
    return %c0_i32, %c0_i32_0, %c0_i32_1 : i32, i32, i32
  }
  func.func @transform_3(%arg0: i32, %arg1: i32) -> i32 {
    %c0_i32 = arith.constant 0 : i32
    %c0_i32_0 = arith.constant 0 : i32
    return %c0_i32 : i32
  }
  func.func @transform_4(%arg0: i32, %arg1: i32) -> i32 {
    %c0_i32 = arith.constant 0 : i32
    %c0_i32_0 = arith.constant 0 : i32
    return %c0_i32 : i32
  }
  func.func @transform_5(%arg0: i32, %arg1: i32) -> (i32, i32, i32) {
    %c0_i32 = arith.constant 0 : i32
    %c0_i32_0 = arith.constant 0 : i32
    return %arg0, %arg1, %c0_i32 : i32, i32, i32
  }
}

</mosaic_0001>

<sc_bundles>
// kernel: kernel.34.cloned.1.call-start
scs
__scs_entry_jumppad:
0x0: {  	(pc) =	sbr.rel $0x88, $3  }
0x1: {  	(tag) =	ssettag $0x0;
	lr =	simm.s32 $0x1  }
0x2: {  	[smem:$0x3F9C] =	sst lr;
	_ =	strace $0xD0000000  }
0x3: {  	_ = 	snop  }
0x4: {  	_ = 	snop  }
0x5: {  	_ = 	snop  }
0x6: {  	_ = 	snop  }
0x7: {  	_ = 	snop  }
__scs_overlays_trampoline_lowered:
0x8: {  	[smem:$0x3FAB] =	sst s0  }
0x9: {  	[smem:$0x3FAC] =	sst s1  }
0xa: {  	[smem:$0x3FAD] =	sst s2  }
0xb: {  	[smem:$0x3FAE] =	sst s3  }
0xc: {  	[smem:$0x3FAF] =	sst s4  }
0xd: {  	[smem:$0x3FB0] =	sst s5  }
0xe: {  	[smem:$0x3FB1] =	sst s6  }
0xf: {  	[smem:$0x3FB2] =	sst s7  }
0x10: {  	[smem:$0x3FB3] =	sst s8  }
0x11: {  	[smem:$0x3FB4] =	sst s9;
	s0 =	simm.s32 @!p0 $0x0  }
0x12: {  	s1 =	sld [smem:$0x3F9A];
	s0 =	simm.s32 @p0 $0x1  }
0x13: {  	[smem:$0x3FB5] =	sst s0;
	s0 =	simm.s32 @!p1 $0x0  }
0x14: {  	s2 =	sld [smem:$0x3F99];
	s0 =	simm.s32 @p1 $0x1  }
0x15: {  	[smem:$0x3FB6] =	sst s0;
	s0 =	simm.s32 @!p2 $0x0  }
0x16: {  	s3 =	sld [smem:$0x3FDB];
	s0 =	simm.s32 @p2 $0x1  }
0x17: {  	s4 =	simm.s32 $0x1BF5;
	[smem:$0x3FB8] =	sst s0  }
0x18: {  	s0 =	sld [smem:$0x3F9B];
	_ =	swait.ge [sflag:s4], $0x0  }
0x19: {  	s7 =	sld [smem:$0x3F9C]  }
0x1a: {  	s8 =	sadd.s32 $0xFFFFE003, lr  }
0x1b: {  	s9 =	sadd.s32 $0xFFFFFEF7, lr;
	s5 =	simm.s32 $0xFFFFFFFF;
	p2 =	slt.u32 s8, $0xFFFFF086  }
0x1c: {  	p1 =	slt.u32 s9, $0xF7A;
	s5 =	simm.s32 @!p2 $0x0  }
0x1d: {  	s5 =	simm.s32 @p1 $0x1;
	p0 =	seq.s32 s7, s2  }
0x1e: {  	s7 =	smul.u32 @!p0 $0xF7A, s2;
	p2 =	seq.s32 @!p0 s5, $0x0  }
0x1f: {  	s9 =	smul.u32 $0xF7A, s1;
	s8 =	simm.s32 @!p0 $0x1BF5;
	p2 =	por !p2, p0  }
0x20: {  	[sflag:s8] =	ssyncset.s32 @!p0 $0xFFFFF086;
	s6 =	sadd.s32 @!p0 s3, s7;
	s7 =	simm.s32 @!p0 $0x108  }
0x21: {  	s3 =	sadd.s32 s3, s9;
	s6 =	sadd.s32 @!p0 $0x88, s6;
	s7 =	simm.s32 @p2 $0x1082  }
0x22: {  	[simem:s7], [sflag:s8] =	dma.local @!p0 [hbm:s6], $0xF7A  }
0x23: {  	s9 =	sor.u32 $0xD0000000, s2;
	s6 =	simm.s32 $0x108;
	_ =	swait.ge @!p0 [sflag:s8], $0x0  }
0x24: {  	s3 =	sadd.s32 $0x88, s3;
	s6 =	simm.s32 @!p1 $0x1082;
	[sflag:s4] =	ssyncset.s32 $0xFFFFF086  }
0x25: {  	[simem:s6], [sflag:s4] =	dma.local [hbm:s3], $0xF7A  }
0x26: {  	[smem:$0x3F9C] =	sst s1;
	(tag) =	ssettag s2;
	_ =	strace s9  }
0x27: {  	s1 =	sld [smem:$0x3FAC]  }
0x28: {  	s2 =	sld [smem:$0x3FAD]  }
0x29: {  	s4 =	sld [smem:$0x3FAF]  }
0x2a: {  	p0 =	seq.s32 s5, $0x0;
	s5 =	sld [smem:$0x3FB0]  }
0x2b: {  	s6 =	sld [smem:$0x3FB1]  }
0x2c: {  	s7 =	sld [smem:$0x3FB2]  }
0x2d: {  	s3 =	simm.s32 $0x108;
	s8 =	sld [smem:$0x3FB3]  }
0x2e: {  	s3 =	simm.s32 @!p0 $0x1082;
	s9 =	sld [smem:$0x3FB4]  }
0x2f: {  	lr =	sadd.s32 s0, s3;
	s0 =	sld [smem:$0x3FAB]  }
0x30: {  	s3 =	sld [smem:$0x3FAE]  }
0x31: {  	[smem:$0x3FB7] =	sst s10  }
0x32: {  	s10 =	sld [smem:$0x3FB5];
	_ =	sdelay $0x3  }
0x33: {  	p0 =	seq.s32 s10, $0x1;
	s10 =	sld [smem:$0x3FB7];
	_ =	sdelay $0x3  }
0x34: {  	[smem:$0x3FB7] =	sst s10  }
0x35: {  	s10 =	sld [smem:$0x3FB6];
	_ =	sdelay $0x3  }
0x36: {  	p1 =	seq.s32 s10, $0x1;
	s10 =	sld [smem:$0x3FB7];
	_ =	sdelay $0x3  }
0x37: {  	[smem:$0x3FB7] =	sst s10  }
0x38: {  	s10 =	sld [smem:$0x3FB8]  }
0x39: {  	_ = 	snop;
	(pc) =	sbr.ind lr, $3  }
0x3a: {  	_ = 	snop  }
0x3b: {  	_ = 	snop  }
0x3c: {  	p2 =	seq.s32 s10, $0x1;
	s10 =	sld [smem:$0x3FB7]  }
0x3d: {  	_ =	shalt  }
0x3e: {  	_ =	shalt  }
0x3f: {  	_ =	shalt  }
0x40: {  	_ =	shalt  }
0x41: {  	_ =	shalt  }
0x42: {  	_ =	shalt  }
0x43: {  	_ =	shalt  }
0x44: {  	_ =	shalt  }
0x45: {  	_ =	shalt  }
0x46: {  	_ =	shalt  }
0x47: {  	_ =	shalt  }
0x48: {  	_ =	shalt  }
0x49: {  	_ =	shalt  }
0x4a: {  	_ =	shalt  }
0x4b: {  	_ =	shalt  }
0x4c: {  	_ =	shalt  }
0x4d: {  	_ =	shalt  }
0x4e: {  	_ =	shalt  }
0x4f: {  	_ =	shalt  }
0x50: {  	_ =	shalt  }
0x51: {  	_ =	shalt  }
0x52: {  	_ =	shalt  }
0x53: {  	_ =	shalt  }
0x54: {  	_ =	shalt  }
0x55: {  	_ =	shalt  }
0x56: {  	_ =	shalt  }
0x57: {  	_ =	shalt  }
0x58: {  	_ =	shalt  }
0x59: {  	_ =	shalt  }
0x5a: {  	_ =	shalt  }
0x5b: {  	_ =	shalt  }
0x5c: {  	_ =	shalt  }
0x5d: {  	_ =	shalt  }
0x5e: {  	_ =	shalt  }
0x5f: {  	_ =	shalt  }
0x60: {  	_ =	shalt  }
0x61: {  	_ =	shalt  }
0x62: {  	_ =	shalt  }
0x63: {  	_ =	shalt  }
0x64: {  	_ =	shalt  }
0x65: {  	_ =	shalt  }
0x66: {  	_ =	shalt  }
0x67: {  	_ =	shalt  }
0x68: {  	_ =	shalt  }
0x69: {  	_ =	shalt  }
0x6a: {  	_ =	shalt  }
0x6b: {  	_ =	shalt  }
0x6c: {  	_ =	shalt  }
0x6d: {  	_ =	shalt  }
0x6e: {  	_ =	shalt  }
0x6f: {  	_ =	shalt  }
0x70: {  	_ =	shalt  }
0x71: {  	_ =	shalt  }
0x72: {  	_ =	shalt  }
0x73: {  	_ =	shalt  }
0x74: {  	_ =	shalt  }
0x75: {  	_ =	shalt  }
0x76: {  	_ =	shalt  }
0x77: {  	_ =	shalt  }
0x78: {  	_ =	shalt  }
0x79: {  	_ =	shalt  }
0x7a: {  	_ =	shalt  }
0x7b: {  	_ =	shalt  }
0x7c: {  	_ =	shalt  }
0x7d: {  	_ =	shalt  }
0x7e: {  	_ =	shalt  }
0x7f: {  	_ =	shalt  }
0x80: {  	_ =	shalt  }
0x81: {  	_ =	shalt  }
0x82: {  	_ =	shalt  }
0x83: {  	_ =	shalt  }
0x84: {  	_ =	shalt  }
0x85: {  	_ =	shalt  }
0x86: {  	_ =	shalt  }
0x87: {  	_ =	shalt  }
.Lfunc_end0:
.L_simem_size_0:
called_computation_lowered:
.L_overlay_start_0:
0x88: {  	s2 =	sld [smem:$0x3FD9]  }
0x89: {  	s3 =	sld [smem:$0x3FFE];
	_ =	sdelay $0x1  }
0x8a: {  	s1 =	srdreg.scid  }
0x8b: {  	s0 =	sand.u32 $0x1, s1  }
0x8c: {  	s17 =	sshll.u32 s0, $0xA;
	s2 =	sadd.s32 s3, s2  }
0x8d: {  	s2 =	sadd.s32 s2, s17  }
0x8e: {  	[smem:$0x3FC3] =	sst s2  }
0x8f: {  	_ = 	snop  }
0x90: {  	s2 =	sld [smem:$0x3FD0];
	(tm) =	ssettm $0x1  }
0x91: {  	s18 =	sld [smem:$0x3FFB];
	_ =	sdelay $0x3  }
0x92: {  	_ =	strace s18  }
0x93: {  	s3 =	sld [smem:$0x3FFC];
	_ =	sdelay $0x3  }
0x94: {  	_ =	strace s3  }
0x95: {  	s3 =	sld [smem:$0x3FFD];
	_ =	sdelay $0x3  }
0x96: {  	_ =	strace s3  }
0x97: {  	_ =	strace $0x8FFFFFFF  }
0x98: {  	s19 =	sld [smem:$0x3FDB];
	_ =	sdelay $0x1  }
0x99: {  	s4 =	simm.s32 $_scs_section_size  }
0x9a: {  	s5 =	simm.s32 $_size__tile_overlayer_lowered;
	s6 =	simm.s32 $_tile_overlayer_lowered  }
0x9b: {  	s22 =	simm.s32 $0x1BFF;
	s21 =	sshll.u32 s6, $0x1;
	s3 =	sadd.s32 s4, s19  }
0x9c: {  	s7 =	simm.s32 $0x0;
	s20 =	sshll.u32 s5, $0x1;
	s5 =	sadd.s32 s21, s3  }
0x9d: {  	[timem:s7], [sflag:s22] =	dma.local [hbm:s5], s20  }
0x9e: {  	_ =	swait.ge [sflag:s22], s20  }
0x9f: {  	s4 =	ssub.s32 $0x0, s20;
	[sflag:s22] =	ssyncset.done $0x0  }
0xa0: {  	[sflag:s22] =	ssyncadd.s32 s4;
	_ =	sdelay $0x1  }
0xa1: {  	s23 =	simm.s32 $0x1B8B  }
0xa2: {  	_ =	swait.ge [sflag:s23], $0x1  }
0xa3: {  	[sflag:s23] =	ssyncset.done $0x0  }
0xa4: {  	s25 =	simm.s32 $0x1B8E;
	s24 =	sld [smem:$0x3FFE];
	[sflag:s23] =	ssyncadd.s32 $0xFFFFFFFF  }
0xa5: {  	s26 =	simm.s32 $execute0_lowered;
	[smem:$0x3FD2] =	sst s25  }
0xa6: {  	s5 =	sshll.u32 s26, $0x1;
	_ =	strace $0x80000046;
	[dreg:$0x1] =	wrdreg $0xFFFFFFFF  }
0xa7: {  	s28 =	simm.s32 $_size_execute0_lowered;
	s3 =	sadd.s32 s3, s5;
	[dreg:$0x0] =	wrdreg $0x0  }
0xa8: {  	s5 =	sshll.u32 s28, $0x1;
	[dreg:$0x2] =	wrdreg s3  }
0xa9: {  	[dreg:$0x3] =	wrdreg s5  }
0xaa: {  	[dreg:$0x4] =	wrdreg $0xC0  }
0xab: {  	_ =	task [dreg:s7], $0x5FFFF  }
0xac: {  	[dreg:$0x1] =	wrdreg $0xFFFFFFFF  }
0xad: {  	[dreg:$0x0] =	wrdreg $0x60  }
0xae: {  	[dreg:$0x2] =	wrdreg s24  }
0xaf: {  	[dreg:$0x3] =	wrdreg s2  }
0xb0: {  	[dreg:$0x4] =	wrdreg $0x9  }
0xb1: {  	_ =	task.clear_ibuf [dreg:s7], $0x5FFFF;
	_ =	strace $0x90000046  }
0xb2: {  	s29 =	simm.s32 $0x9;
	_ =	strace $0x80000048  }
0xb3: {  	_ =	swait.ge [sflag:s29], $0x1  }
0xb4: {  	[sflag:s29] =	ssyncadd.s32 $0xFFFFFFFF  }
0xb5: {  	_ =	strace $0x90000048  }
0xb6: {  	_ =	sfence  }
0xb7: {  	s30 =	sld [smem:$0x0];
	_ =	sdelay $0x2  }
0xb8: {  	s31 =	sshll.u32 s1, $0xD;
	s1 =	sshrl.u32 s1, $0x2  }
0xb9: {  	s3 =	sand.u32 $0x4000, s31;
	s1 =	sadd.s32 s1, s30  }
0xba: {  	s0 =	sor.u32 s3, s0;
	s1 =	sshll.u32 s1, $0x11  }
0xbb: {  	s0 =	sor.u32 s1, s0  }
0xbc: {  	s0 =	sadd.s32 $0x8F2B, s0  }
0xbd: {  	[sflag:s0] =	ssyncadd.remote.s32 $0x1  }
0xbe: {  	_ =	sfence.sel $0xFFFF  }
0xbf: {  	[dreg:$0x0] =	wrdreg $0xFFFFFFFF;
	(pc) =	sbr.abs _section_cstart, $3  }
0xc0: {  	[dreg:$0x1] =	wrdreg $0xFFFFFFFF  }
0xc1: {  	_ =	task.clear_ibuf [dreg:s7], $0x2FFFF;
	_ =	strace $0x9FFFFFFF  }
0xc2: {  	(tm) =	ssettm $0x7FFFFFFF  }
0xc3: {  	_ =	shalt  }
tec
execute0_lowered:
.L_overlay_start_1:
0x0: {  	(tag) =	ssettag $0x1  }
0x1: {  	s4 =	rddreg [dreg:$0x0]  }
0x2: {  	s2 =	rddreg [dreg:$0x1]  }
0x3: {  	s0 =	rddreg [dreg:$0x2];
	s5 =	srdreg.scid  }
0x4: {  	s3 =	simm.s32 $0x0;
	s1 =	stileid.u32;
	s10 =	simm.s32 $0x0  }
0x5: {  	s5 =	sand.u32 $0x1, s5;
	[smem:$0x7FF] =	sst s3;
	s6 =	sshll.u32 s1, $0xB  }
0x6: {  	s8 =	sshll.u32 s1, $0xE;
	s7 =	sshll.u32 s5, $0xA;
	_ =	strace $0x80000047  }
0x7: {  	s31 =	ssub.s32 $0x2, s5;
	s8 =	sadd.s32 s8, s4;
	s5 =	sshll.u32 s5, $0xD  }
0x8: {  	s6 =	sor.u32 s7, s6;
	s9 =	sshrl.u32 s31, $0x1;
	s5 =	sadd.s32 s5, s8  }
0x9: {  	s8 =	simm.s32 $0x80;
	s6 =	sshrl.u32 s6, $0x3;
	s7 =	ssub.s32 s31, s9  }
0xa: {  	s5 =	sadd.s32 $0x4E00, s5;
	s9 =	simm.s32 $0x1;
	s6 =	sadd.s32 s6, s4  }
0xb: {  	s4 =	smax.u32 s7, $0x1;
	s7 =	simm.s32 $0x2;
	s6 =	sadd.s32 $0x3E00, s6  }
.LBB2_1:
0xc: {  	s11 =	sadd.s32 $0x0, s6  }
0xd: {  	[tilespmem:s3], [sflag:$0x2] =	stream.linear.gather [hbm4b:s11+s3], $0x80, $0x38;
	[tilespmem:$0x2080] =	vst v63  }
0xe: {  	_ =	swait.ge [sflag:s7], $0x80  }
0xf: {  	[sflag:s7] =	ssyncset.done $0x0  }
0x10: {  	[sflag:s7] =	ssyncadd.s32 $0xFFFFFF80  }
0x11: {  	[tilespmem:s8], [sflag:$0x1] =	stream.indirect.gather [hbm4b:s2+s8], $0x40, s3, s8, $0xb8;
	[tilespmem:$0x2080] =	vst v63  }
0x12: {  	_ =	swait.ge [sflag:s9], $0x2000  }
0x13: {  	[sflag:s9] =	ssyncset.done $0x0  }
0x14: {  	[sflag:s9] =	ssyncadd.s32 $0xFFFFE000  }
0x15: {  	[hbm4b:s5+s3] =	stream.linear.scatter [tilespmem:s8], [sflag:$0x2], $0x2000, $0x38;
	[tilespmem:$0x2080] =	vst v63  }
0x16: {  	s12 =	simm.s32 $0x10;
	_ =	swait.ge [sflag:s7], $0x2000  }
0x17: {  	s13 =	simm.s32 $0x20;
	s11 =	sadd.s32 $0x400, s5;
	[sflag:s7] =	ssyncset.done $0x0  }
.LBB2_2:
0x18: {  	s14 =	sadd.s32 s12, s6  }
0x19: {  	[sflag:s7] =	ssyncadd.s32 $0xFFFFE000;
	s12 =	smov.u32 s13;
	s15 =	sadd.s32 $0x10, s13  }
0x1a: {  	[tilespmem:s3], [sflag:$0x2] =	stream.linear.gather [hbm4b:s14+s3], $0x80, $0x38;
	[tilespmem:$0x2080] =	vst v63  }
0x1b: {  	p0 =	sne.s32 s13, $0x70;
	_ =	swait.ge [sflag:s7], $0x80  }
0x1c: {  	[sflag:s7] =	ssyncset.done $0x0  }
0x1d: {  	[sflag:s7] =	ssyncadd.s32 $0xFFFFFF80  }
0x1e: {  	[tilespmem:s8], [sflag:$0x1] =	stream.indirect.gather [hbm4b:s2+s8], $0x40, s3, s8, $0xb8;
	[tilespmem:$0x2080] =	vst v63  }
0x1f: {  	_ =	swait.ge [sflag:s9], $0x2000  }
.Ltmp0:
0x20: {  	[sflag:s9] =	ssyncset.done $0x0;
	(pc) =	sbr.rel @p0 .LBB2_2-.Ltmp0, $4  }
0x21: {  	[sflag:s9] =	ssyncadd.s32 $0xFFFFE000  }
0x22: {  	[hbm4b:s11+s3] =	stream.linear.scatter [tilespmem:s8], [sflag:$0x2], $0x2000, $0x38;
	[tilespmem:$0x2080] =	vst v63  }
0x23: {  	_ =	swait.ge [sflag:s7], $0x2000  }
0x24: {  	s13 =	smov.u32 s15;
	s11 =	sadd.s32 $0x400, s11;
	[sflag:s7] =	ssyncset.done $0x0  }
0x25: {  	s12 =	sadd.s32 s12, s6;
	[sflag:s7] =	ssyncadd.s32 $0xFFFFE000  }
0x26: {  	[tilespmem:s3], [sflag:$0x2] =	stream.linear.gather [hbm4b:s12+s3], $0x80, $0x38;
	[tilespmem:$0x2080] =	vst v63  }
0x27: {  	_ =	swait.ge [sflag:s7], $0x80  }
0x28: {  	[sflag:s7] =	ssyncset.done $0x0  }
0x29: {  	[sflag:s7] =	ssyncadd.s32 $0xFFFFFF80  }
0x2a: {  	[tilespmem:s8], [sflag:$0x1] =	stream.indirect.gather [hbm4b:s2+s8], $0x40, s3, s8, $0xb8;
	[tilespmem:$0x2080] =	vst v63  }
0x2b: {  	s10 =	sadd.s32 $0x1, s10;
	_ =	swait.ge [sflag:s9], $0x2000  }
0x2c: {  	p0 =	sne.s32 s10, s4;
	[sflag:s9] =	ssyncset.done $0x0  }
.Ltmp1:
0x2d: {  	[sflag:s9] =	ssyncadd.s32 $0xFFFFE000;
	(pc) =	sbr.rel @p0 .LBB2_1-.Ltmp1, $4  }
0x2e: {  	[hbm4b:s11+s3] =	stream.linear.scatter [tilespmem:s8], [sflag:$0x2], $0x2000, $0x38;
	[tilespmem:$0x2080] =	vst v63  }
0x2f: {  	_ =	swait.ge [sflag:s7], $0x2000  }
0x30: {  	[sflag:s7] =	ssyncset.done $0x0  }
0x31: {  	[sflag:s7] =	ssyncadd.s32 $0xFFFFE000  }
0x32: {  	_ =	sfence.sel $0x180000  }
0x33: {  	[bflag:$0x0] =	sbarrier.arrive $0xFFFF  }
0x34: {  	p0 =	sne.s32 s1, $0x0;
	_ =	strace $0x90000047  }
0x35: {  	s0 =	sadd.s32 @!p0 $0x100000, s0;
	[bflag:$0x2] =	sbarrier.arrive $0xFFFF  }
0x36: {  	[sflag:s0] =	ssyncadd.tile.s32 @!p0 $0x1;
	_ =	shalt  }
.Lfunc_end2:
_tile_overlayer_lowered:
.L_overlay_start_2:
0x37: {  	(tag) =	ssettag $0x2  }
0x38: {  	s0 =	rddreg [dreg:$0x0];
	s2 =	stileid.u32  }
0x39: {  	s1 =	rddreg [dreg:$0x1];
	p0 =	sne.s32 s2, $0x0  }
0x3a: {  	s3 =	rddreg [dreg:$0x2];
	[bflag:$0x3] =	sbarrier.arrive $0xFFFF;
	s2 =	simm.s32 @!p0 $0x1C02  }
0x3b: {  	[timem:s3], [sflag:s2] =	dma.local @!p0 [hbm:s0], s1  }
0x3c: {  	s0 =	simm.s32 @!p0 $0x2  }
0x3d: {  	_ =	swait.ge @!p0 [sflag:s0], s1  }
0x3e: {  	s1 =	ssub.s32 @!p0 $0x0, s1;
	[sflag:s0] =	ssyncset.done @!p0 $0x0  }
0x3f: {  	[sflag:s0] =	ssyncadd.s32 @!p0 s1  }
0x40: {  	[bflag:$0x3] =	sbarrier.arrive $0xFFFF  }
0x41: {  	_ =	shalt  }

// kernel: kernel.37.cloned.1.call-start
scs
__scs_entry_jumppad:
0x0: {  	(pc) =	sbr.rel $0x88, $3  }
0x1: {  	(tag) =	ssettag $0x0;
	lr =	simm.s32 $0x1  }
0x2: {  	[smem:$0x3F9C] =	sst lr;
	_ =	strace $0xD0000000  }
0x3: {  	_ = 	snop  }
0x4: {  	_ = 	snop  }
0x5: {  	_ = 	snop  }
0x6: {  	_ = 	snop  }
0x7: {  	_ = 	snop  }
__scs_overlays_trampoline_lowered:
0x8: {  	[smem:$0x3FAB] =	sst s0  }
0x9: {  	[smem:$0x3FAC] =	sst s1  }
0xa: {  	[smem:$0x3FAD] =	sst s2  }
0xb: {  	[smem:$0x3FAE] =	sst s3  }
0xc: {  	[smem:$0x3FAF] =	sst s4  }
0xd: {  	[smem:$0x3FB0] =	sst s5  }
0xe: {  	[smem:$0x3FB1] =	sst s6  }
0xf: {  	[smem:$0x3FB2] =	sst s7  }
0x10: {  	[smem:$0x3FB3] =	sst s8  }
0x11: {  	[smem:$0x3FB4] =	sst s9;
	s0 =	simm.s32 @!p0 $0x0  }
0x12: {  	s1 =	sld [smem:$0x3F9A];
	s0 =	simm.s32 @p0 $0x1  }
0x13: {  	[smem:$0x3FB5] =	sst s0;
	s0 =	simm.s32 @!p1 $0x0  }
0x14: {  	s2 =	sld [smem:$0x3F99];
	s0 =	simm.s32 @p1 $0x1  }
0x15: {  	[smem:$0x3FB6] =	sst s0;
	s0 =	simm.s32 @!p2 $0x0  }
0x16: {  	s3 =	sld [smem:$0x3FDB];
	s0 =	simm.s32 @p2 $0x1  }
0x17: {  	s4 =	simm.s32 $0x1BF5;
	[smem:$0x3FB8] =	sst s0  }
0x18: {  	s0 =	sld [smem:$0x3F9B];
	_ =	swait.ge [sflag:s4], $0x0  }
0x19: {  	s7 =	sld [smem:$0x3F9C]  }
0x1a: {  	s8 =	sadd.s32 $0xFFFFE003, lr  }
0x1b: {  	s9 =	sadd.s32 $0xFFFFFEF7, lr;
	s5 =	simm.s32 $0xFFFFFFFF;
	p2 =	slt.u32 s8, $0xFFFFF086  }
0x1c: {  	p1 =	slt.u32 s9, $0xF7A;
	s5 =	simm.s32 @!p2 $0x0  }
0x1d: {  	s5 =	simm.s32 @p1 $0x1;
	p0 =	seq.s32 s7, s2  }
0x1e: {  	s7 =	smul.u32 @!p0 $0xF7A, s2;
	p2 =	seq.s32 @!p0 s5, $0x0  }
0x1f: {  	s9 =	smul.u32 $0xF7A, s1;
	s8 =	simm.s32 @!p0 $0x1BF5;
	p2 =	por !p2, p0  }
0x20: {  	[sflag:s8] =	ssyncset.s32 @!p0 $0xFFFFF086;
	s6 =	sadd.s32 @!p0 s3, s7;
	s7 =	simm.s32 @!p0 $0x108  }
0x21: {  	s3 =	sadd.s32 s3, s9;
	s6 =	sadd.s32 @!p0 $0x88, s6;
	s7 =	simm.s32 @p2 $0x1082  }
0x22: {  	[simem:s7], [sflag:s8] =	dma.local @!p0 [hbm:s6], $0xF7A  }
0x23: {  	s9 =	sor.u32 $0xD0000000, s2;
	s6 =	simm.s32 $0x108;
	_ =	swait.ge @!p0 [sflag:s8], $0x0  }
0x24: {  	s3 =	sadd.s32 $0x88, s3;
	s6 =	simm.s32 @!p1 $0x1082;
	[sflag:s4] =	ssyncset.s32 $0xFFFFF086  }
0x25: {  	[simem:s6], [sflag:s4] =	dma.local [hbm:s3], $0xF7A  }
0x26: {  	[smem:$0x3F9C] =	sst s1;
	(tag) =	ssettag s2;
	_ =	strace s9  }
0x27: {  	s1 =	sld [smem:$0x3FAC]  }
0x28: {  	s2 =	sld [smem:$0x3FAD]  }
0x29: {  	s4 =	sld [smem:$0x3FAF]  }
0x2a: {  	p0 =	seq.s32 s5, $0x0;
	s5 =	sld [smem:$0x3FB0]  }
0x2b: {  	s6 =	sld [smem:$0x3FB1]  }
0x2c: {  	s7 =	sld [smem:$0x3FB2]  }
0x2d: {  	s3 =	simm.s32 $0x108;
	s8 =	sld [smem:$0x3FB3]  }
0x2e: {  	s3 =	simm.s32 @!p0 $0x1082;
	s9 =	sld [smem:$0x3FB4]  }
0x2f: {  	lr =	sadd.s32 s0, s3;
	s0 =	sld [smem:$0x3FAB]  }
0x30: {  	s3 =	sld [smem:$0x3FAE]  }
0x31: {  	[smem:$0x3FB7] =	sst s10  }
0x32: {  	s10 =	sld [smem:$0x3FB5];
	_ =	sdelay $0x3  }
0x33: {  	p0 =	seq.s32 s10, $0x1;
	s10 =	sld [smem:$0x3FB7];
	_ =	sdelay $0x3  }
0x34: {  	[smem:$0x3FB7] =	sst s10  }
0x35: {  	s10 =	sld [smem:$0x3FB6];
	_ =	sdelay $0x3  }
0x36: {  	p1 =	seq.s32 s10, $0x1;
	s10 =	sld [smem:$0x3FB7];
	_ =	sdelay $0x3  }
0x37: {  	[smem:$0x3FB7] =	sst s10  }
0x38: {  	s10 =	sld [smem:$0x3FB8]  }
0x39: {  	_ = 	snop;
	(pc) =	sbr.ind lr, $3  }
0x3a: {  	_ = 	snop  }
0x3b: {  	_ = 	snop  }
0x3c: {  	p2 =	seq.s32 s10, $0x1;
	s10 =	sld [smem:$0x3FB7]  }
0x3d: {  	_ =	shalt  }
0x3e: {  	_ =	shalt  }
0x3f: {  	_ =	shalt  }
0x40: {  	_ =	shalt  }
0x41: {  	_ =	shalt  }
0x42: {  	_ =	shalt  }
0x43: {  	_ =	shalt  }
0x44: {  	_ =	shalt  }
0x45: {  	_ =	shalt  }
0x46: {  	_ =	shalt  }
0x47: {  	_ =	shalt  }
0x48: {  	_ =	shalt  }
0x49: {  	_ =	shalt  }
0x4a: {  	_ =	shalt  }
0x4b: {  	_ =	shalt  }
0x4c: {  	_ =	shalt  }
0x4d: {  	_ =	shalt  }
0x4e: {  	_ =	shalt  }
0x4f: {  	_ =	shalt  }
0x50: {  	_ =	shalt  }
0x51: {  	_ =	shalt  }
0x52: {  	_ =	shalt  }
0x53: {  	_ =	shalt  }
0x54: {  	_ =	shalt  }
0x55: {  	_ =	shalt  }
0x56: {  	_ =	shalt  }
0x57: {  	_ =	shalt  }
0x58: {  	_ =	shalt  }
0x59: {  	_ =	shalt  }
0x5a: {  	_ =	shalt  }
0x5b: {  	_ =	shalt  }
0x5c: {  	_ =	shalt  }
0x5d: {  	_ =	shalt  }
0x5e: {  	_ =	shalt  }
0x5f: {  	_ =	shalt  }
0x60: {  	_ =	shalt  }
0x61: {  	_ =	shalt  }
0x62: {  	_ =	shalt  }
0x63: {  	_ =	shalt  }
0x64: {  	_ =	shalt  }
0x65: {  	_ =	shalt  }
0x66: {  	_ =	shalt  }
0x67: {  	_ =	shalt  }
0x68: {  	_ =	shalt  }
0x69: {  	_ =	shalt  }
0x6a: {  	_ =	shalt  }
0x6b: {  	_ =	shalt  }
0x6c: {  	_ =	shalt  }
0x6d: {  	_ =	shalt  }
0x6e: {  	_ =	shalt  }
0x6f: {  	_ =	shalt  }
0x70: {  	_ =	shalt  }
0x71: {  	_ =	shalt  }
0x72: {  	_ =	shalt  }
0x73: {  	_ =	shalt  }
0x74: {  	_ =	shalt  }
0x75: {  	_ =	shalt  }
0x76: {  	_ =	shalt  }
0x77: {  	_ =	shalt  }
0x78: {  	_ =	shalt  }
0x79: {  	_ =	shalt  }
0x7a: {  	_ =	shalt  }
0x7b: {  	_ =	shalt  }
0x7c: {  	_ =	shalt  }
0x7d: {  	_ =	shalt  }
0x7e: {  	_ =	shalt  }
0x7f: {  	_ =	shalt  }
0x80: {  	_ =	shalt  }
0x81: {  	_ =	shalt  }
0x82: {  	_ =	shalt  }
0x83: {  	_ =	shalt  }
0x84: {  	_ =	shalt  }
0x85: {  	_ =	shalt  }
0x86: {  	_ =	shalt  }
0x87: {  	_ =	shalt  }
.Lfunc_end0:
.L_simem_size_0:
called_computation.1_lowered:
.L_overlay_start_0:
0x88: {  	s2 =	sld [smem:$0x3FD9]  }
0x89: {  	s3 =	sld [smem:$0x3FFE];
	_ =	sdelay $0x1  }
0x8a: {  	s1 =	srdreg.scid  }
0x8b: {  	s0 =	sand.u32 $0x1, s1  }
0x8c: {  	s17 =	sshll.u32 s0, $0xA;
	s2 =	sadd.s32 s3, s2  }
0x8d: {  	s2 =	sadd.s32 s2, s17  }
0x8e: {  	[smem:$0x3FC3] =	sst s2  }
0x8f: {  	_ = 	snop  }
0x90: {  	(tm) =	ssettm $0x1  }
0x91: {  	s18 =	sld [smem:$0x3FFB];
	_ =	sdelay $0x3  }
0x92: {  	_ =	strace s18  }
0x93: {  	s2 =	sld [smem:$0x3FFC];
	_ =	sdelay $0x3  }
0x94: {  	_ =	strace s2  }
0x95: {  	s2 =	sld [smem:$0x3FFD];
	_ =	sdelay $0x3  }
0x96: {  	_ =	strace s2  }
0x97: {  	_ =	strace $0x8FFFFFFF  }
0x98: {  	s19 =	sld [smem:$0x3FDB];
	_ =	sdelay $0x1  }
0x99: {  	s20 =	simm.s32 $_scs_section_size  }
0x9a: {  	s4 =	simm.s32 $_size__tile_overlayer_lowered;
	s5 =	simm.s32 $_tile_overlayer_lowered  }
0x9b: {  	s6 =	simm.s32 $0x1BFF;
	s21 =	sshll.u32 s5, $0x1;
	s3 =	sadd.s32 s20, s19  }
0x9c: {  	s22 =	simm.s32 $0x0;
	s4 =	sshll.u32 s4, $0x1;
	s5 =	sadd.s32 s21, s3  }
0x9d: {  	[timem:s22], [sflag:s6] =	dma.local [hbm:s5], s4  }
0x9e: {  	_ =	swait.ge [sflag:s6], s4  }
0x9f: {  	s4 =	ssub.s32 $0x0, s4;
	[sflag:s6] =	ssyncset.done $0x0  }
0xa0: {  	[sflag:s6] =	ssyncadd.s32 s4;
	_ =	sdelay $0x1  }
0xa1: {  	s23 =	simm.s32 $0x1B8B  }
0xa2: {  	_ =	swait.ge [sflag:s23], $0x1  }
0xa3: {  	[sflag:s23] =	ssyncset.done $0x0  }
0xa4: {  	[sflag:s23] =	ssyncadd.s32 $0xFFFFFFFF  }
0xa5: {  	s4 =	sld [smem:$0x0]  }
0xa6: {  	s5 =	sand.u32 $0xFFFFFFFE, s1  }
0xa7: {  	p0 =	sne.s32 s1, s5  }
0xa8: {  	s5 =	sshll.u32 @p0 s5, $0xE  }
0xa9: {  	s5 =	sadd.s32 @p0 $0x11B8D, s5;
	s6 =	sshll.u32 @p0 s4, $0x11  }
0xaa: {  	s5 =	sor.u32 @p0 s6, s5  }
0xab: {  	[sflag:s5] =	ssyncadd.remote.s32 @p0 $0x1;
	_ =	sdelay $0x1  }
0xac: {  	s5 =	simm.s32 @p0 $0x1B8D  }
0xad: {  	_ =	swait.eq @p0 [sflag:s5], $0x1  }
0xae: {  	[sflag:s5] =	ssyncadd.s32 @p0 $0xFFFFFFFF  }
0xaf: {  	s6 =	sshll.u32 @!p0 s1, $0xE  }
0xb0: {  	s6 =	sor.u32 @!p0 $0x4000, s6;
	s5 =	simm.s32 @!p0 $0x1B8D  }
0xb1: {  	s4 =	sshll.u32 @!p0 s4, $0x11;
	s6 =	sadd.s32 @!p0 $0x11B8D, s6;
	_ =	swait.eq @!p0 [sflag:s5], $0x1  }
0xb2: {  	s4 =	sor.u32 @!p0 s4, s6;
	[sflag:s5] =	ssyncadd.s32 @!p0 $0xFFFFFFFF  }
0xb3: {  	s25 =	simm.s32 $0x1B8E;
	s24 =	sld [smem:$0x3FFE];
	[sflag:s4] =	ssyncadd.remote.s32 @!p0 $0x1  }
0xb4: {  	s26 =	simm.s32 $execute0_lowered;
	[smem:$0x3FD2] =	sst s25  }
0xb5: {  	s5 =	sshll.u32 s26, $0x1;
	_ =	strace $0x80000049;
	[dreg:$0x1] =	wrdreg $0xFFFFFFFF  }
0xb6: {  	s28 =	simm.s32 $_size_execute0_lowered;
	s3 =	sadd.s32 s3, s5;
	[dreg:$0x0] =	wrdreg $0x0  }
0xb7: {  	s5 =	sshll.u32 s28, $0x1;
	[dreg:$0x2] =	wrdreg s3  }
0xb8: {  	[dreg:$0x3] =	wrdreg s5  }
0xb9: {  	[dreg:$0x4] =	wrdreg $0xC0  }
0xba: {  	_ =	task [dreg:s22], $0x5FFFF  }
0xbb: {  	[dreg:$0x1] =	wrdreg $0xFFFFFFFF  }
0xbc: {  	[dreg:$0x0] =	wrdreg $0x60  }
0xbd: {  	[dreg:$0x2] =	wrdreg s24  }
0xbe: {  	[dreg:$0x3] =	wrdreg $0xA  }
0xbf: {  	_ =	task.clear_ibuf [dreg:s22], $0x4FFFF;
	_ =	strace $0x90000049  }
0xc0: {  	s29 =	simm.s32 $0xA;
	_ =	strace $0x8000004B  }
0xc1: {  	_ =	swait.ge [sflag:s29], $0x1  }
0xc2: {  	[sflag:s29] =	ssyncadd.s32 $0xFFFFFFFF  }
0xc3: {  	_ =	strace $0x9000004B  }
0xc4: {  	_ =	sfence  }
0xc5: {  	s30 =	sld [smem:$0x0];
	_ =	sdelay $0x2  }
0xc6: {  	s31 =	sshll.u32 s1, $0xD;
	s1 =	sshrl.u32 s1, $0x2  }
0xc7: {  	s4 =	sand.u32 $0x4000, s31;
	s1 =	sadd.s32 s1, s30  }
0xc8: {  	s0 =	sor.u32 s4, s0;
	s1 =	sshll.u32 s1, $0x11  }
0xc9: {  	s0 =	sor.u32 s1, s0  }
0xca: {  	s0 =	sadd.s32 $0x8F2B, s0  }
0xcb: {  	[sflag:s0] =	ssyncadd.remote.s32 $0x1  }
0xcc: {  	_ =	sfence.sel $0xFFFF  }
0xcd: {  	[dreg:$0x0] =	wrdreg $0xFFFFFFFF;
	(pc) =	sbr.abs _section_cstart, $3  }
0xce: {  	[dreg:$0x1] =	wrdreg $0xFFFFFFFF  }
0xcf: {  	_ =	task.clear_ibuf [dreg:s22], $0x2FFFF;
	_ =	strace $0x9FFFFFFF  }
0xd0: {  	(tm) =	ssettm $0x7FFFFFFF  }
0xd1: {  	_ =	shalt  }
tec
execute0_lowered:
.L_overlay_start_1:
0x0: {  	(tag) =	ssettag $0x1  }
0x1: {  	s3 =	rddreg [dreg:$0x0];
	s2 =	srdreg.scid  }
0x2: {  	s0 =	rddreg [dreg:$0x1];
	s1 =	stileid.u32  }
0x3: {  	s9 =	simm.s32 $0x1;
	s10 =	simm.s32 $0x0;
	s4 =	sand.u32 $0x1, s2  }
0x4: {  	s2 =	simm.s32 $0x0;
	s5 =	sshll.u32 s1, $0xB;
	s30 =	sshll.u32 s1, $0xE  }
0x5: {  	s6 =	sshll.u32 s4, $0xA;
	[smem:$0x7FF] =	sst s2;
	s29 =	ssub.s32 $0x2, s4  }
0x6: {  	s31 =	sshll.u32 s4, $0xD;
	s5 =	sor.u32 s6, s5;
	s8 =	sshrl.u32 s29, $0x1  }
0x7: {  	_ =	strace $0x8000004A;
	s5 =	sshrl.u32 s5, $0x3;
	s6 =	ssub.s32 s29, s8  }
0x8: {  	s8 =	simm.s32 $0x80;
	s7 =	sadd.s32 s5, s3;
	s5 =	sadd.s32 s30, s3  }
0x9: {  	s3 =	sadd.s32 $0x44E00, s3;
	s4 =	smax.u32 s6, $0x1;
	s5 =	sadd.s32 s31, s5  }
0xa: {  	s6 =	sadd.s32 $0x48E00, s7;
	s7 =	simm.s32 $0x2;
	s5 =	sadd.s32 $0x49E00, s5  }
.LBB2_1:
0xb: {  	s11 =	sadd.s32 $0x0, s6  }
0xc: {  	[tilespmem:s2], [sflag:$0x2] =	stream.linear.gather [hbm4b:s11+s2], $0x80, $0x38;
	[tilespmem:$0x2080] =	vst v63  }
0xd: {  	_ =	swait.ge [sflag:s7], $0x80  }
0xe: {  	[sflag:s7] =	ssyncset.done $0x0  }
0xf: {  	[sflag:s7] =	ssyncadd.s32 $0xFFFFFF80  }
0x10: {  	[tilespmem:s8], [sflag:$0x1] =	stream.indirect.gather [hbm4b:s3+s8], $0x40, s2, s8, $0xb8;
	[tilespmem:$0x2080] =	vst v63  }
0x11: {  	_ =	swait.ge [sflag:s9], $0x2000  }
0x12: {  	[sflag:s9] =	ssyncset.done $0x0  }
0x13: {  	[sflag:s9] =	ssyncadd.s32 $0xFFFFE000  }
0x14: {  	[hbm4b:s5+s2] =	stream.linear.scatter [tilespmem:s8], [sflag:$0x2], $0x2000, $0x38;
	[tilespmem:$0x2080] =	vst v63  }
0x15: {  	s12 =	simm.s32 $0x10;
	_ =	swait.ge [sflag:s7], $0x2000  }
0x16: {  	s13 =	simm.s32 $0x20;
	s11 =	sadd.s32 $0x400, s5;
	[sflag:s7] =	ssyncset.done $0x0  }
.LBB2_2:
0x17: {  	s14 =	sadd.s32 s12, s6  }
0x18: {  	[sflag:s7] =	ssyncadd.s32 $0xFFFFE000;
	s12 =	smov.u32 s13;
	s15 =	sadd.s32 $0x10, s13  }
0x19: {  	[tilespmem:s2], [sflag:$0x2] =	stream.linear.gather [hbm4b:s14+s2], $0x80, $0x38;
	[tilespmem:$0x2080] =	vst v63  }
0x1a: {  	p0 =	sne.s32 s13, $0x70;
	_ =	swait.ge [sflag:s7], $0x80  }
0x1b: {  	[sflag:s7] =	ssyncset.done $0x0  }
0x1c: {  	[sflag:s7] =	ssyncadd.s32 $0xFFFFFF80  }
0x1d: {  	[tilespmem:s8], [sflag:$0x1] =	stream.indirect.gather [hbm4b:s3+s8], $0x40, s2, s8, $0xb8;
	[tilespmem:$0x2080] =	vst v63  }
0x1e: {  	_ =	swait.ge [sflag:s9], $0x2000  }
.Ltmp0:
0x1f: {  	[sflag:s9] =	ssyncset.done $0x0;
	(pc) =	sbr.rel @p0 .LBB2_2-.Ltmp0, $4  }
0x20: {  	[sflag:s9] =	ssyncadd.s32 $0xFFFFE000  }
0x21: {  	[hbm4b:s11+s2] =	stream.linear.scatter [tilespmem:s8], [sflag:$0x2], $0x2000, $0x38;
	[tilespmem:$0x2080] =	vst v63  }
0x22: {  	_ =	swait.ge [sflag:s7], $0x2000  }
0x23: {  	s13 =	smov.u32 s15;
	s11 =	sadd.s32 $0x400, s11;
	[sflag:s7] =	ssyncset.done $0x0  }
0x24: {  	s12 =	sadd.s32 s12, s6;
	[sflag:s7] =	ssyncadd.s32 $0xFFFFE000  }
0x25: {  	[tilespmem:s2], [sflag:$0x2] =	stream.linear.gather [hbm4b:s12+s2], $0x80, $0x38;
	[tilespmem:$0x2080] =	vst v63  }
0x26: {  	_ =	swait.ge [sflag:s7], $0x80  }
0x27: {  	[sflag:s7] =	ssyncset.done $0x0  }
0x28: {  	[sflag:s7] =	ssyncadd.s32 $0xFFFFFF80  }
0x29: {  	[tilespmem:s8], [sflag:$0x1] =	stream.indirect.gather [hbm4b:s3+s8], $0x40, s2, s8, $0xb8;
	[tilespmem:$0x2080] =	vst v63  }
0x2a: {  	s10 =	sadd.s32 $0x1, s10;
	_ =	swait.ge [sflag:s9], $0x2000  }
0x2b: {  	p0 =	sne.s32 s10, s4;
	[sflag:s9] =	ssyncset.done $0x0  }
.Ltmp1:
0x2c: {  	[sflag:s9] =	ssyncadd.s32 $0xFFFFE000;
	(pc) =	sbr.rel @p0 .LBB2_1-.Ltmp1, $4  }
0x2d: {  	[hbm4b:s11+s2] =	stream.linear.scatter [tilespmem:s8], [sflag:$0x2], $0x2000, $0x38;
	[tilespmem:$0x2080] =	vst v63  }
0x2e: {  	_ =	swait.ge [sflag:s7], $0x2000  }
0x2f: {  	[sflag:s7] =	ssyncset.done $0x0  }
0x30: {  	[sflag:s7] =	ssyncadd.s32 $0xFFFFE000  }
0x31: {  	_ =	sfence.sel $0x180000  }
0x32: {  	[bflag:$0x0] =	sbarrier.arrive $0xFFFF  }
0x33: {  	p0 =	sne.s32 s1, $0x0;
	_ =	strace $0x9000004A  }
0x34: {  	s0 =	sadd.s32 @!p0 $0x100000, s0;
	[bflag:$0x2] =	sbarrier.arrive $0xFFFF  }
0x35: {  	[sflag:s0] =	ssyncadd.tile.s32 @!p0 $0x1;
	_ =	shalt  }
.Lfunc_end2:
_tile_overlayer_lowered:
.L_overlay_start_2:
0x36: {  	(tag) =	ssettag $0x2  }
0x37: {  	s0 =	rddreg [dreg:$0x0];
	s2 =	stileid.u32  }
0x38: {  	s1 =	rddreg [dreg:$0x1];
	p0 =	sne.s32 s2, $0x0  }
0x39: {  	s3 =	rddreg [dreg:$0x2];
	[bflag:$0x3] =	sbarrier.arrive $0xFFFF;
	s2 =	simm.s32 @!p0 $0x1C02  }
0x3a: {  	[timem:s3], [sflag:s2] =	dma.local @!p0 [hbm:s0], s1  }
0x3b: {  	s0 =	simm.s32 @!p0 $0x2  }
0x3c: {  	_ =	swait.ge @!p0 [sflag:s0], s1  }
0x3d: {  	s1 =	ssub.s32 @!p0 $0x0, s1;
	[sflag:s0] =	ssyncset.done @!p0 $0x0  }
0x3e: {  	[sflag:s0] =	ssyncadd.s32 @!p0 s1  }
0x3f: {  	[bflag:$0x3] =	sbarrier.arrive $0xFFFF  }
0x40: {  	_ =	shalt  }

// kernel: kernel.40.cloned.1.call-start
scs
__scs_entry_jumppad:
0x0: {  	(pc) =	sbr.rel $0x88, $3  }
0x1: {  	(tag) =	ssettag $0x0;
	lr =	simm.s32 $0x1  }
0x2: {  	[smem:$0x3F9C] =	sst lr;
	_ =	strace $0xD0000000  }
0x3: {  	_ = 	snop  }
0x4: {  	_ = 	snop  }
0x5: {  	_ = 	snop  }
0x6: {  	_ = 	snop  }
0x7: {  	_ = 	snop  }
__scs_overlays_trampoline_lowered:
0x8: {  	[smem:$0x3FAB] =	sst s0  }
0x9: {  	[smem:$0x3FAC] =	sst s1  }
0xa: {  	[smem:$0x3FAD] =	sst s2  }
0xb: {  	[smem:$0x3FAE] =	sst s3  }
0xc: {  	[smem:$0x3FAF] =	sst s4  }
0xd: {  	[smem:$0x3FB0] =	sst s5  }
0xe: {  	[smem:$0x3FB1] =	sst s6  }
0xf: {  	[smem:$0x3FB2] =	sst s7  }
0x10: {  	[smem:$0x3FB3] =	sst s8  }
0x11: {  	[smem:$0x3FB4] =	sst s9;
	s0 =	simm.s32 @!p0 $0x0  }
0x12: {  	s1 =	sld [smem:$0x3F9A];
	s0 =	simm.s32 @p0 $0x1  }
0x13: {  	[smem:$0x3FB5] =	sst s0;
	s0 =	simm.s32 @!p1 $0x0  }
0x14: {  	s2 =	sld [smem:$0x3F99];
	s0 =	simm.s32 @p1 $0x1  }
0x15: {  	[smem:$0x3FB6] =	sst s0;
	s0 =	simm.s32 @!p2 $0x0  }
0x16: {  	s3 =	sld [smem:$0x3FDB];
	s0 =	simm.s32 @p2 $0x1  }
0x17: {  	s4 =	simm.s32 $0x1BF5;
	[smem:$0x3FB8] =	sst s0  }
0x18: {  	s0 =	sld [smem:$0x3F9B];
	_ =	swait.ge [sflag:s4], $0x0  }
0x19: {  	s7 =	sld [smem:$0x3F9C]  }
0x1a: {  	s8 =	sadd.s32 $0xFFFFE003, lr  }
0x1b: {  	s9 =	sadd.s32 $0xFFFFFEF7, lr;
	s5 =	simm.s32 $0xFFFFFFFF;
	p2 =	slt.u32 s8, $0xFFFFF086  }
0x1c: {  	p1 =	slt.u32 s9, $0xF7A;
	s5 =	simm.s32 @!p2 $0x0  }
0x1d: {  	s5 =	simm.s32 @p1 $0x1;
	p0 =	seq.s32 s7, s2  }
0x1e: {  	s7 =	smul.u32 @!p0 $0xF7A, s2;
	p2 =	seq.s32 @!p0 s5, $0x0  }
0x1f: {  	s9 =	smul.u32 $0xF7A, s1;
	s8 =	simm.s32 @!p0 $0x1BF5;
	p2 =	por !p2, p0  }
0x20: {  	[sflag:s8] =	ssyncset.s32 @!p0 $0xFFFFF086;
	s6 =	sadd.s32 @!p0 s3, s7;
	s7 =	simm.s32 @!p0 $0x108  }
0x21: {  	s3 =	sadd.s32 s3, s9;
	s6 =	sadd.s32 @!p0 $0x88, s6;
	s7 =	simm.s32 @p2 $0x1082  }
0x22: {  	[simem:s7], [sflag:s8] =	dma.local @!p0 [hbm:s6], $0xF7A  }
0x23: {  	s9 =	sor.u32 $0xD0000000, s2;
	s6 =	simm.s32 $0x108;
	_ =	swait.ge @!p0 [sflag:s8], $0x0  }
0x24: {  	s3 =	sadd.s32 $0x88, s3;
	s6 =	simm.s32 @!p1 $0x1082;
	[sflag:s4] =	ssyncset.s32 $0xFFFFF086  }
0x25: {  	[simem:s6], [sflag:s4] =	dma.local [hbm:s3], $0xF7A  }
0x26: {  	[smem:$0x3F9C] =	sst s1;
	(tag) =	ssettag s2;
	_ =	strace s9  }
0x27: {  	s1 =	sld [smem:$0x3FAC]  }
0x28: {  	s2 =	sld [smem:$0x3FAD]  }
0x29: {  	s4 =	sld [smem:$0x3FAF]  }
0x2a: {  	p0 =	seq.s32 s5, $0x0;
	s5 =	sld [smem:$0x3FB0]  }
0x2b: {  	s6 =	sld [smem:$0x3FB1]  }
0x2c: {  	s7 =	sld [smem:$0x3FB2]  }
0x2d: {  	s3 =	simm.s32 $0x108;
	s8 =	sld [smem:$0x3FB3]  }
0x2e: {  	s3 =	simm.s32 @!p0 $0x1082;
	s9 =	sld [smem:$0x3FB4]  }
0x2f: {  	lr =	sadd.s32 s0, s3;
	s0 =	sld [smem:$0x3FAB]  }
0x30: {  	s3 =	sld [smem:$0x3FAE]  }
0x31: {  	[smem:$0x3FB7] =	sst s10  }
0x32: {  	s10 =	sld [smem:$0x3FB5];
	_ =	sdelay $0x3  }
0x33: {  	p0 =	seq.s32 s10, $0x1;
	s10 =	sld [smem:$0x3FB7];
	_ =	sdelay $0x3  }
0x34: {  	[smem:$0x3FB7] =	sst s10  }
0x35: {  	s10 =	sld [smem:$0x3FB6];
	_ =	sdelay $0x3  }
0x36: {  	p1 =	seq.s32 s10, $0x1;
	s10 =	sld [smem:$0x3FB7];
	_ =	sdelay $0x3  }
0x37: {  	[smem:$0x3FB7] =	sst s10  }
0x38: {  	s10 =	sld [smem:$0x3FB8]  }
0x39: {  	_ = 	snop;
	(pc) =	sbr.ind lr, $3  }
0x3a: {  	_ = 	snop  }
0x3b: {  	_ = 	snop  }
0x3c: {  	p2 =	seq.s32 s10, $0x1;
	s10 =	sld [smem:$0x3FB7]  }
0x3d: {  	_ =	shalt  }
0x3e: {  	_ =	shalt  }
0x3f: {  	_ =	shalt  }
0x40: {  	_ =	shalt  }
0x41: {  	_ =	shalt  }
0x42: {  	_ =	shalt  }
0x43: {  	_ =	shalt  }
0x44: {  	_ =	shalt  }
0x45: {  	_ =	shalt  }
0x46: {  	_ =	shalt  }
0x47: {  	_ =	shalt  }
0x48: {  	_ =	shalt  }
0x49: {  	_ =	shalt  }
0x4a: {  	_ =	shalt  }
0x4b: {  	_ =	shalt  }
0x4c: {  	_ =	shalt  }
0x4d: {  	_ =	shalt  }
0x4e: {  	_ =	shalt  }
0x4f: {  	_ =	shalt  }
0x50: {  	_ =	shalt  }
0x51: {  	_ =	shalt  }
0x52: {  	_ =	shalt  }
0x53: {  	_ =	shalt  }
0x54: {  	_ =	shalt  }
0x55: {  	_ =	shalt  }
0x56: {  	_ =	shalt  }
0x57: {  	_ =	shalt  }
0x58: {  	_ =	shalt  }
0x59: {  	_ =	shalt  }
0x5a: {  	_ =	shalt  }
0x5b: {  	_ =	shalt  }
0x5c: {  	_ =	shalt  }
0x5d: {  	_ =	shalt  }
0x5e: {  	_ =	shalt  }
0x5f: {  	_ =	shalt  }
0x60: {  	_ =	shalt  }
0x61: {  	_ =	shalt  }
0x62: {  	_ =	shalt  }
0x63: {  	_ =	shalt  }
0x64: {  	_ =	shalt  }
0x65: {  	_ =	shalt  }
0x66: {  	_ =	shalt  }
0x67: {  	_ =	shalt  }
0x68: {  	_ =	shalt  }
0x69: {  	_ =	shalt  }
0x6a: {  	_ =	shalt  }
0x6b: {  	_ =	shalt  }
0x6c: {  	_ =	shalt  }
0x6d: {  	_ =	shalt  }
0x6e: {  	_ =	shalt  }
0x6f: {  	_ =	shalt  }
0x70: {  	_ =	shalt  }
0x71: {  	_ =	shalt  }
0x72: {  	_ =	shalt  }
0x73: {  	_ =	shalt  }
0x74: {  	_ =	shalt  }
0x75: {  	_ =	shalt  }
0x76: {  	_ =	shalt  }
0x77: {  	_ =	shalt  }
0x78: {  	_ =	shalt  }
0x79: {  	_ =	shalt  }
0x7a: {  	_ =	shalt  }
0x7b: {  	_ =	shalt  }
0x7c: {  	_ =	shalt  }
0x7d: {  	_ =	shalt  }
0x7e: {  	_ =	shalt  }
0x7f: {  	_ =	shalt  }
0x80: {  	_ =	shalt  }
0x81: {  	_ =	shalt  }
0x82: {  	_ =	shalt  }
0x83: {  	_ =	shalt  }
0x84: {  	_ =	shalt  }
0x85: {  	_ =	shalt  }
0x86: {  	_ =	shalt  }
0x87: {  	_ =	shalt  }
.Lfunc_end0:
.L_simem_size_0:
called_computation.2_lowered:
.L_overlay_start_0:
0x88: {  	s2 =	sld [smem:$0x3FD9]  }
0x89: {  	s3 =	sld [smem:$0x3FFE];
	_ =	sdelay $0x1  }
0x8a: {  	s1 =	srdreg.scid  }
0x8b: {  	s0 =	sand.u32 $0x1, s1  }
0x8c: {  	s17 =	sshll.u32 s0, $0xA;
	s2 =	sadd.s32 s3, s2  }
0x8d: {  	s2 =	sadd.s32 s2, s17  }
0x8e: {  	[smem:$0x3FC3] =	sst s2  }
0x8f: {  	_ = 	snop  }
0x90: {  	(tm) =	ssettm $0x1  }
0x91: {  	s18 =	sld [smem:$0x3FFB];
	_ =	sdelay $0x3  }
0x92: {  	_ =	strace s18  }
0x93: {  	s2 =	sld [smem:$0x3FFC];
	_ =	sdelay $0x3  }
0x94: {  	_ =	strace s2  }
0x95: {  	s2 =	sld [smem:$0x3FFD];
	_ =	sdelay $0x3  }
0x96: {  	_ =	strace s2  }
0x97: {  	_ =	strace $0x8FFFFFFF  }
0x98: {  	s19 =	sld [smem:$0x3FDB];
	_ =	sdelay $0x1  }
0x99: {  	s20 =	simm.s32 $_scs_section_size  }
0x9a: {  	s4 =	simm.s32 $_size__tile_overlayer_lowered;
	s5 =	simm.s32 $_tile_overlayer_lowered  }
0x9b: {  	s6 =	simm.s32 $0x1BFF;
	s21 =	sshll.u32 s5, $0x1;
	s3 =	sadd.s32 s20, s19  }
0x9c: {  	s22 =	simm.s32 $0x0;
	s4 =	sshll.u32 s4, $0x1;
	s5 =	sadd.s32 s21, s3  }
0x9d: {  	[timem:s22], [sflag:s6] =	dma.local [hbm:s5], s4  }
0x9e: {  	_ =	swait.ge [sflag:s6], s4  }
0x9f: {  	s4 =	ssub.s32 $0x0, s4;
	[sflag:s6] =	ssyncset.done $0x0  }
0xa0: {  	[sflag:s6] =	ssyncadd.s32 s4;
	_ =	sdelay $0x1  }
0xa1: {  	s23 =	simm.s32 $0x1B8B  }
0xa2: {  	_ =	swait.ge [sflag:s23], $0x1  }
0xa3: {  	[sflag:s23] =	ssyncset.done $0x0  }
0xa4: {  	[sflag:s23] =	ssyncadd.s32 $0xFFFFFFFF  }
0xa5: {  	s4 =	sld [smem:$0x0]  }
0xa6: {  	s5 =	sand.u32 $0xFFFFFFFE, s1  }
0xa7: {  	p0 =	sne.s32 s1, s5  }
0xa8: {  	s5 =	sshll.u32 @p0 s5, $0xE  }
0xa9: {  	s5 =	sadd.s32 @p0 $0x11B8D, s5;
	s6 =	sshll.u32 @p0 s4, $0x11  }
0xaa: {  	s5 =	sor.u32 @p0 s6, s5  }
0xab: {  	[sflag:s5] =	ssyncadd.remote.s32 @p0 $0x1;
	_ =	sdelay $0x1  }
0xac: {  	s5 =	simm.s32 @p0 $0x1B8D  }
0xad: {  	_ =	swait.eq @p0 [sflag:s5], $0x1  }
0xae: {  	[sflag:s5] =	ssyncadd.s32 @p0 $0xFFFFFFFF  }
0xaf: {  	s6 =	sshll.u32 @!p0 s1, $0xE  }
0xb0: {  	s6 =	sor.u32 @!p0 $0x4000, s6;
	s5 =	simm.s32 @!p0 $0x1B8D  }
0xb1: {  	s4 =	sshll.u32 @!p0 s4, $0x11;
	s6 =	sadd.s32 @!p0 $0x11B8D, s6;
	_ =	swait.eq @!p0 [sflag:s5], $0x1  }
0xb2: {  	s4 =	sor.u32 @!p0 s4, s6;
	[sflag:s5] =	ssyncadd.s32 @!p0 $0xFFFFFFFF  }
0xb3: {  	s25 =	simm.s32 $0x1B8E;
	s24 =	sld [smem:$0x3FFE];
	[sflag:s4] =	ssyncadd.remote.s32 @!p0 $0x1  }
0xb4: {  	s26 =	simm.s32 $execute0_lowered;
	[smem:$0x3FD2] =	sst s25  }
0xb5: {  	s5 =	sshll.u32 s26, $0x1;
	_ =	strace $0x8000004C;
	[dreg:$0x1] =	wrdreg $0xFFFFFFFF  }
0xb6: {  	s28 =	simm.s32 $_size_execute0_lowered;
	s3 =	sadd.s32 s3, s5;
	[dreg:$0x0] =	wrdreg $0x0  }
0xb7: {  	s5 =	sshll.u32 s28, $0x1;
	[dreg:$0x2] =	wrdreg s3  }
0xb8: {  	[dreg:$0x3] =	wrdreg s5  }
0xb9: {  	[dreg:$0x4] =	wrdreg $0xC0  }
0xba: {  	_ =	task [dreg:s22], $0x5FFFF  }
0xbb: {  	[dreg:$0x1] =	wrdreg $0xFFFFFFFF  }
0xbc: {  	[dreg:$0x0] =	wrdreg $0x60  }
0xbd: {  	[dreg:$0x2] =	wrdreg s24  }
0xbe: {  	[dreg:$0x3] =	wrdreg $0xB  }
0xbf: {  	_ =	task.clear_ibuf [dreg:s22], $0x4FFFF;
	_ =	strace $0x9000004C  }
0xc0: {  	s29 =	simm.s32 $0xB;
	_ =	strace $0x8000004E  }
0xc1: {  	_ =	swait.ge [sflag:s29], $0x1  }
0xc2: {  	[sflag:s29] =	ssyncadd.s32 $0xFFFFFFFF  }
0xc3: {  	_ =	strace $0x9000004E  }
0xc4: {  	_ =	sfence  }
0xc5: {  	s30 =	sld [smem:$0x0];
	_ =	sdelay $0x2  }
0xc6: {  	s31 =	sshll.u32 s1, $0xD;
	s1 =	sshrl.u32 s1, $0x2  }
0xc7: {  	s4 =	sand.u32 $0x4000, s31;
	s1 =	sadd.s32 s1, s30  }
0xc8: {  	s0 =	sor.u32 s4, s0;
	s1 =	sshll.u32 s1, $0x11  }
0xc9: {  	s0 =	sor.u32 s1, s0  }
0xca: {  	s0 =	sadd.s32 $0x8F2B, s0  }
0xcb: {  	[sflag:s0] =	ssyncadd.remote.s32 $0x1  }
0xcc: {  	_ =	sfence.sel $0xFFFF  }
0xcd: {  	[dreg:$0x0] =	wrdreg $0xFFFFFFFF;
	(pc) =	sbr.abs _section_cstart, $3  }
0xce: {  	[dreg:$0x1] =	wrdreg $0xFFFFFFFF  }
0xcf: {  	_ =	task.clear_ibuf [dreg:s22], $0x2FFFF;
	_ =	strace $0x9FFFFFFF  }
0xd0: {  	(tm) =	ssettm $0x7FFFFFFF  }
0xd1: {  	_ =	shalt  }
tec
execute0_lowered:
.L_overlay_start_1:
0x0: {  	(tag) =	ssettag $0x1  }
0x1: {  	s3 =	rddreg [dreg:$0x0];
	s2 =	srdreg.scid  }
0x2: {  	s0 =	rddreg [dreg:$0x1];
	s1 =	stileid.u32  }
0x3: {  	s9 =	simm.s32 $0x1;
	s10 =	simm.s32 $0x0;
	s4 =	sand.u32 $0x1, s2  }
0x4: {  	s2 =	simm.s32 $0x0;
	s5 =	sshll.u32 s1, $0xB;
	s30 =	sshll.u32 s1, $0xE  }
0x5: {  	s6 =	sshll.u32 s4, $0xA;
	[smem:$0x7FF] =	sst s2;
	s29 =	ssub.s32 $0x2, s4  }
0x6: {  	s31 =	sshll.u32 s4, $0xD;
	s5 =	sor.u32 s6, s5;
	s8 =	sshrl.u32 s29, $0x1  }
0x7: {  	_ =	strace $0x8000004D;
	s5 =	sshrl.u32 s5, $0x3;
	s6 =	ssub.s32 s29, s8  }
0x8: {  	s8 =	simm.s32 $0x80;
	s7 =	sadd.s32 s5, s3;
	s5 =	sadd.s32 s30, s3  }
0x9: {  	s3 =	sadd.s32 $0x89E00, s3;
	s4 =	smax.u32 s6, $0x1;
	s5 =	sadd.s32 s31, s5  }
0xa: {  	s6 =	sadd.s32 $0x8DE00, s7;
	s7 =	simm.s32 $0x2;
	s5 =	sadd.s32 $0x8EE00, s5  }
.LBB2_1:
0xb: {  	s11 =	sadd.s32 $0x0, s6  }
0xc: {  	[tilespmem:s2], [sflag:$0x2] =	stream.linear.gather [hbm4b:s11+s2], $0x80, $0x38;
	[tilespmem:$0x2080] =	vst v63  }
0xd: {  	_ =	swait.ge [sflag:s7], $0x80  }
0xe: {  	[sflag:s7] =	ssyncset.done $0x0  }
0xf: {  	[sflag:s7] =	ssyncadd.s32 $0xFFFFFF80  }
0x10: {  	[tilespmem:s8], [sflag:$0x1] =	stream.indirect.gather [hbm4b:s3+s8], $0x40, s2, s8, $0xb8;
	[tilespmem:$0x2080] =	vst v63  }
0x11: {  	_ =	swait.ge [sflag:s9], $0x2000  }
0x12: {  	[sflag:s9] =	ssyncset.done $0x0  }
0x13: {  	[sflag:s9] =	ssyncadd.s32 $0xFFFFE000  }
0x14: {  	[hbm4b:s5+s2] =	stream.linear.scatter [tilespmem:s8], [sflag:$0x2], $0x2000, $0x38;
	[tilespmem:$0x2080] =	vst v63  }
0x15: {  	s12 =	simm.s32 $0x10;
	_ =	swait.ge [sflag:s7], $0x2000  }
0x16: {  	s13 =	simm.s32 $0x20;
	s11 =	sadd.s32 $0x400, s5;
	[sflag:s7] =	ssyncset.done $0x0  }
.LBB2_2:
0x17: {  	s14 =	sadd.s32 s12, s6  }
0x18: {  	[sflag:s7] =	ssyncadd.s32 $0xFFFFE000;
	s12 =	smov.u32 s13;
	s15 =	sadd.s32 $0x10, s13  }
0x19: {  	[tilespmem:s2], [sflag:$0x2] =	stream.linear.gather [hbm4b:s14+s2], $0x80, $0x38;
	[tilespmem:$0x2080] =	vst v63  }
0x1a: {  	p0 =	sne.s32 s13, $0x70;
	_ =	swait.ge [sflag:s7], $0x80  }
0x1b: {  	[sflag:s7] =	ssyncset.done $0x0  }
0x1c: {  	[sflag:s7] =	ssyncadd.s32 $0xFFFFFF80  }
0x1d: {  	[tilespmem:s8], [sflag:$0x1] =	stream.indirect.gather [hbm4b:s3+s8], $0x40, s2, s8, $0xb8;
	[tilespmem:$0x2080] =	vst v63  }
0x1e: {  	_ =	swait.ge [sflag:s9], $0x2000  }
.Ltmp0:
0x1f: {  	[sflag:s9] =	ssyncset.done $0x0;
	(pc) =	sbr.rel @p0 .LBB2_2-.Ltmp0, $4  }
0x20: {  	[sflag:s9] =	ssyncadd.s32 $0xFFFFE000  }
0x21: {  	[hbm4b:s11+s2] =	stream.linear.scatter [tilespmem:s8], [sflag:$0x2], $0x2000, $0x38;
	[tilespmem:$0x2080] =	vst v63  }
0x22: {  	_ =	swait.ge [sflag:s7], $0x2000  }
0x23: {  	s13 =	smov.u32 s15;
	s11 =	sadd.s32 $0x400, s11;
	[sflag:s7] =	ssyncset.done $0x0  }
0x24: {  	s12 =	sadd.s32 s12, s6;
	[sflag:s7] =	ssyncadd.s32 $0xFFFFE000  }
0x25: {  	[tilespmem:s2], [sflag:$0x2] =	stream.linear.gather [hbm4b:s12+s2], $0x80, $0x38;
	[tilespmem:$0x2080] =	vst v63  }
0x26: {  	_ =	swait.ge [sflag:s7], $0x80  }
0x27: {  	[sflag:s7] =	ssyncset.done $0x0  }
0x28: {  	[sflag:s7] =	ssyncadd.s32 $0xFFFFFF80  }
0x29: {  	[tilespmem:s8], [sflag:$0x1] =	stream.indirect.gather [hbm4b:s3+s8], $0x40, s2, s8, $0xb8;
	[tilespmem:$0x2080] =	vst v63  }
0x2a: {  	s10 =	sadd.s32 $0x1, s10;
	_ =	swait.ge [sflag:s9], $0x2000  }
0x2b: {  	p0 =	sne.s32 s10, s4;
	[sflag:s9] =	ssyncset.done $0x0  }
.Ltmp1:
0x2c: {  	[sflag:s9] =	ssyncadd.s32 $0xFFFFE000;
	(pc) =	sbr.rel @p0 .LBB2_1-.Ltmp1, $4  }
0x2d: {  	[hbm4b:s11+s2] =	stream.linear.scatter [tilespmem:s8], [sflag:$0x2], $0x2000, $0x38;
	[tilespmem:$0x2080] =	vst v63  }
0x2e: {  	_ =	swait.ge [sflag:s7], $0x2000  }
0x2f: {  	[sflag:s7] =	ssyncset.done $0x0  }
0x30: {  	[sflag:s7] =	ssyncadd.s32 $0xFFFFE000  }
0x31: {  	_ =	sfence.sel $0x180000  }
0x32: {  	[bflag:$0x0] =	sbarrier.arrive $0xFFFF  }
0x33: {  	p0 =	sne.s32 s1, $0x0;
	_ =	strace $0x9000004D  }
0x34: {  	s0 =	sadd.s32 @!p0 $0x100000, s0;
	[bflag:$0x2] =	sbarrier.arrive $0xFFFF  }
0x35: {  	[sflag:s0] =	ssyncadd.tile.s32 @!p0 $0x1;
	_ =	shalt  }
.Lfunc_end2:
_tile_overlayer_lowered:
.L_overlay_start_2:
0x36: {  	(tag) =	ssettag $0x2  }
0x37: {  	s0 =	rddreg [dreg:$0x0];
	s2 =	stileid.u32  }
0x38: {  	s1 =	rddreg [dreg:$0x1];
	p0 =	sne.s32 s2, $0x0  }
0x39: {  	s3 =	rddreg [dreg:$0x2];
	[bflag:$0x3] =	sbarrier.arrive $0xFFFF;
	s2 =	simm.s32 @!p0 $0x1C02  }
0x3a: {  	[timem:s3], [sflag:s2] =	dma.local @!p0 [hbm:s0], s1  }
0x3b: {  	s0 =	simm.s32 @!p0 $0x2  }
0x3c: {  	_ =	swait.ge @!p0 [sflag:s0], s1  }
0x3d: {  	s1 =	ssub.s32 @!p0 $0x0, s1;
	[sflag:s0] =	ssyncset.done @!p0 $0x0  }
0x3e: {  	[sflag:s0] =	ssyncadd.s32 @!p0 s1  }
0x3f: {  	[bflag:$0x3] =	sbarrier.arrive $0xFFFF  }
0x40: {  	_ =	shalt  }

// kernel: kernel.43.cloned.1.call-start
scs
__scs_entry_jumppad:
0x0: {  	(pc) =	sbr.rel $0x88, $3  }
0x1: {  	(tag) =	ssettag $0x0;
	lr =	simm.s32 $0x1  }
0x2: {  	[smem:$0x3F9C] =	sst lr;
	_ =	strace $0xD0000000  }
0x3: {  	_ = 	snop  }
0x4: {  	_ = 	snop  }
0x5: {  	_ = 	snop  }
0x6: {  	_ = 	snop  }
0x7: {  	_ = 	snop  }
__scs_overlays_trampoline_lowered:
0x8: {  	[smem:$0x3FAB] =	sst s0  }
0x9: {  	[smem:$0x3FAC] =	sst s1  }
0xa: {  	[smem:$0x3FAD] =	sst s2  }
0xb: {  	[smem:$0x3FAE] =	sst s3  }
0xc: {  	[smem:$0x3FAF] =	sst s4  }
0xd: {  	[smem:$0x3FB0] =	sst s5  }
0xe: {  	[smem:$0x3FB1] =	sst s6  }
0xf: {  	[smem:$0x3FB2] =	sst s7  }
0x10: {  	[smem:$0x3FB3] =	sst s8  }
0x11: {  	[smem:$0x3FB4] =	sst s9;
	s0 =	simm.s32 @!p0 $0x0  }
0x12: {  	s1 =	sld [smem:$0x3F9A];
	s0 =	simm.s32 @p0 $0x1  }
0x13: {  	[smem:$0x3FB5] =	sst s0;
	s0 =	simm.s32 @!p1 $0x0  }
0x14: {  	s2 =	sld [smem:$0x3F99];
	s0 =	simm.s32 @p1 $0x1  }
0x15: {  	[smem:$0x3FB6] =	sst s0;
	s0 =	simm.s32 @!p2 $0x0  }
0x16: {  	s3 =	sld [smem:$0x3FDB];
	s0 =	simm.s32 @p2 $0x1  }
0x17: {  	s4 =	simm.s32 $0x1BF5;
	[smem:$0x3FB8] =	sst s0  }
0x18: {  	s0 =	sld [smem:$0x3F9B];
	_ =	swait.ge [sflag:s4], $0x0  }
0x19: {  	s7 =	sld [smem:$0x3F9C]  }
0x1a: {  	s8 =	sadd.s32 $0xFFFFE003, lr  }
0x1b: {  	s9 =	sadd.s32 $0xFFFFFEF7, lr;
	s5 =	simm.s32 $0xFFFFFFFF;
	p2 =	slt.u32 s8, $0xFFFFF086  }
0x1c: {  	p1 =	slt.u32 s9, $0xF7A;
	s5 =	simm.s32 @!p2 $0x0  }
0x1d: {  	s5 =	simm.s32 @p1 $0x1;
	p0 =	seq.s32 s7, s2  }
0x1e: {  	s7 =	smul.u32 @!p0 $0xF7A, s2;
	p2 =	seq.s32 @!p0 s5, $0x0  }
0x1f: {  	s9 =	smul.u32 $0xF7A, s1;
	s8 =	simm.s32 @!p0 $0x1BF5;
	p2 =	por !p2, p0  }
0x20: {  	[sflag:s8] =	ssyncset.s32 @!p0 $0xFFFFF086;
	s6 =	sadd.s32 @!p0 s3, s7;
	s7 =	simm.s32 @!p0 $0x108  }
0x21: {  	s3 =	sadd.s32 s3, s9;
	s6 =	sadd.s32 @!p0 $0x88, s6;
	s7 =	simm.s32 @p2 $0x1082  }
0x22: {  	[simem:s7], [sflag:s8] =	dma.local @!p0 [hbm:s6], $0xF7A  }
0x23: {  	s9 =	sor.u32 $0xD0000000, s2;
	s6 =	simm.s32 $0x108;
	_ =	swait.ge @!p0 [sflag:s8], $0x0  }
0x24: {  	s3 =	sadd.s32 $0x88, s3;
	s6 =	simm.s32 @!p1 $0x1082;
	[sflag:s4] =	ssyncset.s32 $0xFFFFF086  }
0x25: {  	[simem:s6], [sflag:s4] =	dma.local [hbm:s3], $0xF7A  }
0x26: {  	[smem:$0x3F9C] =	sst s1;
	(tag) =	ssettag s2;
	_ =	strace s9  }
0x27: {  	s1 =	sld [smem:$0x3FAC]  }
0x28: {  	s2 =	sld [smem:$0x3FAD]  }
0x29: {  	s4 =	sld [smem:$0x3FAF]  }
0x2a: {  	p0 =	seq.s32 s5, $0x0;
	s5 =	sld [smem:$0x3FB0]  }
0x2b: {  	s6 =	sld [smem:$0x3FB1]  }
0x2c: {  	s7 =	sld [smem:$0x3FB2]  }
0x2d: {  	s3 =	simm.s32 $0x108;
	s8 =	sld [smem:$0x3FB3]  }
0x2e: {  	s3 =	simm.s32 @!p0 $0x1082;
	s9 =	sld [smem:$0x3FB4]  }
0x2f: {  	lr =	sadd.s32 s0, s3;
	s0 =	sld [smem:$0x3FAB]  }
0x30: {  	s3 =	sld [smem:$0x3FAE]  }
0x31: {  	[smem:$0x3FB7] =	sst s10  }
0x32: {  	s10 =	sld [smem:$0x3FB5];
	_ =	sdelay $0x3  }
0x33: {  	p0 =	seq.s32 s10, $0x1;
	s10 =	sld [smem:$0x3FB7];
	_ =	sdelay $0x3  }
0x34: {  	[smem:$0x3FB7] =	sst s10  }
0x35: {  	s10 =	sld [smem:$0x3FB6];
	_ =	sdelay $0x3  }
0x36: {  	p1 =	seq.s32 s10, $0x1;
	s10 =	sld [smem:$0x3FB7];
	_ =	sdelay $0x3  }
0x37: {  	[smem:$0x3FB7] =	sst s10  }
0x38: {  	s10 =	sld [smem:$0x3FB8]  }
0x39: {  	_ = 	snop;
	(pc) =	sbr.ind lr, $3  }
0x3a: {  	_ = 	snop  }
0x3b: {  	_ = 	snop  }
0x3c: {  	p2 =	seq.s32 s10, $0x1;
	s10 =	sld [smem:$0x3FB7]  }
0x3d: {  	_ =	shalt  }
0x3e: {  	_ =	shalt  }
0x3f: {  	_ =	shalt  }
0x40: {  	_ =	shalt  }
0x41: {  	_ =	shalt  }
0x42: {  	_ =	shalt  }
0x43: {  	_ =	shalt  }
0x44: {  	_ =	shalt  }
0x45: {  	_ =	shalt  }
0x46: {  	_ =	shalt  }
0x47: {  	_ =	shalt  }
0x48: {  	_ =	shalt  }
0x49: {  	_ =	shalt  }
0x4a: {  	_ =	shalt  }
0x4b: {  	_ =	shalt  }
0x4c: {  	_ =	shalt  }
0x4d: {  	_ =	shalt  }
0x4e: {  	_ =	shalt  }
0x4f: {  	_ =	shalt  }
0x50: {  	_ =	shalt  }
0x51: {  	_ =	shalt  }
0x52: {  	_ =	shalt  }
0x53: {  	_ =	shalt  }
0x54: {  	_ =	shalt  }
0x55: {  	_ =	shalt  }
0x56: {  	_ =	shalt  }
0x57: {  	_ =	shalt  }
0x58: {  	_ =	shalt  }
0x59: {  	_ =	shalt  }
0x5a: {  	_ =	shalt  }
0x5b: {  	_ =	shalt  }
0x5c: {  	_ =	shalt  }
0x5d: {  	_ =	shalt  }
0x5e: {  	_ =	shalt  }
0x5f: {  	_ =	shalt  }
0x60: {  	_ =	shalt  }
0x61: {  	_ =	shalt  }
0x62: {  	_ =	shalt  }
0x63: {  	_ =	shalt  }
0x64: {  	_ =	shalt  }
0x65: {  	_ =	shalt  }
0x66: {  	_ =	shalt  }
0x67: {  	_ =	shalt  }
0x68: {  	_ =	shalt  }
0x69: {  	_ =	shalt  }
0x6a: {  	_ =	shalt  }
0x6b: {  	_ =	shalt  }
0x6c: {  	_ =	shalt  }
0x6d: {  	_ =	shalt  }
0x6e: {  	_ =	shalt  }
0x6f: {  	_ =	shalt  }
0x70: {  	_ =	shalt  }
0x71: {  	_ =	shalt  }
0x72: {  	_ =	shalt  }
0x73: {  	_ =	shalt  }
0x74: {  	_ =	shalt  }
0x75: {  	_ =	shalt  }
0x76: {  	_ =	shalt  }
0x77: {  	_ =	shalt  }
0x78: {  	_ =	shalt  }
0x79: {  	_ =	shalt  }
0x7a: {  	_ =	shalt  }
0x7b: {  	_ =	shalt  }
0x7c: {  	_ =	shalt  }
0x7d: {  	_ =	shalt  }
0x7e: {  	_ =	shalt  }
0x7f: {  	_ =	shalt  }
0x80: {  	_ =	shalt  }
0x81: {  	_ =	shalt  }
0x82: {  	_ =	shalt  }
0x83: {  	_ =	shalt  }
0x84: {  	_ =	shalt  }
0x85: {  	_ =	shalt  }
0x86: {  	_ =	shalt  }
0x87: {  	_ =	shalt  }
.Lfunc_end0:
.L_simem_size_0:
called_computation.3_lowered:
.L_overlay_start_0:
0x88: {  	s2 =	sld [smem:$0x3FD9]  }
0x89: {  	s3 =	sld [smem:$0x3FFE];
	_ =	sdelay $0x1  }
0x8a: {  	s1 =	srdreg.scid  }
0x8b: {  	s0 =	sand.u32 $0x1, s1  }
0x8c: {  	s17 =	sshll.u32 s0, $0xA;
	s2 =	sadd.s32 s3, s2  }
0x8d: {  	s2 =	sadd.s32 s2, s17  }
0x8e: {  	[smem:$0x3FC3] =	sst s2  }
0x8f: {  	_ = 	snop  }
0x90: {  	(tm) =	ssettm $0x1  }
0x91: {  	s18 =	sld [smem:$0x3FFB];
	_ =	sdelay $0x3  }
0x92: {  	_ =	strace s18  }
0x93: {  	s2 =	sld [smem:$0x3FFC];
	_ =	sdelay $0x3  }
0x94: {  	_ =	strace s2  }
0x95: {  	s2 =	sld [smem:$0x3FFD];
	_ =	sdelay $0x3  }
0x96: {  	_ =	strace s2  }
0x97: {  	_ =	strace $0x8FFFFFFF  }
0x98: {  	s19 =	sld [smem:$0x3FDB];
	_ =	sdelay $0x1  }
0x99: {  	s20 =	simm.s32 $_scs_section_size  }
0x9a: {  	s4 =	simm.s32 $_size__tile_overlayer_lowered;
	s5 =	simm.s32 $_tile_overlayer_lowered  }
0x9b: {  	s6 =	simm.s32 $0x1BFF;
	s21 =	sshll.u32 s5, $0x1;
	s3 =	sadd.s32 s20, s19  }
0x9c: {  	s22 =	simm.s32 $0x0;
	s4 =	sshll.u32 s4, $0x1;
	s5 =	sadd.s32 s21, s3  }
0x9d: {  	[timem:s22], [sflag:s6] =	dma.local [hbm:s5], s4  }
0x9e: {  	_ =	swait.ge [sflag:s6], s4  }
0x9f: {  	s4 =	ssub.s32 $0x0, s4;
	[sflag:s6] =	ssyncset.done $0x0  }
0xa0: {  	[sflag:s6] =	ssyncadd.s32 s4;
	_ =	sdelay $0x1  }
0xa1: {  	s23 =	simm.s32 $0x1B8B  }
0xa2: {  	_ =	swait.ge [sflag:s23], $0x1  }
0xa3: {  	[sflag:s23] =	ssyncset.done $0x0  }
0xa4: {  	[sflag:s23] =	ssyncadd.s32 $0xFFFFFFFF  }
0xa5: {  	s4 =	sld [smem:$0x0]  }
0xa6: {  	s5 =	sand.u32 $0xFFFFFFFE, s1  }
0xa7: {  	p0 =	sne.s32 s1, s5  }
0xa8: {  	s5 =	sshll.u32 @p0 s5, $0xE  }
0xa9: {  	s5 =	sadd.s32 @p0 $0x11B8D, s5;
	s6 =	sshll.u32 @p0 s4, $0x11  }
0xaa: {  	s5 =	sor.u32 @p0 s6, s5  }
0xab: {  	[sflag:s5] =	ssyncadd.remote.s32 @p0 $0x1;
	_ =	sdelay $0x1  }
0xac: {  	s5 =	simm.s32 @p0 $0x1B8D  }
0xad: {  	_ =	swait.eq @p0 [sflag:s5], $0x1  }
0xae: {  	[sflag:s5] =	ssyncadd.s32 @p0 $0xFFFFFFFF  }
0xaf: {  	s6 =	sshll.u32 @!p0 s1, $0xE  }
0xb0: {  	s6 =	sor.u32 @!p0 $0x4000, s6;
	s5 =	simm.s32 @!p0 $0x1B8D  }
0xb1: {  	s4 =	sshll.u32 @!p0 s4, $0x11;
	s6 =	sadd.s32 @!p0 $0x11B8D, s6;
	_ =	swait.eq @!p0 [sflag:s5], $0x1  }
0xb2: {  	s4 =	sor.u32 @!p0 s4, s6;
	[sflag:s5] =	ssyncadd.s32 @!p0 $0xFFFFFFFF  }
0xb3: {  	s25 =	simm.s32 $0x1B8E;
	s24 =	sld [smem:$0x3FFE];
	[sflag:s4] =	ssyncadd.remote.s32 @!p0 $0x1  }
0xb4: {  	s26 =	simm.s32 $execute0_lowered;
	[smem:$0x3FD2] =	sst s25  }
0xb5: {  	s5 =	sshll.u32 s26, $0x1;
	_ =	strace $0x8000004F;
	[dreg:$0x1] =	wrdreg $0xFFFFFFFF  }
0xb6: {  	s28 =	simm.s32 $_size_execute0_lowered;
	s3 =	sadd.s32 s3, s5;
	[dreg:$0x0] =	wrdreg $0x0  }
0xb7: {  	s5 =	sshll.u32 s28, $0x1;
	[dreg:$0x2] =	wrdreg s3  }
0xb8: {  	[dreg:$0x3] =	wrdreg s5  }
0xb9: {  	[dreg:$0x4] =	wrdreg $0xC0  }
0xba: {  	_ =	task [dreg:s22], $0x5FFFF  }
0xbb: {  	[dreg:$0x1] =	wrdreg $0xFFFFFFFF  }
0xbc: {  	[dreg:$0x0] =	wrdreg $0x60  }
0xbd: {  	[dreg:$0x2] =	wrdreg s24  }
0xbe: {  	[dreg:$0x3] =	wrdreg $0xC  }
0xbf: {  	_ =	task.clear_ibuf [dreg:s22], $0x4FFFF;
	_ =	strace $0x9000004F  }
0xc0: {  	s29 =	simm.s32 $0xC;
	_ =	strace $0x80000051  }
0xc1: {  	_ =	swait.ge [sflag:s29], $0x1  }
0xc2: {  	[sflag:s29] =	ssyncadd.s32 $0xFFFFFFFF  }
0xc3: {  	_ =	strace $0x90000051  }
0xc4: {  	_ =	sfence  }
0xc5: {  	s30 =	sld [smem:$0x0];
	_ =	sdelay $0x2  }
0xc6: {  	s31 =	sshll.u32 s1, $0xD;
	s1 =	sshrl.u32 s1, $0x2  }
0xc7: {  	s4 =	sand.u32 $0x4000, s31;
	s1 =	sadd.s32 s1, s30  }
0xc8: {  	s0 =	sor.u32 s4, s0;
	s1 =	sshll.u32 s1, $0x11  }
0xc9: {  	s0 =	sor.u32 s1, s0  }
0xca: {  	s0 =	sadd.s32 $0x8F2B, s0  }
0xcb: {  	[sflag:s0] =	ssyncadd.remote.s32 $0x1  }
0xcc: {  	_ =	sfence.sel $0xFFFF  }
0xcd: {  	[dreg:$0x0] =	wrdreg $0xFFFFFFFF;
	(pc) =	sbr.abs _section_cstart, $3  }
0xce: {  	[dreg:$0x1] =	wrdreg $0xFFFFFFFF  }
0xcf: {  	_ =	task.clear_ibuf [dreg:s22], $0x2FFFF;
	_ =	strace $0x9FFFFFFF  }
0xd0: {  	(tm) =	ssettm $0x7FFFFFFF  }
0xd1: {  	_ =	shalt  }
tec
execute0_lowered:
.L_overlay_start_1:
0x0: {  	(tag) =	ssettag $0x1  }
0x1: {  	s3 =	rddreg [dreg:$0x0];
	s2 =	srdreg.scid  }
0x2: {  	s0 =	rddreg [dreg:$0x1];
	s1 =	stileid.u32  }
0x3: {  	s9 =	simm.s32 $0x1;
	s10 =	simm.s32 $0x0;
	s4 =	sand.u32 $0x1, s2  }
0x4: {  	s2 =	simm.s32 $0x0;
	s5 =	sshll.u32 s1, $0xB;
	s30 =	sshll.u32 s1, $0xE  }
0x5: {  	s6 =	sshll.u32 s4, $0xA;
	[smem:$0x7FF] =	sst s2;
	s29 =	ssub.s32 $0x2, s4  }
0x6: {  	s31 =	sshll.u32 s4, $0xD;
	s5 =	sor.u32 s6, s5;
	s8 =	sshrl.u32 s29, $0x1  }
0x7: {  	_ =	strace $0x80000050;
	s5 =	sshrl.u32 s5, $0x3;
	s6 =	ssub.s32 s29, s8  }
0x8: {  	s8 =	simm.s32 $0x80;
	s7 =	sadd.s32 s5, s3;
	s5 =	sadd.s32 s30, s3  }
0x9: {  	s3 =	sadd.s32 $0xCEE00, s3;
	s4 =	smax.u32 s6, $0x1;
	s5 =	sadd.s32 s31, s5  }
0xa: {  	s6 =	sadd.s32 $0xD2E00, s7;
	s7 =	simm.s32 $0x2;
	s5 =	sadd.s32 $0xD3E00, s5  }
.LBB2_1:
0xb: {  	s11 =	sadd.s32 $0x0, s6  }
0xc: {  	[tilespmem:s2], [sflag:$0x2] =	stream.linear.gather [hbm4b:s11+s2], $0x80, $0x38;
	[tilespmem:$0x2080] =	vst v63  }
0xd: {  	_ =	swait.ge [sflag:s7], $0x80  }
0xe: {  	[sflag:s7] =	ssyncset.done $0x0  }
0xf: {  	[sflag:s7] =	ssyncadd.s32 $0xFFFFFF80  }
0x10: {  	[tilespmem:s8], [sflag:$0x1] =	stream.indirect.gather [hbm4b:s3+s8], $0x40, s2, s8, $0xb8;
	[tilespmem:$0x2080] =	vst v63  }
0x11: {  	_ =	swait.ge [sflag:s9], $0x2000  }
0x12: {  	[sflag:s9] =	ssyncset.done $0x0  }
0x13: {  	[sflag:s9] =	ssyncadd.s32 $0xFFFFE000  }
0x14: {  	[hbm4b:s5+s2] =	stream.linear.scatter [tilespmem:s8], [sflag:$0x2], $0x2000, $0x38;
	[tilespmem:$0x2080] =	vst v63  }
0x15: {  	s12 =	simm.s32 $0x10;
	_ =	swait.ge [sflag:s7], $0x2000  }
0x16: {  	s13 =	simm.s32 $0x20;
	s11 =	sadd.s32 $0x400, s5;
	[sflag:s7] =	ssyncset.done $0x0  }
.LBB2_2:
0x17: {  	s14 =	sadd.s32 s12, s6  }
0x18: {  	[sflag:s7] =	ssyncadd.s32 $0xFFFFE000;
	s12 =	smov.u32 s13;
	s15 =	sadd.s32 $0x10, s13  }
0x19: {  	[tilespmem:s2], [sflag:$0x2] =	stream.linear.gather [hbm4b:s14+s2], $0x80, $0x38;
	[tilespmem:$0x2080] =	vst v63  }
0x1a: {  	p0 =	sne.s32 s13, $0x70;
	_ =	swait.ge [sflag:s7], $0x80  }
0x1b: {  	[sflag:s7] =	ssyncset.done $0x0  }
0x1c: {  	[sflag:s7] =	ssyncadd.s32 $0xFFFFFF80  }
0x1d: {  	[tilespmem:s8], [sflag:$0x1] =	stream.indirect.gather [hbm4b:s3+s8], $0x40, s2, s8, $0xb8;
	[tilespmem:$0x2080] =	vst v63  }
0x1e: {  	_ =	swait.ge [sflag:s9], $0x2000  }
.Ltmp0:
0x1f: {  	[sflag:s9] =	ssyncset.done $0x0;
	(pc) =	sbr.rel @p0 .LBB2_2-.Ltmp0, $4  }
0x20: {  	[sflag:s9] =	ssyncadd.s32 $0xFFFFE000  }
0x21: {  	[hbm4b:s11+s2] =	stream.linear.scatter [tilespmem:s8], [sflag:$0x2], $0x2000, $0x38;
	[tilespmem:$0x2080] =	vst v63  }
0x22: {  	_ =	swait.ge [sflag:s7], $0x2000  }
0x23: {  	s13 =	smov.u32 s15;
	s11 =	sadd.s32 $0x400, s11;
	[sflag:s7] =	ssyncset.done $0x0  }
0x24: {  	s12 =	sadd.s32 s12, s6;
	[sflag:s7] =	ssyncadd.s32 $0xFFFFE000  }
0x25: {  	[tilespmem:s2], [sflag:$0x2] =	stream.linear.gather [hbm4b:s12+s2], $0x80, $0x38;
	[tilespmem:$0x2080] =	vst v63  }
0x26: {  	_ =	swait.ge [sflag:s7], $0x80  }
0x27: {  	[sflag:s7] =	ssyncset.done $0x0  }
0x28: {  	[sflag:s7] =	ssyncadd.s32 $0xFFFFFF80  }
0x29: {  	[tilespmem:s8], [sflag:$0x1] =	stream.indirect.gather [hbm4b:s3+s8], $0x40, s2, s8, $0xb8;
	[tilespmem:$0x2080] =	vst v63  }
0x2a: {  	s10 =	sadd.s32 $0x1, s10;
	_ =	swait.ge [sflag:s9], $0x2000  }
0x2b: {  	p0 =	sne.s32 s10, s4;
	[sflag:s9] =	ssyncset.done $0x0  }
.Ltmp1:
0x2c: {  	[sflag:s9] =	ssyncadd.s32 $0xFFFFE000;
	(pc) =	sbr.rel @p0 .LBB2_1-.Ltmp1, $4  }
0x2d: {  	[hbm4b:s11+s2] =	stream.linear.scatter [tilespmem:s8], [sflag:$0x2], $0x2000, $0x38;
	[tilespmem:$0x2080] =	vst v63  }
0x2e: {  	_ =	swait.ge [sflag:s7], $0x2000  }
0x2f: {  	[sflag:s7] =	ssyncset.done $0x0  }
0x30: {  	[sflag:s7] =	ssyncadd.s32 $0xFFFFE000  }
0x31: {  	_ =	sfence.sel $0x180000  }
0x32: {  	[bflag:$0x0] =	sbarrier.arrive $0xFFFF  }
0x33: {  	p0 =	sne.s32 s1, $0x0;
	_ =	strace $0x90000050  }
0x34: {  	s0 =	sadd.s32 @!p0 $0x100000, s0;
	[bflag:$0x2] =	sbarrier.arrive $0xFFFF  }
0x35: {  	[sflag:s0] =	ssyncadd.tile.s32 @!p0 $0x1;
	_ =	shalt  }
.Lfunc_end2:
_tile_overlayer_lowered:
.L_overlay_start_2:
0x36: {  	(tag) =	ssettag $0x2  }
0x37: {  	s0 =	rddreg [dreg:$0x0];
	s2 =	stileid.u32  }
0x38: {  	s1 =	rddreg [dreg:$0x1];
	p0 =	sne.s32 s2, $0x0  }
0x39: {  	s3 =	rddreg [dreg:$0x2];
	[bflag:$0x3] =	sbarrier.arrive $0xFFFF;
	s2 =	simm.s32 @!p0 $0x1C02  }
0x3a: {  	[timem:s3], [sflag:s2] =	dma.local @!p0 [hbm:s0], s1  }
0x3b: {  	s0 =	simm.s32 @!p0 $0x2  }
0x3c: {  	_ =	swait.ge @!p0 [sflag:s0], s1  }
0x3d: {  	s1 =	ssub.s32 @!p0 $0x0, s1;
	[sflag:s0] =	ssyncset.done @!p0 $0x0  }
0x3e: {  	[sflag:s0] =	ssyncadd.s32 @!p0 s1  }
0x3f: {  	[bflag:$0x3] =	sbarrier.arrive $0xFFFF  }
0x40: {  	_ =	shalt  }

// kernel: kernel.46.cloned.1.call-start
scs
__scs_entry_jumppad:
0x0: {  	(pc) =	sbr.rel $0x88, $3  }
0x1: {  	(tag) =	ssettag $0x0;
	lr =	simm.s32 $0x1  }
0x2: {  	[smem:$0x3F9C] =	sst lr;
	_ =	strace $0xD0000000  }
0x3: {  	_ = 	snop  }
0x4: {  	_ = 	snop  }
0x5: {  	_ = 	snop  }
0x6: {  	_ = 	snop  }
0x7: {  	_ = 	snop  }
__scs_overlays_trampoline_lowered:
0x8: {  	[smem:$0x3FAB] =	sst s0  }
0x9: {  	[smem:$0x3FAC] =	sst s1  }
0xa: {  	[smem:$0x3FAD] =	sst s2  }
0xb: {  	[smem:$0x3FAE] =	sst s3  }
0xc: {  	[smem:$0x3FAF] =	sst s4  }
0xd: {  	[smem:$0x3FB0] =	sst s5  }
0xe: {  	[smem:$0x3FB1] =	sst s6  }
0xf: {  	[smem:$0x3FB2] =	sst s7  }
0x10: {  	[smem:$0x3FB3] =	sst s8  }
0x11: {  	[smem:$0x3FB4] =	sst s9;
	s0 =	simm.s32 @!p0 $0x0  }
0x12: {  	s1 =	sld [smem:$0x3F9A];
	s0 =	simm.s32 @p0 $0x1  }
0x13: {  	[smem:$0x3FB5] =	sst s0;
	s0 =	simm.s32 @!p1 $0x0  }
0x14: {  	s2 =	sld [smem:$0x3F99];
	s0 =	simm.s32 @p1 $0x1  }
0x15: {  	[smem:$0x3FB6] =	sst s0;
	s0 =	simm.s32 @!p2 $0x0  }
0x16: {  	s3 =	sld [smem:$0x3FDB];
	s0 =	simm.s32 @p2 $0x1  }
0x17: {  	s4 =	simm.s32 $0x1BF5;
	[smem:$0x3FB8] =	sst s0  }
0x18: {  	s0 =	sld [smem:$0x3F9B];
	_ =	swait.ge [sflag:s4], $0x0  }
0x19: {  	s7 =	sld [smem:$0x3F9C]  }
0x1a: {  	s8 =	sadd.s32 $0xFFFFE003, lr  }
0x1b: {  	s9 =	sadd.s32 $0xFFFFFEF7, lr;
	s5 =	simm.s32 $0xFFFFFFFF;
	p2 =	slt.u32 s8, $0xFFFFF086  }
0x1c: {  	p1 =	slt.u32 s9, $0xF7A;
	s5 =	simm.s32 @!p2 $0x0  }
0x1d: {  	s5 =	simm.s32 @p1 $0x1;
	p0 =	seq.s32 s7, s2  }
0x1e: {  	s7 =	smul.u32 @!p0 $0xF7A, s2;
	p2 =	seq.s32 @!p0 s5, $0x0  }
0x1f: {  	s9 =	smul.u32 $0xF7A, s1;
	s8 =	simm.s32 @!p0 $0x1BF5;
	p2 =	por !p2, p0  }
0x20: {  	[sflag:s8] =	ssyncset.s32 @!p0 $0xFFFFF086;
	s6 =	sadd.s32 @!p0 s3, s7;
	s7 =	simm.s32 @!p0 $0x108  }
0x21: {  	s3 =	sadd.s32 s3, s9;
	s6 =	sadd.s32 @!p0 $0x88, s6;
	s7 =	simm.s32 @p2 $0x1082  }
0x22: {  	[simem:s7], [sflag:s8] =	dma.local @!p0 [hbm:s6], $0xF7A  }
0x23: {  	s9 =	sor.u32 $0xD0000000, s2;
	s6 =	simm.s32 $0x108;
	_ =	swait.ge @!p0 [sflag:s8], $0x0  }
0x24: {  	s3 =	sadd.s32 $0x88, s3;
	s6 =	simm.s32 @!p1 $0x1082;
	[sflag:s4] =	ssyncset.s32 $0xFFFFF086  }
0x25: {  	[simem:s6], [sflag:s4] =	dma.local [hbm:s3], $0xF7A  }
0x26: {  	[smem:$0x3F9C] =	sst s1;
	(tag) =	ssettag s2;
	_ =	strace s9  }
0x27: {  	s1 =	sld [smem:$0x3FAC]  }
0x28: {  	s2 =	sld [smem:$0x3FAD]  }
0x29: {  	s4 =	sld [smem:$0x3FAF]  }
0x2a: {  	p0 =	seq.s32 s5, $0x0;
	s5 =	sld [smem:$0x3FB0]  }
0x2b: {  	s6 =	sld [smem:$0x3FB1]  }
0x2c: {  	s7 =	sld [smem:$0x3FB2]  }
0x2d: {  	s3 =	simm.s32 $0x108;
	s8 =	sld [smem:$0x3FB3]  }
0x2e: {  	s3 =	simm.s32 @!p0 $0x1082;
	s9 =	sld [smem:$0x3FB4]  }
0x2f: {  	lr =	sadd.s32 s0, s3;
	s0 =	sld [smem:$0x3FAB]  }
0x30: {  	s3 =	sld [smem:$0x3FAE]  }
0x31: {  	[smem:$0x3FB7] =	sst s10  }
0x32: {  	s10 =	sld [smem:$0x3FB5];
	_ =	sdelay $0x3  }
0x33: {  	p0 =	seq.s32 s10, $0x1;
	s10 =	sld [smem:$0x3FB7];
	_ =	sdelay $0x3  }
0x34: {  	[smem:$0x3FB7] =	sst s10  }
0x35: {  	s10 =	sld [smem:$0x3FB6];
	_ =	sdelay $0x3  }
0x36: {  	p1 =	seq.s32 s10, $0x1;
	s10 =	sld [smem:$0x3FB7];
	_ =	sdelay $0x3  }
0x37: {  	[smem:$0x3FB7] =	sst s10  }
0x38: {  	s10 =	sld [smem:$0x3FB8]  }
0x39: {  	_ = 	snop;
	(pc) =	sbr.ind lr, $3  }
0x3a: {  	_ = 	snop  }
0x3b: {  	_ = 	snop  }
0x3c: {  	p2 =	seq.s32 s10, $0x1;
	s10 =	sld [smem:$0x3FB7]  }
0x3d: {  	_ =	shalt  }
0x3e: {  	_ =	shalt  }
0x3f: {  	_ =	shalt  }
0x40: {  	_ =	shalt  }
0x41: {  	_ =	shalt  }
0x42: {  	_ =	shalt  }
0x43: {  	_ =	shalt  }
0x44: {  	_ =	shalt  }
0x45: {  	_ =	shalt  }
0x46: {  	_ =	shalt  }
0x47: {  	_ =	shalt  }
0x48: {  	_ =	shalt  }
0x49: {  	_ =	shalt  }
0x4a: {  	_ =	shalt  }
0x4b: {  	_ =	shalt  }
0x4c: {  	_ =	shalt  }
0x4d: {  	_ =	shalt  }
0x4e: {  	_ =	shalt  }
0x4f: {  	_ =	shalt  }
0x50: {  	_ =	shalt  }
0x51: {  	_ =	shalt  }
0x52: {  	_ =	shalt  }
0x53: {  	_ =	shalt  }
0x54: {  	_ =	shalt  }
0x55: {  	_ =	shalt  }
0x56: {  	_ =	shalt  }
0x57: {  	_ =	shalt  }
0x58: {  	_ =	shalt  }
0x59: {  	_ =	shalt  }
0x5a: {  	_ =	shalt  }
0x5b: {  	_ =	shalt  }
0x5c: {  	_ =	shalt  }
0x5d: {  	_ =	shalt  }
0x5e: {  	_ =	shalt  }
0x5f: {  	_ =	shalt  }
0x60: {  	_ =	shalt  }
0x61: {  	_ =	shalt  }
0x62: {  	_ =	shalt  }
0x63: {  	_ =	shalt  }
0x64: {  	_ =	shalt  }
0x65: {  	_ =	shalt  }
0x66: {  	_ =	shalt  }
0x67: {  	_ =	shalt  }
0x68: {  	_ =	shalt  }
0x69: {  	_ =	shalt  }
0x6a: {  	_ =	shalt  }
0x6b: {  	_ =	shalt  }
0x6c: {  	_ =	shalt  }
0x6d: {  	_ =	shalt  }
0x6e: {  	_ =	shalt  }
0x6f: {  	_ =	shalt  }
0x70: {  	_ =	shalt  }
0x71: {  	_ =	shalt  }
0x72: {  	_ =	shalt  }
0x73: {  	_ =	shalt  }
0x74: {  	_ =	shalt  }
0x75: {  	_ =	shalt  }
0x76: {  	_ =	shalt  }
0x77: {  	_ =	shalt  }
0x78: {  	_ =	shalt  }
0x79: {  	_ =	shalt  }
0x7a: {  	_ =	shalt  }
0x7b: {  	_ =	shalt  }
0x7c: {  	_ =	shalt  }
0x7d: {  	_ =	shalt  }
0x7e: {  	_ =	shalt  }
0x7f: {  	_ =	shalt  }
0x80: {  	_ =	shalt  }
0x81: {  	_ =	shalt  }
0x82: {  	_ =	shalt  }
0x83: {  	_ =	shalt  }
0x84: {  	_ =	shalt  }
0x85: {  	_ =	shalt  }
0x86: {  	_ =	shalt  }
0x87: {  	_ =	shalt  }
.Lfunc_end0:
.L_simem_size_0:
called_computation.4_lowered:
.L_overlay_start_0:
0x88: {  	s2 =	sld [smem:$0x3FD9]  }
0x89: {  	s3 =	sld [smem:$0x3FFE];
	_ =	sdelay $0x1  }
0x8a: {  	s1 =	srdreg.scid  }
0x8b: {  	s0 =	sand.u32 $0x1, s1  }
0x8c: {  	s17 =	sshll.u32 s0, $0xA;
	s2 =	sadd.s32 s3, s2  }
0x8d: {  	s2 =	sadd.s32 s2, s17  }
0x8e: {  	[smem:$0x3FC3] =	sst s2  }
0x8f: {  	_ = 	snop  }
0x90: {  	(tm) =	ssettm $0x1  }
0x91: {  	s18 =	sld [smem:$0x3FFB];
	_ =	sdelay $0x3  }
0x92: {  	_ =	strace s18  }
0x93: {  	s2 =	sld [smem:$0x3FFC];
	_ =	sdelay $0x3  }
0x94: {  	_ =	strace s2  }
0x95: {  	s2 =	sld [smem:$0x3FFD];
	_ =	sdelay $0x3  }
0x96: {  	_ =	strace s2  }
0x97: {  	_ =	strace $0x8FFFFFFF  }
0x98: {  	s19 =	sld [smem:$0x3FDB];
	_ =	sdelay $0x1  }
0x99: {  	s20 =	simm.s32 $_scs_section_size  }
0x9a: {  	s4 =	simm.s32 $_size__tile_overlayer_lowered;
	s5 =	simm.s32 $_tile_overlayer_lowered  }
0x9b: {  	s6 =	simm.s32 $0x1BFF;
	s21 =	sshll.u32 s5, $0x1;
	s3 =	sadd.s32 s20, s19  }
0x9c: {  	s22 =	simm.s32 $0x0;
	s4 =	sshll.u32 s4, $0x1;
	s5 =	sadd.s32 s21, s3  }
0x9d: {  	[timem:s22], [sflag:s6] =	dma.local [hbm:s5], s4  }
0x9e: {  	_ =	swait.ge [sflag:s6], s4  }
0x9f: {  	s4 =	ssub.s32 $0x0, s4;
	[sflag:s6] =	ssyncset.done $0x0  }
0xa0: {  	[sflag:s6] =	ssyncadd.s32 s4;
	_ =	sdelay $0x1  }
0xa1: {  	s23 =	simm.s32 $0x1B8B  }
0xa2: {  	_ =	swait.ge [sflag:s23], $0x1  }
0xa3: {  	[sflag:s23] =	ssyncset.done $0x0  }
0xa4: {  	[sflag:s23] =	ssyncadd.s32 $0xFFFFFFFF  }
0xa5: {  	s4 =	sld [smem:$0x0]  }
0xa6: {  	s5 =	sand.u32 $0xFFFFFFFE, s1  }
0xa7: {  	p0 =	sne.s32 s1, s5  }
0xa8: {  	s5 =	sshll.u32 @p0 s5, $0xE  }
0xa9: {  	s5 =	sadd.s32 @p0 $0x11B8D, s5;
	s6 =	sshll.u32 @p0 s4, $0x11  }
0xaa: {  	s5 =	sor.u32 @p0 s6, s5  }
0xab: {  	[sflag:s5] =	ssyncadd.remote.s32 @p0 $0x1;
	_ =	sdelay $0x1  }
0xac: {  	s5 =	simm.s32 @p0 $0x1B8D  }
0xad: {  	_ =	swait.eq @p0 [sflag:s5], $0x1  }
0xae: {  	[sflag:s5] =	ssyncadd.s32 @p0 $0xFFFFFFFF  }
0xaf: {  	s6 =	sshll.u32 @!p0 s1, $0xE  }
0xb0: {  	s6 =	sor.u32 @!p0 $0x4000, s6;
	s5 =	simm.s32 @!p0 $0x1B8D  }
0xb1: {  	s4 =	sshll.u32 @!p0 s4, $0x11;
	s6 =	sadd.s32 @!p0 $0x11B8D, s6;
	_ =	swait.eq @!p0 [sflag:s5], $0x1  }
0xb2: {  	s4 =	sor.u32 @!p0 s4, s6;
	[sflag:s5] =	ssyncadd.s32 @!p0 $0xFFFFFFFF  }
0xb3: {  	s25 =	simm.s32 $0x1B8E;
	s24 =	sld [smem:$0x3FFE];
	[sflag:s4] =	ssyncadd.remote.s32 @!p0 $0x1  }
0xb4: {  	s26 =	simm.s32 $execute0_lowered;
	[smem:$0x3FD2] =	sst s25  }
0xb5: {  	s5 =	sshll.u32 s26, $0x1;
	_ =	strace $0x80000052;
	[dreg:$0x1] =	wrdreg $0xFFFFFFFF  }
0xb6: {  	s28 =	simm.s32 $_size_execute0_lowered;
	s3 =	sadd.s32 s3, s5;
	[dreg:$0x0] =	wrdreg $0x0  }
0xb7: {  	s5 =	sshll.u32 s28, $0x1;
	[dreg:$0x2] =	wrdreg s3  }
0xb8: {  	[dreg:$0x3] =	wrdreg s5  }
0xb9: {  	[dreg:$0x4] =	wrdreg $0xC0  }
0xba: {  	_ =	task [dreg:s22], $0x5FFFF  }
0xbb: {  	[dreg:$0x1] =	wrdreg $0xFFFFFFFF  }
0xbc: {  	[dreg:$0x0] =	wrdreg $0x60  }
0xbd: {  	[dreg:$0x2] =	wrdreg s24  }
0xbe: {  	[dreg:$0x3] =	wrdreg $0xD  }
0xbf: {  	_ =	task.clear_ibuf [dreg:s22], $0x4FFFF;
	_ =	strace $0x90000052  }
0xc0: {  	s29 =	simm.s32 $0xD;
	_ =	strace $0x80000054  }
0xc1: {  	_ =	swait.ge [sflag:s29], $0x1  }
0xc2: {  	[sflag:s29] =	ssyncadd.s32 $0xFFFFFFFF  }
0xc3: {  	_ =	strace $0x90000054  }
0xc4: {  	_ =	sfence  }
0xc5: {  	s30 =	sld [smem:$0x0];
	_ =	sdelay $0x2  }
0xc6: {  	s31 =	sshll.u32 s1, $0xD;
	s1 =	sshrl.u32 s1, $0x2  }
0xc7: {  	s4 =	sand.u32 $0x4000, s31;
	s1 =	sadd.s32 s1, s30  }
0xc8: {  	s0 =	sor.u32 s4, s0;
	s1 =	sshll.u32 s1, $0x11  }
0xc9: {  	s0 =	sor.u32 s1, s0  }
0xca: {  	s0 =	sadd.s32 $0x8F2B, s0  }
0xcb: {  	[sflag:s0] =	ssyncadd.remote.s32 $0x1  }
0xcc: {  	_ =	sfence.sel $0xFFFF  }
0xcd: {  	[dreg:$0x0] =	wrdreg $0xFFFFFFFF;
	(pc) =	sbr.abs _section_cstart, $3  }
0xce: {  	[dreg:$0x1] =	wrdreg $0xFFFFFFFF  }
0xcf: {  	_ =	task.clear_ibuf [dreg:s22], $0x2FFFF;
	_ =	strace $0x9FFFFFFF  }
0xd0: {  	(tm) =	ssettm $0x7FFFFFFF  }
0xd1: {  	_ =	shalt  }
tec
execute0_lowered:
.L_overlay_start_1:
0x0: {  	(tag) =	ssettag $0x1  }
0x1: {  	s3 =	rddreg [dreg:$0x0];
	s2 =	srdreg.scid  }
0x2: {  	s0 =	rddreg [dreg:$0x1];
	s1 =	stileid.u32  }
0x3: {  	s9 =	simm.s32 $0x1;
	s10 =	simm.s32 $0x0;
	s4 =	sand.u32 $0x1, s2  }
0x4: {  	s2 =	simm.s32 $0x0;
	s5 =	sshll.u32 s1, $0xB;
	s30 =	sshll.u32 s1, $0xE  }
0x5: {  	s6 =	sshll.u32 s4, $0xA;
	[smem:$0x7FF] =	sst s2;
	s29 =	ssub.s32 $0x2, s4  }
0x6: {  	s31 =	sshll.u32 s4, $0xD;
	s5 =	sor.u32 s6, s5;
	s8 =	sshrl.u32 s29, $0x1  }
0x7: {  	_ =	strace $0x80000053;
	s5 =	sshrl.u32 s5, $0x3;
	s6 =	ssub.s32 s29, s8  }
0x8: {  	s8 =	simm.s32 $0x80;
	s7 =	sadd.s32 s5, s3;
	s5 =	sadd.s32 s30, s3  }
0x9: {  	s3 =	sadd.s32 $0x113E00, s3;
	s4 =	smax.u32 s6, $0x1;
	s5 =	sadd.s32 s31, s5  }
0xa: {  	s6 =	sadd.s32 $0x117E00, s7;
	s7 =	simm.s32 $0x2;
	s5 =	sadd.s32 $0x118E00, s5  }
.LBB2_1:
0xb: {  	s11 =	sadd.s32 $0x0, s6  }
0xc: {  	[tilespmem:s2], [sflag:$0x2] =	stream.linear.gather [hbm4b:s11+s2], $0x80, $0x38;
	[tilespmem:$0x2080] =	vst v63  }
0xd: {  	_ =	swait.ge [sflag:s7], $0x80  }
0xe: {  	[sflag:s7] =	ssyncset.done $0x0  }
0xf: {  	[sflag:s7] =	ssyncadd.s32 $0xFFFFFF80  }
0x10: {  	[tilespmem:s8], [sflag:$0x1] =	stream.indirect.gather [hbm4b:s3+s8], $0x40, s2, s8, $0xb8;
	[tilespmem:$0x2080] =	vst v63  }
0x11: {  	_ =	swait.ge [sflag:s9], $0x2000  }
0x12: {  	[sflag:s9] =	ssyncset.done $0x0  }
0x13: {  	[sflag:s9] =	ssyncadd.s32 $0xFFFFE000  }
0x14: {  	[hbm4b:s5+s2] =	stream.linear.scatter [tilespmem:s8], [sflag:$0x2], $0x2000, $0x38;
	[tilespmem:$0x2080] =	vst v63  }
0x15: {  	s12 =	simm.s32 $0x10;
	_ =	swait.ge [sflag:s7], $0x2000  }
0x16: {  	s13 =	simm.s32 $0x20;
	s11 =	sadd.s32 $0x400, s5;
	[sflag:s7] =	ssyncset.done $0x0  }
.LBB2_2:
0x17: {  	s14 =	sadd.s32 s12, s6  }
0x18: {  	[sflag:s7] =	ssyncadd.s32 $0xFFFFE000;
	s12 =	smov.u32 s13;
	s15 =	sadd.s32 $0x10, s13  }
0x19: {  	[tilespmem:s2], [sflag:$0x2] =	stream.linear.gather [hbm4b:s14+s2], $0x80, $0x38;
	[tilespmem:$0x2080] =	vst v63  }
0x1a: {  	p0 =	sne.s32 s13, $0x70;
	_ =	swait.ge [sflag:s7], $0x80  }
0x1b: {  	[sflag:s7] =	ssyncset.done $0x0  }
0x1c: {  	[sflag:s7] =	ssyncadd.s32 $0xFFFFFF80  }
0x1d: {  	[tilespmem:s8], [sflag:$0x1] =	stream.indirect.gather [hbm4b:s3+s8], $0x40, s2, s8, $0xb8;
	[tilespmem:$0x2080] =	vst v63  }
0x1e: {  	_ =	swait.ge [sflag:s9], $0x2000  }
.Ltmp0:
0x1f: {  	[sflag:s9] =	ssyncset.done $0x0;
	(pc) =	sbr.rel @p0 .LBB2_2-.Ltmp0, $4  }
0x20: {  	[sflag:s9] =	ssyncadd.s32 $0xFFFFE000  }
0x21: {  	[hbm4b:s11+s2] =	stream.linear.scatter [tilespmem:s8], [sflag:$0x2], $0x2000, $0x38;
	[tilespmem:$0x2080] =	vst v63  }
0x22: {  	_ =	swait.ge [sflag:s7], $0x2000  }
0x23: {  	s13 =	smov.u32 s15;
	s11 =	sadd.s32 $0x400, s11;
	[sflag:s7] =	ssyncset.done $0x0  }
0x24: {  	s12 =	sadd.s32 s12, s6;
	[sflag:s7] =	ssyncadd.s32 $0xFFFFE000  }
0x25: {  	[tilespmem:s2], [sflag:$0x2] =	stream.linear.gather [hbm4b:s12+s2], $0x80, $0x38;
	[tilespmem:$0x2080] =	vst v63  }
0x26: {  	_ =	swait.ge [sflag:s7], $0x80  }
0x27: {  	[sflag:s7] =	ssyncset.done $0x0  }
0x28: {  	[sflag:s7] =	ssyncadd.s32 $0xFFFFFF80  }
0x29: {  	[tilespmem:s8], [sflag:$0x1] =	stream.indirect.gather [hbm4b:s3+s8], $0x40, s2, s8, $0xb8;
	[tilespmem:$0x2080] =	vst v63  }
0x2a: {  	s10 =	sadd.s32 $0x1, s10;
	_ =	swait.ge [sflag:s9], $0x2000  }
0x2b: {  	p0 =	sne.s32 s10, s4;
	[sflag:s9] =	ssyncset.done $0x0  }
.Ltmp1:
0x2c: {  	[sflag:s9] =	ssyncadd.s32 $0xFFFFE000;
	(pc) =	sbr.rel @p0 .LBB2_1-.Ltmp1, $4  }
0x2d: {  	[hbm4b:s11+s2] =	stream.linear.scatter [tilespmem:s8], [sflag:$0x2], $0x2000, $0x38;
	[tilespmem:$0x2080] =	vst v63  }
0x2e: {  	_ =	swait.ge [sflag:s7], $0x2000  }
0x2f: {  	[sflag:s7] =	ssyncset.done $0x0  }
0x30: {  	[sflag:s7] =	ssyncadd.s32 $0xFFFFE000  }
0x31: {  	_ =	sfence.sel $0x180000  }
0x32: {  	[bflag:$0x0] =	sbarrier.arrive $0xFFFF  }
0x33: {  	p0 =	sne.s32 s1, $0x0;
	_ =	strace $0x90000053  }
0x34: {  	s0 =	sadd.s32 @!p0 $0x100000, s0;
	[bflag:$0x2] =	sbarrier.arrive $0xFFFF  }
0x35: {  	[sflag:s0] =	ssyncadd.tile.s32 @!p0 $0x1;
	_ =	shalt  }
.Lfunc_end2:
_tile_overlayer_lowered:
.L_overlay_start_2:
0x36: {  	(tag) =	ssettag $0x2  }
0x37: {  	s0 =	rddreg [dreg:$0x0];
	s2 =	stileid.u32  }
0x38: {  	s1 =	rddreg [dreg:$0x1];
	p0 =	sne.s32 s2, $0x0  }
0x39: {  	s3 =	rddreg [dreg:$0x2];
	[bflag:$0x3] =	sbarrier.arrive $0xFFFF;
	s2 =	simm.s32 @!p0 $0x1C02  }
0x3a: {  	[timem:s3], [sflag:s2] =	dma.local @!p0 [hbm:s0], s1  }
0x3b: {  	s0 =	simm.s32 @!p0 $0x2  }
0x3c: {  	_ =	swait.ge @!p0 [sflag:s0], s1  }
0x3d: {  	s1 =	ssub.s32 @!p0 $0x0, s1;
	[sflag:s0] =	ssyncset.done @!p0 $0x0  }
0x3e: {  	[sflag:s0] =	ssyncadd.s32 @!p0 s1  }
0x3f: {  	[bflag:$0x3] =	sbarrier.arrive $0xFFFF  }
0x40: {  	_ =	shalt  }

// kernel: kernel.49.cloned.1.call-start
scs
__scs_entry_jumppad:
0x0: {  	(pc) =	sbr.rel $0x88, $3  }
0x1: {  	(tag) =	ssettag $0x0;
	lr =	simm.s32 $0x1  }
0x2: {  	[smem:$0x3F9C] =	sst lr;
	_ =	strace $0xD0000000  }
0x3: {  	_ = 	snop  }
0x4: {  	_ = 	snop  }
0x5: {  	_ = 	snop  }
0x6: {  	_ = 	snop  }
0x7: {  	_ = 	snop  }
__scs_overlays_trampoline_lowered:
0x8: {  	[smem:$0x3FAB] =	sst s0  }
0x9: {  	[smem:$0x3FAC] =	sst s1  }
0xa: {  	[smem:$0x3FAD] =	sst s2  }
0xb: {  	[smem:$0x3FAE] =	sst s3  }
0xc: {  	[smem:$0x3FAF] =	sst s4  }
0xd: {  	[smem:$0x3FB0] =	sst s5  }
0xe: {  	[smem:$0x3FB1] =	sst s6  }
0xf: {  	[smem:$0x3FB2] =	sst s7  }
0x10: {  	[smem:$0x3FB3] =	sst s8  }
0x11: {  	[smem:$0x3FB4] =	sst s9;
	s0 =	simm.s32 @!p0 $0x0  }
0x12: {  	s1 =	sld [smem:$0x3F9A];
	s0 =	simm.s32 @p0 $0x1  }
0x13: {  	[smem:$0x3FB5] =	sst s0;
	s0 =	simm.s32 @!p1 $0x0  }
0x14: {  	s2 =	sld [smem:$0x3F99];
	s0 =	simm.s32 @p1 $0x1  }
0x15: {  	[smem:$0x3FB6] =	sst s0;
	s0 =	simm.s32 @!p2 $0x0  }
0x16: {  	s3 =	sld [smem:$0x3FDB];
	s0 =	simm.s32 @p2 $0x1  }
0x17: {  	s4 =	simm.s32 $0x1BF5;
	[smem:$0x3FB8] =	sst s0  }
0x18: {  	s0 =	sld [smem:$0x3F9B];
	_ =	swait.ge [sflag:s4], $0x0  }
0x19: {  	s7 =	sld [smem:$0x3F9C]  }
0x1a: {  	s8 =	sadd.s32 $0xFFFFE003, lr  }
0x1b: {  	s9 =	sadd.s32 $0xFFFFFEF7, lr;
	s5 =	simm.s32 $0xFFFFFFFF;
	p2 =	slt.u32 s8, $0xFFFFF086  }
0x1c: {  	p1 =	slt.u32 s9, $0xF7A;
	s5 =	simm.s32 @!p2 $0x0  }
0x1d: {  	s5 =	simm.s32 @p1 $0x1;
	p0 =	seq.s32 s7, s2  }
0x1e: {  	s7 =	smul.u32 @!p0 $0xF7A, s2;
	p2 =	seq.s32 @!p0 s5, $0x0  }
0x1f: {  	s9 =	smul.u32 $0xF7A, s1;
	s8 =	simm.s32 @!p0 $0x1BF5;
	p2 =	por !p2, p0  }
0x20: {  	[sflag:s8] =	ssyncset.s32 @!p0 $0xFFFFF086;
	s6 =	sadd.s32 @!p0 s3, s7;
	s7 =	simm.s32 @!p0 $0x108  }
0x21: {  	s3 =	sadd.s32 s3, s9;
	s6 =	sadd.s32 @!p0 $0x88, s6;
	s7 =	simm.s32 @p2 $0x1082  }
0x22: {  	[simem:s7], [sflag:s8] =	dma.local @!p0 [hbm:s6], $0xF7A  }
0x23: {  	s9 =	sor.u32 $0xD0000000, s2;
	s6 =	simm.s32 $0x108;
	_ =	swait.ge @!p0 [sflag:s8], $0x0  }
0x24: {  	s3 =	sadd.s32 $0x88, s3;
	s6 =	simm.s32 @!p1 $0x1082;
	[sflag:s4] =	ssyncset.s32 $0xFFFFF086  }
0x25: {  	[simem:s6], [sflag:s4] =	dma.local [hbm:s3], $0xF7A  }
0x26: {  	[smem:$0x3F9C] =	sst s1;
	(tag) =	ssettag s2;
	_ =	strace s9  }
0x27: {  	s1 =	sld [smem:$0x3FAC]  }
0x28: {  	s2 =	sld [smem:$0x3FAD]  }
0x29: {  	s4 =	sld [smem:$0x3FAF]  }
0x2a: {  	p0 =	seq.s32 s5, $0x0;
	s5 =	sld [smem:$0x3FB0]  }
0x2b: {  	s6 =	sld [smem:$0x3FB1]  }
0x2c: {  	s7 =	sld [smem:$0x3FB2]  }
0x2d: {  	s3 =	simm.s32 $0x108;
	s8 =	sld [smem:$0x3FB3]  }
0x2e: {  	s3 =	simm.s32 @!p0 $0x1082;
	s9 =	sld [smem:$0x3FB4]  }
0x2f: {  	lr =	sadd.s32 s0, s3;
	s0 =	sld [smem:$0x3FAB]  }
0x30: {  	s3 =	sld [smem:$0x3FAE]  }
0x31: {  	[smem:$0x3FB7] =	sst s10  }
0x32: {  	s10 =	sld [smem:$0x3FB5];
	_ =	sdelay $0x3  }
0x33: {  	p0 =	seq.s32 s10, $0x1;
	s10 =	sld [smem:$0x3FB7];
	_ =	sdelay $0x3  }
0x34: {  	[smem:$0x3FB7] =	sst s10  }
0x35: {  	s10 =	sld [smem:$0x3FB6];
	_ =	sdelay $0x3  }
0x36: {  	p1 =	seq.s32 s10, $0x1;
	s10 =	sld [smem:$0x3FB7];
	_ =	sdelay $0x3  }
0x37: {  	[smem:$0x3FB7] =	sst s10  }
0x38: {  	s10 =	sld [smem:$0x3FB8]  }
0x39: {  	_ = 	snop;
	(pc) =	sbr.ind lr, $3  }
0x3a: {  	_ = 	snop  }
0x3b: {  	_ = 	snop  }
0x3c: {  	p2 =	seq.s32 s10, $0x1;
	s10 =	sld [smem:$0x3FB7]  }
0x3d: {  	_ =	shalt  }
0x3e: {  	_ =	shalt  }
0x3f: {  	_ =	shalt  }
0x40: {  	_ =	shalt  }
0x41: {  	_ =	shalt  }
0x42: {  	_ =	shalt  }
0x43: {  	_ =	shalt  }
0x44: {  	_ =	shalt  }
0x45: {  	_ =	shalt  }
0x46: {  	_ =	shalt  }
0x47: {  	_ =	shalt  }
0x48: {  	_ =	shalt  }
0x49: {  	_ =	shalt  }
0x4a: {  	_ =	shalt  }
0x4b: {  	_ =	shalt  }
0x4c: {  	_ =	shalt  }
0x4d: {  	_ =	shalt  }
0x4e: {  	_ =	shalt  }
0x4f: {  	_ =	shalt  }
0x50: {  	_ =	shalt  }
0x51: {  	_ =	shalt  }
0x52: {  	_ =	shalt  }
0x53: {  	_ =	shalt  }
0x54: {  	_ =	shalt  }
0x55: {  	_ =	shalt  }
0x56: {  	_ =	shalt  }
0x57: {  	_ =	shalt  }
0x58: {  	_ =	shalt  }
0x59: {  	_ =	shalt  }
0x5a: {  	_ =	shalt  }
0x5b: {  	_ =	shalt  }
0x5c: {  	_ =	shalt  }
0x5d: {  	_ =	shalt  }
0x5e: {  	_ =	shalt  }
0x5f: {  	_ =	shalt  }
0x60: {  	_ =	shalt  }
0x61: {  	_ =	shalt  }
0x62: {  	_ =	shalt  }
0x63: {  	_ =	shalt  }
0x64: {  	_ =	shalt  }
0x65: {  	_ =	shalt  }
0x66: {  	_ =	shalt  }
0x67: {  	_ =	shalt  }
0x68: {  	_ =	shalt  }
0x69: {  	_ =	shalt  }
0x6a: {  	_ =	shalt  }
0x6b: {  	_ =	shalt  }
0x6c: {  	_ =	shalt  }
0x6d: {  	_ =	shalt  }
0x6e: {  	_ =	shalt  }
0x6f: {  	_ =	shalt  }
0x70: {  	_ =	shalt  }
0x71: {  	_ =	shalt  }
0x72: {  	_ =	shalt  }
0x73: {  	_ =	shalt  }
0x74: {  	_ =	shalt  }
0x75: {  	_ =	shalt  }
0x76: {  	_ =	shalt  }
0x77: {  	_ =	shalt  }
0x78: {  	_ =	shalt  }
0x79: {  	_ =	shalt  }
0x7a: {  	_ =	shalt  }
0x7b: {  	_ =	shalt  }
0x7c: {  	_ =	shalt  }
0x7d: {  	_ =	shalt  }
0x7e: {  	_ =	shalt  }
0x7f: {  	_ =	shalt  }
0x80: {  	_ =	shalt  }
0x81: {  	_ =	shalt  }
0x82: {  	_ =	shalt  }
0x83: {  	_ =	shalt  }
0x84: {  	_ =	shalt  }
0x85: {  	_ =	shalt  }
0x86: {  	_ =	shalt  }
0x87: {  	_ =	shalt  }
.Lfunc_end0:
.L_simem_size_0:
called_computation.5_lowered:
.L_overlay_start_0:
0x88: {  	s2 =	sld [smem:$0x3FD9]  }
0x89: {  	s3 =	sld [smem:$0x3FFE];
	_ =	sdelay $0x1  }
0x8a: {  	s1 =	srdreg.scid  }
0x8b: {  	s0 =	sand.u32 $0x1, s1  }
0x8c: {  	s17 =	sshll.u32 s0, $0xA;
	s2 =	sadd.s32 s3, s2  }
0x8d: {  	s2 =	sadd.s32 s2, s17  }
0x8e: {  	[smem:$0x3FC3] =	sst s2  }
0x8f: {  	_ = 	snop  }
0x90: {  	(tm) =	ssettm $0x1  }
0x91: {  	s18 =	sld [smem:$0x3FFB];
	_ =	sdelay $0x3  }
0x92: {  	_ =	strace s18  }
0x93: {  	s2 =	sld [smem:$0x3FFC];
	_ =	sdelay $0x3  }
0x94: {  	_ =	strace s2  }
0x95: {  	s2 =	sld [smem:$0x3FFD];
	_ =	sdelay $0x3  }
0x96: {  	_ =	strace s2  }
0x97: {  	_ =	strace $0x8FFFFFFF  }
0x98: {  	s19 =	sld [smem:$0x3FDB];
	_ =	sdelay $0x1  }
0x99: {  	s20 =	simm.s32 $_scs_section_size  }
0x9a: {  	s4 =	simm.s32 $_size__tile_overlayer_lowered;
	s5 =	simm.s32 $_tile_overlayer_lowered  }
0x9b: {  	s6 =	simm.s32 $0x1BFF;
	s21 =	sshll.u32 s5, $0x1;
	s3 =	sadd.s32 s20, s19  }
0x9c: {  	s22 =	simm.s32 $0x0;
	s4 =	sshll.u32 s4, $0x1;
	s5 =	sadd.s32 s21, s3  }
0x9d: {  	[timem:s22], [sflag:s6] =	dma.local [hbm:s5], s4  }
0x9e: {  	_ =	swait.ge [sflag:s6], s4  }
0x9f: {  	s4 =	ssub.s32 $0x0, s4;
	[sflag:s6] =	ssyncset.done $0x0  }
0xa0: {  	[sflag:s6] =	ssyncadd.s32 s4;
	_ =	sdelay $0x1  }
0xa1: {  	s23 =	simm.s32 $0x1B8B  }
0xa2: {  	_ =	swait.ge [sflag:s23], $0x1  }
0xa3: {  	[sflag:s23] =	ssyncset.done $0x0  }
0xa4: {  	[sflag:s23] =	ssyncadd.s32 $0xFFFFFFFF  }
0xa5: {  	s4 =	sld [smem:$0x0]  }
0xa6: {  	s5 =	sand.u32 $0xFFFFFFFE, s1  }
0xa7: {  	p0 =	sne.s32 s1, s5  }
0xa8: {  	s5 =	sshll.u32 @p0 s5, $0xE  }
0xa9: {  	s5 =	sadd.s32 @p0 $0x11B8D, s5;
	s6 =	sshll.u32 @p0 s4, $0x11  }
0xaa: {  	s5 =	sor.u32 @p0 s6, s5  }
0xab: {  	[sflag:s5] =	ssyncadd.remote.s32 @p0 $0x1;
	_ =	sdelay $0x1  }
0xac: {  	s5 =	simm.s32 @p0 $0x1B8D  }
0xad: {  	_ =	swait.eq @p0 [sflag:s5], $0x1  }
0xae: {  	[sflag:s5] =	ssyncadd.s32 @p0 $0xFFFFFFFF  }
0xaf: {  	s6 =	sshll.u32 @!p0 s1, $0xE  }
0xb0: {  	s6 =	sor.u32 @!p0 $0x4000, s6;
	s5 =	simm.s32 @!p0 $0x1B8D  }
0xb1: {  	s4 =	sshll.u32 @!p0 s4, $0x11;
	s6 =	sadd.s32 @!p0 $0x11B8D, s6;
	_ =	swait.eq @!p0 [sflag:s5], $0x1  }
0xb2: {  	s4 =	sor.u32 @!p0 s4, s6;
	[sflag:s5] =	ssyncadd.s32 @!p0 $0xFFFFFFFF  }
0xb3: {  	s25 =	simm.s32 $0x1B8E;
	s24 =	sld [smem:$0x3FFE];
	[sflag:s4] =	ssyncadd.remote.s32 @!p0 $0x1  }
0xb4: {  	s26 =	simm.s32 $execute0_lowered;
	[smem:$0x3FD2] =	sst s25  }
0xb5: {  	s5 =	sshll.u32 s26, $0x1;
	_ =	strace $0x80000055;
	[dreg:$0x1] =	wrdreg $0xFFFFFFFF  }
0xb6: {  	s28 =	simm.s32 $_size_execute0_lowered;
	s3 =	sadd.s32 s3, s5;
	[dreg:$0x0] =	wrdreg $0x0  }
0xb7: {  	s5 =	sshll.u32 s28, $0x1;
	[dreg:$0x2] =	wrdreg s3  }
0xb8: {  	[dreg:$0x3] =	wrdreg s5  }
0xb9: {  	[dreg:$0x4] =	wrdreg $0xC0  }
0xba: {  	_ =	task [dreg:s22], $0x5FFFF  }
0xbb: {  	[dreg:$0x1] =	wrdreg $0xFFFFFFFF  }
0xbc: {  	[dreg:$0x0] =	wrdreg $0x60  }
0xbd: {  	[dreg:$0x2] =	wrdreg s24  }
0xbe: {  	[dreg:$0x3] =	wrdreg $0xE  }
0xbf: {  	_ =	task.clear_ibuf [dreg:s22], $0x4FFFF;
	_ =	strace $0x90000055  }
0xc0: {  	s29 =	simm.s32 $0xE;
	_ =	strace $0x80000057  }
0xc1: {  	_ =	swait.ge [sflag:s29], $0x1  }
0xc2: {  	[sflag:s29] =	ssyncadd.s32 $0xFFFFFFFF  }
0xc3: {  	_ =	strace $0x90000057  }
0xc4: {  	_ =	sfence  }
0xc5: {  	s30 =	sld [smem:$0x0];
	_ =	sdelay $0x2  }
0xc6: {  	s31 =	sshll.u32 s1, $0xD;
	s1 =	sshrl.u32 s1, $0x2  }
0xc7: {  	s4 =	sand.u32 $0x4000, s31;
	s1 =	sadd.s32 s1, s30  }
0xc8: {  	s0 =	sor.u32 s4, s0;
	s1 =	sshll.u32 s1, $0x11  }
0xc9: {  	s0 =	sor.u32 s1, s0  }
0xca: {  	s0 =	sadd.s32 $0x8F2B, s0  }
0xcb: {  	[sflag:s0] =	ssyncadd.remote.s32 $0x1  }
0xcc: {  	_ =	sfence.sel $0xFFFF  }
0xcd: {  	[dreg:$0x0] =	wrdreg $0xFFFFFFFF;
	(pc) =	sbr.abs _section_cstart, $3  }
0xce: {  	[dreg:$0x1] =	wrdreg $0xFFFFFFFF  }
0xcf: {  	_ =	task.clear_ibuf [dreg:s22], $0x2FFFF;
	_ =	strace $0x9FFFFFFF  }
0xd0: {  	(tm) =	ssettm $0x7FFFFFFF  }
0xd1: {  	_ =	shalt  }
tec
execute0_lowered:
.L_overlay_start_1:
0x0: {  	(tag) =	ssettag $0x1  }
0x1: {  	s3 =	rddreg [dreg:$0x0];
	s2 =	srdreg.scid  }
0x2: {  	s0 =	rddreg [dreg:$0x1];
	s1 =	stileid.u32  }
0x3: {  	s9 =	simm.s32 $0x1;
	s10 =	simm.s32 $0x0;
	s4 =	sand.u32 $0x1, s2  }
0x4: {  	s2 =	simm.s32 $0x0;
	s5 =	sshll.u32 s1, $0xB;
	s30 =	sshll.u32 s1, $0xE  }
0x5: {  	s6 =	sshll.u32 s4, $0xA;
	[smem:$0x7FF] =	sst s2;
	s29 =	ssub.s32 $0x2, s4  }
0x6: {  	s31 =	sshll.u32 s4, $0xD;
	s5 =	sor.u32 s6, s5;
	s8 =	sshrl.u32 s29, $0x1  }
0x7: {  	_ =	strace $0x80000056;
	s5 =	sshrl.u32 s5, $0x3;
	s6 =	ssub.s32 s29, s8  }
0x8: {  	s8 =	simm.s32 $0x80;
	s7 =	sadd.s32 s5, s3;
	s5 =	sadd.s32 s30, s3  }
0x9: {  	s3 =	sadd.s32 $0x158E00, s3;
	s4 =	smax.u32 s6, $0x1;
	s5 =	sadd.s32 s31, s5  }
0xa: {  	s6 =	sadd.s32 $0x15CE00, s7;
	s7 =	simm.s32 $0x2;
	s5 =	sadd.s32 $0x15DE00, s5  }
.LBB2_1:
0xb: {  	s11 =	sadd.s32 $0x0, s6  }
0xc: {  	[tilespmem:s2], [sflag:$0x2] =	stream.linear.gather [hbm4b:s11+s2], $0x80, $0x38;
	[tilespmem:$0x2080] =	vst v63  }
0xd: {  	_ =	swait.ge [sflag:s7], $0x80  }
0xe: {  	[sflag:s7] =	ssyncset.done $0x0  }
0xf: {  	[sflag:s7] =	ssyncadd.s32 $0xFFFFFF80  }
0x10: {  	[tilespmem:s8], [sflag:$0x1] =	stream.indirect.gather [hbm4b:s3+s8], $0x40, s2, s8, $0xb8;
	[tilespmem:$0x2080] =	vst v63  }
0x11: {  	_ =	swait.ge [sflag:s9], $0x2000  }
0x12: {  	[sflag:s9] =	ssyncset.done $0x0  }
0x13: {  	[sflag:s9] =	ssyncadd.s32 $0xFFFFE000  }
0x14: {  	[hbm4b:s5+s2] =	stream.linear.scatter [tilespmem:s8], [sflag:$0x2], $0x2000, $0x38;
	[tilespmem:$0x2080] =	vst v63  }
0x15: {  	s12 =	simm.s32 $0x10;
	_ =	swait.ge [sflag:s7], $0x2000  }
0x16: {  	s13 =	simm.s32 $0x20;
	s11 =	sadd.s32 $0x400, s5;
	[sflag:s7] =	ssyncset.done $0x0  }
.LBB2_2:
0x17: {  	s14 =	sadd.s32 s12, s6  }
0x18: {  	[sflag:s7] =	ssyncadd.s32 $0xFFFFE000;
	s12 =	smov.u32 s13;
	s15 =	sadd.s32 $0x10, s13  }
0x19: {  	[tilespmem:s2], [sflag:$0x2] =	stream.linear.gather [hbm4b:s14+s2], $0x80, $0x38;
	[tilespmem:$0x2080] =	vst v63  }
0x1a: {  	p0 =	sne.s32 s13, $0x70;
	_ =	swait.ge [sflag:s7], $0x80  }
0x1b: {  	[sflag:s7] =	ssyncset.done $0x0  }
0x1c: {  	[sflag:s7] =	ssyncadd.s32 $0xFFFFFF80  }
0x1d: {  	[tilespmem:s8], [sflag:$0x1] =	stream.indirect.gather [hbm4b:s3+s8], $0x40, s2, s8, $0xb8;
	[tilespmem:$0x2080] =	vst v63  }
0x1e: {  	_ =	swait.ge [sflag:s9], $0x2000  }
.Ltmp0:
0x1f: {  	[sflag:s9] =	ssyncset.done $0x0;
	(pc) =	sbr.rel @p0 .LBB2_2-.Ltmp0, $4  }
0x20: {  	[sflag:s9] =	ssyncadd.s32 $0xFFFFE000  }
0x21: {  	[hbm4b:s11+s2] =	stream.linear.scatter [tilespmem:s8], [sflag:$0x2], $0x2000, $0x38;
	[tilespmem:$0x2080] =	vst v63  }
0x22: {  	_ =	swait.ge [sflag:s7], $0x2000  }
0x23: {  	s13 =	smov.u32 s15;
	s11 =	sadd.s32 $0x400, s11;
	[sflag:s7] =	ssyncset.done $0x0  }
0x24: {  	s12 =	sadd.s32 s12, s6;
	[sflag:s7] =	ssyncadd.s32 $0xFFFFE000  }
0x25: {  	[tilespmem:s2], [sflag:$0x2] =	stream.linear.gather [hbm4b:s12+s2], $0x80, $0x38;
	[tilespmem:$0x2080] =	vst v63  }
0x26: {  	_ =	swait.ge [sflag:s7], $0x80  }
0x27: {  	[sflag:s7] =	ssyncset.done $0x0  }
0x28: {  	[sflag:s7] =	ssyncadd.s32 $0xFFFFFF80  }
0x29: {  	[tilespmem:s8], [sflag:$0x1] =	stream.indirect.gather [hbm4b:s3+s8], $0x40, s2, s8, $0xb8;
	[tilespmem:$0x2080] =	vst v63  }
0x2a: {  	s10 =	sadd.s32 $0x1, s10;
	_ =	swait.ge [sflag:s9], $0x2000  }
0x2b: {  	p0 =	sne.s32 s10, s4;
	[sflag:s9] =	ssyncset.done $0x0  }
.Ltmp1:
0x2c: {  	[sflag:s9] =	ssyncadd.s32 $0xFFFFE000;
	(pc) =	sbr.rel @p0 .LBB2_1-.Ltmp1, $4  }
0x2d: {  	[hbm4b:s11+s2] =	stream.linear.scatter [tilespmem:s8], [sflag:$0x2], $0x2000, $0x38;
	[tilespmem:$0x2080] =	vst v63  }
0x2e: {  	_ =	swait.ge [sflag:s7], $0x2000  }
0x2f: {  	[sflag:s7] =	ssyncset.done $0x0  }
0x30: {  	[sflag:s7] =	ssyncadd.s32 $0xFFFFE000  }
0x31: {  	_ =	sfence.sel $0x180000  }
0x32: {  	[bflag:$0x0] =	sbarrier.arrive $0xFFFF  }
0x33: {  	p0 =	sne.s32 s1, $0x0;
	_ =	strace $0x90000056  }
0x34: {  	s0 =	sadd.s32 @!p0 $0x100000, s0;
	[bflag:$0x2] =	sbarrier.arrive $0xFFFF  }
0x35: {  	[sflag:s0] =	ssyncadd.tile.s32 @!p0 $0x1;
	_ =	shalt  }
.Lfunc_end2:
_tile_overlayer_lowered:
.L_overlay_start_2:
0x36: {  	(tag) =	ssettag $0x2  }
0x37: {  	s0 =	rddreg [dreg:$0x0];
	s2 =	stileid.u32  }
0x38: {  	s1 =	rddreg [dreg:$0x1];
	p0 =	sne.s32 s2, $0x0  }
0x39: {  	s3 =	rddreg [dreg:$0x2];
	[bflag:$0x3] =	sbarrier.arrive $0xFFFF;
	s2 =	simm.s32 @!p0 $0x1C02  }
0x3a: {  	[timem:s3], [sflag:s2] =	dma.local @!p0 [hbm:s0], s1  }
0x3b: {  	s0 =	simm.s32 @!p0 $0x2  }
0x3c: {  	_ =	swait.ge @!p0 [sflag:s0], s1  }
0x3d: {  	s1 =	ssub.s32 @!p0 $0x0, s1;
	[sflag:s0] =	ssyncset.done @!p0 $0x0  }
0x3e: {  	[sflag:s0] =	ssyncadd.s32 @!p0 s1  }
0x3f: {  	[bflag:$0x3] =	sbarrier.arrive $0xFFFF  }
0x40: {  	_ =	shalt  }

// kernel: kernel.52.cloned.1.call-start
scs
__scs_entry_jumppad:
0x0: {  	(pc) =	sbr.rel $0x88, $3  }
0x1: {  	(tag) =	ssettag $0x0;
	lr =	simm.s32 $0x1  }
0x2: {  	[smem:$0x3F9C] =	sst lr;
	_ =	strace $0xD0000000  }
0x3: {  	_ = 	snop  }
0x4: {  	_ = 	snop  }
0x5: {  	_ = 	snop  }
0x6: {  	_ = 	snop  }
0x7: {  	_ = 	snop  }
__scs_overlays_trampoline_lowered:
0x8: {  	[smem:$0x3FAB] =	sst s0  }
0x9: {  	[smem:$0x3FAC] =	sst s1  }
0xa: {  	[smem:$0x3FAD] =	sst s2  }
0xb: {  	[smem:$0x3FAE] =	sst s3  }
0xc: {  	[smem:$0x3FAF] =	sst s4  }
0xd: {  	[smem:$0x3FB0] =	sst s5  }
0xe: {  	[smem:$0x3FB1] =	sst s6  }
0xf: {  	[smem:$0x3FB2] =	sst s7  }
0x10: {  	[smem:$0x3FB3] =	sst s8  }
0x11: {  	[smem:$0x3FB4] =	sst s9;
	s0 =	simm.s32 @!p0 $0x0  }
0x12: {  	s1 =	sld [smem:$0x3F9A];
	s0 =	simm.s32 @p0 $0x1  }
0x13: {  	[smem:$0x3FB5] =	sst s0;
	s0 =	simm.s32 @!p1 $0x0  }
0x14: {  	s2 =	sld [smem:$0x3F99];
	s0 =	simm.s32 @p1 $0x1  }
0x15: {  	[smem:$0x3FB6] =	sst s0;
	s0 =	simm.s32 @!p2 $0x0  }
0x16: {  	s3 =	sld [smem:$0x3FDB];
	s0 =	simm.s32 @p2 $0x1  }
0x17: {  	s4 =	simm.s32 $0x1BF5;
	[smem:$0x3FB8] =	sst s0  }
0x18: {  	s0 =	sld [smem:$0x3F9B];
	_ =	swait.ge [sflag:s4], $0x0  }
0x19: {  	s7 =	sld [smem:$0x3F9C]  }
0x1a: {  	s8 =	sadd.s32 $0xFFFFE003, lr  }
0x1b: {  	s9 =	sadd.s32 $0xFFFFFEF7, lr;
	s5 =	simm.s32 $0xFFFFFFFF;
	p2 =	slt.u32 s8, $0xFFFFF086  }
0x1c: {  	p1 =	slt.u32 s9, $0xF7A;
	s5 =	simm.s32 @!p2 $0x0  }
0x1d: {  	s5 =	simm.s32 @p1 $0x1;
	p0 =	seq.s32 s7, s2  }
0x1e: {  	s7 =	smul.u32 @!p0 $0xF7A, s2;
	p2 =	seq.s32 @!p0 s5, $0x0  }
0x1f: {  	s9 =	smul.u32 $0xF7A, s1;
	s8 =	simm.s32 @!p0 $0x1BF5;
	p2 =	por !p2, p0  }
0x20: {  	[sflag:s8] =	ssyncset.s32 @!p0 $0xFFFFF086;
	s6 =	sadd.s32 @!p0 s3, s7;
	s7 =	simm.s32 @!p0 $0x108  }
0x21: {  	s3 =	sadd.s32 s3, s9;
	s6 =	sadd.s32 @!p0 $0x88, s6;
	s7 =	simm.s32 @p2 $0x1082  }
0x22: {  	[simem:s7], [sflag:s8] =	dma.local @!p0 [hbm:s6], $0xF7A  }
0x23: {  	s9 =	sor.u32 $0xD0000000, s2;
	s6 =	simm.s32 $0x108;
	_ =	swait.ge @!p0 [sflag:s8], $0x0  }
0x24: {  	s3 =	sadd.s32 $0x88, s3;
	s6 =	simm.s32 @!p1 $0x1082;
	[sflag:s4] =	ssyncset.s32 $0xFFFFF086  }
0x25: {  	[simem:s6], [sflag:s4] =	dma.local [hbm:s3], $0xF7A  }
0x26: {  	[smem:$0x3F9C] =	sst s1;
	(tag) =	ssettag s2;
	_ =	strace s9  }
0x27: {  	s1 =	sld [smem:$0x3FAC]  }
0x28: {  	s2 =	sld [smem:$0x3FAD]  }
0x29: {  	s4 =	sld [smem:$0x3FAF]  }
0x2a: {  	p0 =	seq.s32 s5, $0x0;
	s5 =	sld [smem:$0x3FB0]  }
0x2b: {  	s6 =	sld [smem:$0x3FB1]  }
0x2c: {  	s7 =	sld [smem:$0x3FB2]  }
0x2d: {  	s3 =	simm.s32 $0x108;
	s8 =	sld [smem:$0x3FB3]  }
0x2e: {  	s3 =	simm.s32 @!p0 $0x1082;
	s9 =	sld [smem:$0x3FB4]  }
0x2f: {  	lr =	sadd.s32 s0, s3;
	s0 =	sld [smem:$0x3FAB]  }
0x30: {  	s3 =	sld [smem:$0x3FAE]  }
0x31: {  	[smem:$0x3FB7] =	sst s10  }
0x32: {  	s10 =	sld [smem:$0x3FB5];
	_ =	sdelay $0x3  }
0x33: {  	p0 =	seq.s32 s10, $0x1;
	s10 =	sld [smem:$0x3FB7];
	_ =	sdelay $0x3  }
0x34: {  	[smem:$0x3FB7] =	sst s10  }
0x35: {  	s10 =	sld [smem:$0x3FB6];
	_ =	sdelay $0x3  }
0x36: {  	p1 =	seq.s32 s10, $0x1;
	s10 =	sld [smem:$0x3FB7];
	_ =	sdelay $0x3  }
0x37: {  	[smem:$0x3FB7] =	sst s10  }
0x38: {  	s10 =	sld [smem:$0x3FB8]  }
0x39: {  	_ = 	snop;
	(pc) =	sbr.ind lr, $3  }
0x3a: {  	_ = 	snop  }
0x3b: {  	_ = 	snop  }
0x3c: {  	p2 =	seq.s32 s10, $0x1;
	s10 =	sld [smem:$0x3FB7]  }
0x3d: {  	_ =	shalt  }
0x3e: {  	_ =	shalt  }
0x3f: {  	_ =	shalt  }
0x40: {  	_ =	shalt  }
0x41: {  	_ =	shalt  }
0x42: {  	_ =	shalt  }
0x43: {  	_ =	shalt  }
0x44: {  	_ =	shalt  }
0x45: {  	_ =	shalt  }
0x46: {  	_ =	shalt  }
0x47: {  	_ =	shalt  }
0x48: {  	_ =	shalt  }
0x49: {  	_ =	shalt  }
0x4a: {  	_ =	shalt  }
0x4b: {  	_ =	shalt  }
0x4c: {  	_ =	shalt  }
0x4d: {  	_ =	shalt  }
0x4e: {  	_ =	shalt  }
0x4f: {  	_ =	shalt  }
0x50: {  	_ =	shalt  }
0x51: {  	_ =	shalt  }
0x52: {  	_ =	shalt  }
0x53: {  	_ =	shalt  }
0x54: {  	_ =	shalt  }
0x55: {  	_ =	shalt  }
0x56: {  	_ =	shalt  }
0x57: {  	_ =	shalt  }
0x58: {  	_ =	shalt  }
0x59: {  	_ =	shalt  }
0x5a: {  	_ =	shalt  }
0x5b: {  	_ =	shalt  }
0x5c: {  	_ =	shalt  }
0x5d: {  	_ =	shalt  }
0x5e: {  	_ =	shalt  }
0x5f: {  	_ =	shalt  }
0x60: {  	_ =	shalt  }
0x61: {  	_ =	shalt  }
0x62: {  	_ =	shalt  }
0x63: {  	_ =	shalt  }
0x64: {  	_ =	shalt  }
0x65: {  	_ =	shalt  }
0x66: {  	_ =	shalt  }
0x67: {  	_ =	shalt  }
0x68: {  	_ =	shalt  }
0x69: {  	_ =	shalt  }
0x6a: {  	_ =	shalt  }
0x6b: {  	_ =	shalt  }
0x6c: {  	_ =	shalt  }
0x6d: {  	_ =	shalt  }
0x6e: {  	_ =	shalt  }
0x6f: {  	_ =	shalt  }
0x70: {  	_ =	shalt  }
0x71: {  	_ =	shalt  }
0x72: {  	_ =	shalt  }
0x73: {  	_ =	shalt  }
0x74: {  	_ =	shalt  }
0x75: {  	_ =	shalt  }
0x76: {  	_ =	shalt  }
0x77: {  	_ =	shalt  }
0x78: {  	_ =	shalt  }
0x79: {  	_ =	shalt  }
0x7a: {  	_ =	shalt  }
0x7b: {  	_ =	shalt  }
0x7c: {  	_ =	shalt  }
0x7d: {  	_ =	shalt  }
0x7e: {  	_ =	shalt  }
0x7f: {  	_ =	shalt  }
0x80: {  	_ =	shalt  }
0x81: {  	_ =	shalt  }
0x82: {  	_ =	shalt  }
0x83: {  	_ =	shalt  }
0x84: {  	_ =	shalt  }
0x85: {  	_ =	shalt  }
0x86: {  	_ =	shalt  }
0x87: {  	_ =	shalt  }
.Lfunc_end0:
.L_simem_size_0:
called_computation.6_lowered:
.L_overlay_start_0:
0x88: {  	s2 =	sld [smem:$0x3FD9]  }
0x89: {  	s3 =	sld [smem:$0x3FFE];
	_ =	sdelay $0x1  }
0x8a: {  	s1 =	srdreg.scid  }
0x8b: {  	s0 =	sand.u32 $0x1, s1  }
0x8c: {  	s17 =	sshll.u32 s0, $0xA;
	s2 =	sadd.s32 s3, s2  }
0x8d: {  	s2 =	sadd.s32 s2, s17  }
0x8e: {  	[smem:$0x3FC3] =	sst s2  }
0x8f: {  	_ = 	snop  }
0x90: {  	(tm) =	ssettm $0x1  }
0x91: {  	s18 =	sld [smem:$0x3FFB];
	_ =	sdelay $0x3  }
0x92: {  	_ =	strace s18  }
0x93: {  	s2 =	sld [smem:$0x3FFC];
	_ =	sdelay $0x3  }
0x94: {  	_ =	strace s2  }
0x95: {  	s2 =	sld [smem:$0x3FFD];
	_ =	sdelay $0x3  }
0x96: {  	_ =	strace s2  }
0x97: {  	_ =	strace $0x8FFFFFFF  }
0x98: {  	s19 =	sld [smem:$0x3FDB];
	_ =	sdelay $0x1  }
0x99: {  	s20 =	simm.s32 $_scs_section_size  }
0x9a: {  	s4 =	simm.s32 $_size__tile_overlayer_lowered;
	s5 =	simm.s32 $_tile_overlayer_lowered  }
0x9b: {  	s6 =	simm.s32 $0x1BFF;
	s21 =	sshll.u32 s5, $0x1;
	s3 =	sadd.s32 s20, s19  }
0x9c: {  	s22 =	simm.s32 $0x0;
	s4 =	sshll.u32 s4, $0x1;
	s5 =	sadd.s32 s21, s3  }
0x9d: {  	[timem:s22], [sflag:s6] =	dma.local [hbm:s5], s4  }
0x9e: {  	_ =	swait.ge [sflag:s6], s4  }
0x9f: {  	s4 =	ssub.s32 $0x0, s4;
	[sflag:s6] =	ssyncset.done $0x0  }
0xa0: {  	[sflag:s6] =	ssyncadd.s32 s4;
	_ =	sdelay $0x1  }
0xa1: {  	s23 =	simm.s32 $0x1B8B  }
0xa2: {  	_ =	swait.ge [sflag:s23], $0x1  }
0xa3: {  	[sflag:s23] =	ssyncset.done $0x0  }
0xa4: {  	[sflag:s23] =	ssyncadd.s32 $0xFFFFFFFF  }
0xa5: {  	s4 =	sld [smem:$0x0]  }
0xa6: {  	s5 =	sand.u32 $0xFFFFFFFE, s1  }
0xa7: {  	p0 =	sne.s32 s1, s5  }
0xa8: {  	s5 =	sshll.u32 @p0 s5, $0xE  }
0xa9: {  	s5 =	sadd.s32 @p0 $0x11B8D, s5;
	s6 =	sshll.u32 @p0 s4, $0x11  }
0xaa: {  	s5 =	sor.u32 @p0 s6, s5  }
0xab: {  	[sflag:s5] =	ssyncadd.remote.s32 @p0 $0x1;
	_ =	sdelay $0x1  }
0xac: {  	s5 =	simm.s32 @p0 $0x1B8D  }
0xad: {  	_ =	swait.eq @p0 [sflag:s5], $0x1  }
0xae: {  	[sflag:s5] =	ssyncadd.s32 @p0 $0xFFFFFFFF  }
0xaf: {  	s6 =	sshll.u32 @!p0 s1, $0xE  }
0xb0: {  	s6 =	sor.u32 @!p0 $0x4000, s6;
	s5 =	simm.s32 @!p0 $0x1B8D  }
0xb1: {  	s4 =	sshll.u32 @!p0 s4, $0x11;
	s6 =	sadd.s32 @!p0 $0x11B8D, s6;
	_ =	swait.eq @!p0 [sflag:s5], $0x1  }
0xb2: {  	s4 =	sor.u32 @!p0 s4, s6;
	[sflag:s5] =	ssyncadd.s32 @!p0 $0xFFFFFFFF  }
0xb3: {  	s25 =	simm.s32 $0x1B8E;
	s24 =	sld [smem:$0x3FFE];
	[sflag:s4] =	ssyncadd.remote.s32 @!p0 $0x1  }
0xb4: {  	s26 =	simm.s32 $execute0_lowered;
	[smem:$0x3FD2] =	sst s25  }
0xb5: {  	s5 =	sshll.u32 s26, $0x1;
	_ =	strace $0x80000058;
	[dreg:$0x1] =	wrdreg $0xFFFFFFFF  }
0xb6: {  	s28 =	simm.s32 $_size_execute0_lowered;
	s3 =	sadd.s32 s3, s5;
	[dreg:$0x0] =	wrdreg $0x0  }
0xb7: {  	s5 =	sshll.u32 s28, $0x1;
	[dreg:$0x2] =	wrdreg s3  }
0xb8: {  	[dreg:$0x3] =	wrdreg s5  }
0xb9: {  	[dreg:$0x4] =	wrdreg $0xC0  }
0xba: {  	_ =	task [dreg:s22], $0x5FFFF  }
0xbb: {  	[dreg:$0x1] =	wrdreg $0xFFFFFFFF  }
0xbc: {  	[dreg:$0x0] =	wrdreg $0x60  }
0xbd: {  	[dreg:$0x2] =	wrdreg s24  }
0xbe: {  	[dreg:$0x3] =	wrdreg $0xF  }
0xbf: {  	_ =	task.clear_ibuf [dreg:s22], $0x4FFFF;
	_ =	strace $0x90000058  }
0xc0: {  	s29 =	simm.s32 $0xF;
	_ =	strace $0x8000005A  }
0xc1: {  	_ =	swait.ge [sflag:s29], $0x1  }
0xc2: {  	[sflag:s29] =	ssyncadd.s32 $0xFFFFFFFF  }
0xc3: {  	_ =	strace $0x9000005A  }
0xc4: {  	_ =	sfence  }
0xc5: {  	s30 =	sld [smem:$0x0];
	_ =	sdelay $0x2  }
0xc6: {  	s31 =	sshll.u32 s1, $0xD;
	s1 =	sshrl.u32 s1, $0x2  }
0xc7: {  	s4 =	sand.u32 $0x4000, s31;
	s1 =	sadd.s32 s1, s30  }
0xc8: {  	s0 =	sor.u32 s4, s0;
	s1 =	sshll.u32 s1, $0x11  }
0xc9: {  	s0 =	sor.u32 s1, s0  }
0xca: {  	s0 =	sadd.s32 $0x8F2B, s0  }
0xcb: {  	[sflag:s0] =	ssyncadd.remote.s32 $0x1  }
0xcc: {  	_ =	sfence.sel $0xFFFF  }
0xcd: {  	[dreg:$0x0] =	wrdreg $0xFFFFFFFF;
	(pc) =	sbr.abs _section_cstart, $3  }
0xce: {  	[dreg:$0x1] =	wrdreg $0xFFFFFFFF  }
0xcf: {  	_ =	task.clear_ibuf [dreg:s22], $0x2FFFF;
	_ =	strace $0x9FFFFFFF  }
0xd0: {  	(tm) =	ssettm $0x7FFFFFFF  }
0xd1: {  	_ =	shalt  }
tec
execute0_lowered:
.L_overlay_start_1:
0x0: {  	(tag) =	ssettag $0x1  }
0x1: {  	s3 =	rddreg [dreg:$0x0];
	s2 =	srdreg.scid  }
0x2: {  	s0 =	rddreg [dreg:$0x1];
	s1 =	stileid.u32  }
0x3: {  	s9 =	simm.s32 $0x1;
	s10 =	simm.s32 $0x0;
	s4 =	sand.u32 $0x1, s2  }
0x4: {  	s2 =	simm.s32 $0x0;
	s5 =	sshll.u32 s1, $0xB;
	s30 =	sshll.u32 s1, $0xE  }
0x5: {  	s6 =	sshll.u32 s4, $0xA;
	[smem:$0x7FF] =	sst s2;
	s29 =	ssub.s32 $0x2, s4  }
0x6: {  	s31 =	sshll.u32 s4, $0xD;
	s5 =	sor.u32 s6, s5;
	s8 =	sshrl.u32 s29, $0x1  }
0x7: {  	_ =	strace $0x80000059;
	s5 =	sshrl.u32 s5, $0x3;
	s6 =	ssub.s32 s29, s8  }
0x8: {  	s8 =	simm.s32 $0x80;
	s7 =	sadd.s32 s5, s3;
	s5 =	sadd.s32 s30, s3  }
0x9: {  	s3 =	sadd.s32 $0x19DE00, s3;
	s4 =	smax.u32 s6, $0x1;
	s5 =	sadd.s32 s31, s5  }
0xa: {  	s6 =	sadd.s32 $0x1A1E00, s7;
	s7 =	simm.s32 $0x2;
	s5 =	sadd.s32 $0x1A2E00, s5  }
.LBB2_1:
0xb: {  	s11 =	sadd.s32 $0x0, s6  }
0xc: {  	[tilespmem:s2], [sflag:$0x2] =	stream.linear.gather [hbm4b:s11+s2], $0x80, $0x38;
	[tilespmem:$0x2080] =	vst v63  }
0xd: {  	_ =	swait.ge [sflag:s7], $0x80  }
0xe: {  	[sflag:s7] =	ssyncset.done $0x0  }
0xf: {  	[sflag:s7] =	ssyncadd.s32 $0xFFFFFF80  }
0x10: {  	[tilespmem:s8], [sflag:$0x1] =	stream.indirect.gather [hbm4b:s3+s8], $0x40, s2, s8, $0xb8;
	[tilespmem:$0x2080] =	vst v63  }
0x11: {  	_ =	swait.ge [sflag:s9], $0x2000  }
0x12: {  	[sflag:s9] =	ssyncset.done $0x0  }
0x13: {  	[sflag:s9] =	ssyncadd.s32 $0xFFFFE000  }
0x14: {  	[hbm4b:s5+s2] =	stream.linear.scatter [tilespmem:s8], [sflag:$0x2], $0x2000, $0x38;
	[tilespmem:$0x2080] =	vst v63  }
0x15: {  	s12 =	simm.s32 $0x10;
	_ =	swait.ge [sflag:s7], $0x2000  }
0x16: {  	s13 =	simm.s32 $0x20;
	s11 =	sadd.s32 $0x400, s5;
	[sflag:s7] =	ssyncset.done $0x0  }
.LBB2_2:
0x17: {  	s14 =	sadd.s32 s12, s6  }
0x18: {  	[sflag:s7] =	ssyncadd.s32 $0xFFFFE000;
	s12 =	smov.u32 s13;
	s15 =	sadd.s32 $0x10, s13  }
0x19: {  	[tilespmem:s2], [sflag:$0x2] =	stream.linear.gather [hbm4b:s14+s2], $0x80, $0x38;
	[tilespmem:$0x2080] =	vst v63  }
0x1a: {  	p0 =	sne.s32 s13, $0x70;
	_ =	swait.ge [sflag:s7], $0x80  }
0x1b: {  	[sflag:s7] =	ssyncset.done $0x0  }
0x1c: {  	[sflag:s7] =	ssyncadd.s32 $0xFFFFFF80  }
0x1d: {  	[tilespmem:s8], [sflag:$0x1] =	stream.indirect.gather [hbm4b:s3+s8], $0x40, s2, s8, $0xb8;
	[tilespmem:$0x2080] =	vst v63  }
0x1e: {  	_ =	swait.ge [sflag:s9], $0x2000  }
.Ltmp0:
0x1f: {  	[sflag:s9] =	ssyncset.done $0x0;
	(pc) =	sbr.rel @p0 .LBB2_2-.Ltmp0, $4  }
0x20: {  	[sflag:s9] =	ssyncadd.s32 $0xFFFFE000  }
0x21: {  	[hbm4b:s11+s2] =	stream.linear.scatter [tilespmem:s8], [sflag:$0x2], $0x2000, $0x38;
	[tilespmem:$0x2080] =	vst v63  }
0x22: {  	_ =	swait.ge [sflag:s7], $0x2000  }
0x23: {  	s13 =	smov.u32 s15;
	s11 =	sadd.s32 $0x400, s11;
	[sflag:s7] =	ssyncset.done $0x0  }
0x24: {  	s12 =	sadd.s32 s12, s6;
	[sflag:s7] =	ssyncadd.s32 $0xFFFFE000  }
0x25: {  	[tilespmem:s2], [sflag:$0x2] =	stream.linear.gather [hbm4b:s12+s2], $0x80, $0x38;
	[tilespmem:$0x2080] =	vst v63  }
0x26: {  	_ =	swait.ge [sflag:s7], $0x80  }
0x27: {  	[sflag:s7] =	ssyncset.done $0x0  }
0x28: {  	[sflag:s7] =	ssyncadd.s32 $0xFFFFFF80  }
0x29: {  	[tilespmem:s8], [sflag:$0x1] =	stream.indirect.gather [hbm4b:s3+s8], $0x40, s2, s8, $0xb8;
	[tilespmem:$0x2080] =	vst v63  }
0x2a: {  	s10 =	sadd.s32 $0x1, s10;
	_ =	swait.ge [sflag:s9], $0x2000  }
0x2b: {  	p0 =	sne.s32 s10, s4;
	[sflag:s9] =	ssyncset.done $0x0  }
.Ltmp1:
0x2c: {  	[sflag:s9] =	ssyncadd.s32 $0xFFFFE000;
	(pc) =	sbr.rel @p0 .LBB2_1-.Ltmp1, $4  }
0x2d: {  	[hbm4b:s11+s2] =	stream.linear.scatter [tilespmem:s8], [sflag:$0x2], $0x2000, $0x38;
	[tilespmem:$0x2080] =	vst v63  }
0x2e: {  	_ =	swait.ge [sflag:s7], $0x2000  }
0x2f: {  	[sflag:s7] =	ssyncset.done $0x0  }
0x30: {  	[sflag:s7] =	ssyncadd.s32 $0xFFFFE000  }
0x31: {  	_ =	sfence.sel $0x180000  }
0x32: {  	[bflag:$0x0] =	sbarrier.arrive $0xFFFF  }
0x33: {  	p0 =	sne.s32 s1, $0x0;
	_ =	strace $0x90000059  }
0x34: {  	s0 =	sadd.s32 @!p0 $0x100000, s0;
	[bflag:$0x2] =	sbarrier.arrive $0xFFFF  }
0x35: {  	[sflag:s0] =	ssyncadd.tile.s32 @!p0 $0x1;
	_ =	shalt  }
.Lfunc_end2:
_tile_overlayer_lowered:
.L_overlay_start_2:
0x36: {  	(tag) =	ssettag $0x2  }
0x37: {  	s0 =	rddreg [dreg:$0x0];
	s2 =	stileid.u32  }
0x38: {  	s1 =	rddreg [dreg:$0x1];
	p0 =	sne.s32 s2, $0x0  }
0x39: {  	s3 =	rddreg [dreg:$0x2];
	[bflag:$0x3] =	sbarrier.arrive $0xFFFF;
	s2 =	simm.s32 @!p0 $0x1C02  }
0x3a: {  	[timem:s3], [sflag:s2] =	dma.local @!p0 [hbm:s0], s1  }
0x3b: {  	s0 =	simm.s32 @!p0 $0x2  }
0x3c: {  	_ =	swait.ge @!p0 [sflag:s0], s1  }
0x3d: {  	s1 =	ssub.s32 @!p0 $0x0, s1;
	[sflag:s0] =	ssyncset.done @!p0 $0x0  }
0x3e: {  	[sflag:s0] =	ssyncadd.s32 @!p0 s1  }
0x3f: {  	[bflag:$0x3] =	sbarrier.arrive $0xFFFF  }
0x40: {  	_ =	shalt  }

// kernel: kernel.55.cloned.1.call-start
scs
__scs_entry_jumppad:
0x0: {  	(pc) =	sbr.rel $0x88, $3  }
0x1: {  	(tag) =	ssettag $0x0;
	lr =	simm.s32 $0x1  }
0x2: {  	[smem:$0x3F9C] =	sst lr;
	_ =	strace $0xD0000000  }
0x3: {  	_ = 	snop  }
0x4: {  	_ = 	snop  }
0x5: {  	_ = 	snop  }
0x6: {  	_ = 	snop  }
0x7: {  	_ = 	snop  }
__scs_overlays_trampoline_lowered:
0x8: {  	[smem:$0x3FAB] =	sst s0  }
0x9: {  	[smem:$0x3FAC] =	sst s1  }
0xa: {  	[smem:$0x3FAD] =	sst s2  }
0xb: {  	[smem:$0x3FAE] =	sst s3  }
0xc: {  	[smem:$0x3FAF] =	sst s4  }
0xd: {  	[smem:$0x3FB0] =	sst s5  }
0xe: {  	[smem:$0x3FB1] =	sst s6  }
0xf: {  	[smem:$0x3FB2] =	sst s7  }
0x10: {  	[smem:$0x3FB3] =	sst s8  }
0x11: {  	[smem:$0x3FB4] =	sst s9;
	s0 =	simm.s32 @!p0 $0x0  }
0x12: {  	s1 =	sld [smem:$0x3F9A];
	s0 =	simm.s32 @p0 $0x1  }
0x13: {  	[smem:$0x3FB5] =	sst s0;
	s0 =	simm.s32 @!p1 $0x0  }
0x14: {  	s2 =	sld [smem:$0x3F99];
	s0 =	simm.s32 @p1 $0x1  }
0x15: {  	[smem:$0x3FB6] =	sst s0;
	s0 =	simm.s32 @!p2 $0x0  }
0x16: {  	s3 =	sld [smem:$0x3FDB];
	s0 =	simm.s32 @p2 $0x1  }
0x17: {  	s4 =	simm.s32 $0x1BF5;
	[smem:$0x3FB8] =	sst s0  }
0x18: {  	s0 =	sld [smem:$0x3F9B];
	_ =	swait.ge [sflag:s4], $0x0  }
0x19: {  	s7 =	sld [smem:$0x3F9C]  }
0x1a: {  	s8 =	sadd.s32 $0xFFFFE003, lr  }
0x1b: {  	s9 =	sadd.s32 $0xFFFFFEF7, lr;
	s5 =	simm.s32 $0xFFFFFFFF;
	p2 =	slt.u32 s8, $0xFFFFF086  }
0x1c: {  	p1 =	slt.u32 s9, $0xF7A;
	s5 =	simm.s32 @!p2 $0x0  }
0x1d: {  	s5 =	simm.s32 @p1 $0x1;
	p0 =	seq.s32 s7, s2  }
0x1e: {  	s7 =	smul.u32 @!p0 $0xF7A, s2;
	p2 =	seq.s32 @!p0 s5, $0x0  }
0x1f: {  	s9 =	smul.u32 $0xF7A, s1;
	s8 =	simm.s32 @!p0 $0x1BF5;
	p2 =	por !p2, p0  }
0x20: {  	[sflag:s8] =	ssyncset.s32 @!p0 $0xFFFFF086;
	s6 =	sadd.s32 @!p0 s3, s7;
	s7 =	simm.s32 @!p0 $0x108  }
0x21: {  	s3 =	sadd.s32 s3, s9;
	s6 =	sadd.s32 @!p0 $0x88, s6;
	s7 =	simm.s32 @p2 $0x1082  }
0x22: {  	[simem:s7], [sflag:s8] =	dma.local @!p0 [hbm:s6], $0xF7A  }
0x23: {  	s9 =	sor.u32 $0xD0000000, s2;
	s6 =	simm.s32 $0x108;
	_ =	swait.ge @!p0 [sflag:s8], $0x0  }
0x24: {  	s3 =	sadd.s32 $0x88, s3;
	s6 =	simm.s32 @!p1 $0x1082;
	[sflag:s4] =	ssyncset.s32 $0xFFFFF086  }
0x25: {  	[simem:s6], [sflag:s4] =	dma.local [hbm:s3], $0xF7A  }
0x26: {  	[smem:$0x3F9C] =	sst s1;
	(tag) =	ssettag s2;
	_ =	strace s9  }
0x27: {  	s1 =	sld [smem:$0x3FAC]  }
0x28: {  	s2 =	sld [smem:$0x3FAD]  }
0x29: {  	s4 =	sld [smem:$0x3FAF]  }
0x2a: {  	p0 =	seq.s32 s5, $0x0;
	s5 =	sld [smem:$0x3FB0]  }
0x2b: {  	s6 =	sld [smem:$0x3FB1]  }
0x2c: {  	s7 =	sld [smem:$0x3FB2]  }
0x2d: {  	s3 =	simm.s32 $0x108;
	s8 =	sld [smem:$0x3FB3]  }
0x2e: {  	s3 =	simm.s32 @!p0 $0x1082;
	s9 =	sld [smem:$0x3FB4]  }
0x2f: {  	lr =	sadd.s32 s0, s3;
	s0 =	sld [smem:$0x3FAB]  }
0x30: {  	s3 =	sld [smem:$0x3FAE]  }
0x31: {  	[smem:$0x3FB7] =	sst s10  }
0x32: {  	s10 =	sld [smem:$0x3FB5];
	_ =	sdelay $0x3  }
0x33: {  	p0 =	seq.s32 s10, $0x1;
	s10 =	sld [smem:$0x3FB7];
	_ =	sdelay $0x3  }
0x34: {  	[smem:$0x3FB7] =	sst s10  }
0x35: {  	s10 =	sld [smem:$0x3FB6];
	_ =	sdelay $0x3  }
0x36: {  	p1 =	seq.s32 s10, $0x1;
	s10 =	sld [smem:$0x3FB7];
	_ =	sdelay $0x3  }
0x37: {  	[smem:$0x3FB7] =	sst s10  }
0x38: {  	s10 =	sld [smem:$0x3FB8]  }
0x39: {  	_ = 	snop;
	(pc) =	sbr.ind lr, $3  }
0x3a: {  	_ = 	snop  }
0x3b: {  	_ = 	snop  }
0x3c: {  	p2 =	seq.s32 s10, $0x1;
	s10 =	sld [smem:$0x3FB7]  }
0x3d: {  	_ =	shalt  }
0x3e: {  	_ =	shalt  }
0x3f: {  	_ =	shalt  }
0x40: {  	_ =	shalt  }
0x41: {  	_ =	shalt  }
0x42: {  	_ =	shalt  }
0x43: {  	_ =	shalt  }
0x44: {  	_ =	shalt  }
0x45: {  	_ =	shalt  }
0x46: {  	_ =	shalt  }
0x47: {  	_ =	shalt  }
0x48: {  	_ =	shalt  }
0x49: {  	_ =	shalt  }
0x4a: {  	_ =	shalt  }
0x4b: {  	_ =	shalt  }
0x4c: {  	_ =	shalt  }
0x4d: {  	_ =	shalt  }
0x4e: {  	_ =	shalt  }
0x4f: {  	_ =	shalt  }
0x50: {  	_ =	shalt  }
0x51: {  	_ =	shalt  }
0x52: {  	_ =	shalt  }
0x53: {  	_ =	shalt  }
0x54: {  	_ =	shalt  }
0x55: {  	_ =	shalt  }
0x56: {  	_ =	shalt  }
0x57: {  	_ =	shalt  }
0x58: {  	_ =	shalt  }
0x59: {  	_ =	shalt  }
0x5a: {  	_ =	shalt  }
0x5b: {  	_ =	shalt  }
0x5c: {  	_ =	shalt  }
0x5d: {  	_ =	shalt  }
0x5e: {  	_ =	shalt  }
0x5f: {  	_ =	shalt  }
0x60: {  	_ =	shalt  }
0x61: {  	_ =	shalt  }
0x62: {  	_ =	shalt  }
0x63: {  	_ =	shalt  }
0x64: {  	_ =	shalt  }
0x65: {  	_ =	shalt  }
0x66: {  	_ =	shalt  }
0x67: {  	_ =	shalt  }
0x68: {  	_ =	shalt  }
0x69: {  	_ =	shalt  }
0x6a: {  	_ =	shalt  }
0x6b: {  	_ =	shalt  }
0x6c: {  	_ =	shalt  }
0x6d: {  	_ =	shalt  }
0x6e: {  	_ =	shalt  }
0x6f: {  	_ =	shalt  }
0x70: {  	_ =	shalt  }
0x71: {  	_ =	shalt  }
0x72: {  	_ =	shalt  }
0x73: {  	_ =	shalt  }
0x74: {  	_ =	shalt  }
0x75: {  	_ =	shalt  }
0x76: {  	_ =	shalt  }
0x77: {  	_ =	shalt  }
0x78: {  	_ =	shalt  }
0x79: {  	_ =	shalt  }
0x7a: {  	_ =	shalt  }
0x7b: {  	_ =	shalt  }
0x7c: {  	_ =	shalt  }
0x7d: {  	_ =	shalt  }
0x7e: {  	_ =	shalt  }
0x7f: {  	_ =	shalt  }
0x80: {  	_ =	shalt  }
0x81: {  	_ =	shalt  }
0x82: {  	_ =	shalt  }
0x83: {  	_ =	shalt  }
0x84: {  	_ =	shalt  }
0x85: {  	_ =	shalt  }
0x86: {  	_ =	shalt  }
0x87: {  	_ =	shalt  }
.Lfunc_end0:
.L_simem_size_0:
called_computation.7_lowered:
.L_overlay_start_0:
0x88: {  	s2 =	sld [smem:$0x3FD9]  }
0x89: {  	s3 =	sld [smem:$0x3FFE];
	_ =	sdelay $0x1  }
0x8a: {  	s1 =	srdreg.scid  }
0x8b: {  	s0 =	sand.u32 $0x1, s1  }
0x8c: {  	s17 =	sshll.u32 s0, $0xA;
	s2 =	sadd.s32 s3, s2  }
0x8d: {  	s2 =	sadd.s32 s2, s17  }
0x8e: {  	[smem:$0x3FC3] =	sst s2  }
0x8f: {  	_ = 	snop  }
0x90: {  	(tm) =	ssettm $0x1  }
0x91: {  	s18 =	sld [smem:$0x3FFB];
	_ =	sdelay $0x3  }
0x92: {  	_ =	strace s18  }
0x93: {  	s2 =	sld [smem:$0x3FFC];
	_ =	sdelay $0x3  }
0x94: {  	_ =	strace s2  }
0x95: {  	s2 =	sld [smem:$0x3FFD];
	_ =	sdelay $0x3  }
0x96: {  	_ =	strace s2  }
0x97: {  	_ =	strace $0x8FFFFFFF  }
0x98: {  	s19 =	sld [smem:$0x3FDB];
	_ =	sdelay $0x1  }
0x99: {  	s20 =	simm.s32 $_scs_section_size  }
0x9a: {  	s4 =	simm.s32 $_size__tile_overlayer_lowered;
	s5 =	simm.s32 $_tile_overlayer_lowered  }
0x9b: {  	s6 =	simm.s32 $0x1BFF;
	s21 =	sshll.u32 s5, $0x1;
	s3 =	sadd.s32 s20, s19  }
0x9c: {  	s22 =	simm.s32 $0x0;
	s4 =	sshll.u32 s4, $0x1;
	s5 =	sadd.s32 s21, s3  }
0x9d: {  	[timem:s22], [sflag:s6] =	dma.local [hbm:s5], s4  }
0x9e: {  	_ =	swait.ge [sflag:s6], s4  }
0x9f: {  	s4 =	ssub.s32 $0x0, s4;
	[sflag:s6] =	ssyncset.done $0x0  }
0xa0: {  	[sflag:s6] =	ssyncadd.s32 s4;
	_ =	sdelay $0x1  }
0xa1: {  	s23 =	simm.s32 $0x1B8B  }
0xa2: {  	_ =	swait.ge [sflag:s23], $0x1  }
0xa3: {  	[sflag:s23] =	ssyncset.done $0x0  }
0xa4: {  	[sflag:s23] =	ssyncadd.s32 $0xFFFFFFFF  }
0xa5: {  	s4 =	sld [smem:$0x0]  }
0xa6: {  	s5 =	sand.u32 $0xFFFFFFFE, s1  }
0xa7: {  	p0 =	sne.s32 s1, s5  }
0xa8: {  	s5 =	sshll.u32 @p0 s5, $0xE  }
0xa9: {  	s5 =	sadd.s32 @p0 $0x11B8D, s5;
	s6 =	sshll.u32 @p0 s4, $0x11  }
0xaa: {  	s5 =	sor.u32 @p0 s6, s5  }
0xab: {  	[sflag:s5] =	ssyncadd.remote.s32 @p0 $0x1;
	_ =	sdelay $0x1  }
0xac: {  	s5 =	simm.s32 @p0 $0x1B8D  }
0xad: {  	_ =	swait.eq @p0 [sflag:s5], $0x1  }
0xae: {  	[sflag:s5] =	ssyncadd.s32 @p0 $0xFFFFFFFF  }
0xaf: {  	s6 =	sshll.u32 @!p0 s1, $0xE  }
0xb0: {  	s6 =	sor.u32 @!p0 $0x4000, s6;
	s5 =	simm.s32 @!p0 $0x1B8D  }
0xb1: {  	s4 =	sshll.u32 @!p0 s4, $0x11;
	s6 =	sadd.s32 @!p0 $0x11B8D, s6;
	_ =	swait.eq @!p0 [sflag:s5], $0x1  }
0xb2: {  	s4 =	sor.u32 @!p0 s4, s6;
	[sflag:s5] =	ssyncadd.s32 @!p0 $0xFFFFFFFF  }
0xb3: {  	s25 =	simm.s32 $0x1B8E;
	s24 =	sld [smem:$0x3FFE];
	[sflag:s4] =	ssyncadd.remote.s32 @!p0 $0x1  }
0xb4: {  	s26 =	simm.s32 $execute0_lowered;
	[smem:$0x3FD2] =	sst s25  }
0xb5: {  	s5 =	sshll.u32 s26, $0x1;
	_ =	strace $0x8000005B;
	[dreg:$0x1] =	wrdreg $0xFFFFFFFF  }
0xb6: {  	s28 =	simm.s32 $_size_execute0_lowered;
	s3 =	sadd.s32 s3, s5;
	[dreg:$0x0] =	wrdreg $0x0  }
0xb7: {  	s5 =	sshll.u32 s28, $0x1;
	[dreg:$0x2] =	wrdreg s3  }
0xb8: {  	[dreg:$0x3] =	wrdreg s5  }
0xb9: {  	[dreg:$0x4] =	wrdreg $0xC0  }
0xba: {  	_ =	task [dreg:s22], $0x5FFFF  }
0xbb: {  	[dreg:$0x1] =	wrdreg $0xFFFFFFFF  }
0xbc: {  	[dreg:$0x0] =	wrdreg $0x60  }
0xbd: {  	[dreg:$0x2] =	wrdreg s24  }
0xbe: {  	[dreg:$0x3] =	wrdreg $0x10  }
0xbf: {  	_ =	task.clear_ibuf [dreg:s22], $0x4FFFF;
	_ =	strace $0x9000005B  }
0xc0: {  	s29 =	simm.s32 $0x10;
	_ =	strace $0x8000005D  }
0xc1: {  	_ =	swait.ge [sflag:s29], $0x1  }
0xc2: {  	[sflag:s29] =	ssyncadd.s32 $0xFFFFFFFF  }
0xc3: {  	_ =	strace $0x9000005D  }
0xc4: {  	_ =	sfence  }
0xc5: {  	s30 =	sld [smem:$0x0];
	_ =	sdelay $0x2  }
0xc6: {  	s31 =	sshll.u32 s1, $0xD;
	s1 =	sshrl.u32 s1, $0x2  }
0xc7: {  	s4 =	sand.u32 $0x4000, s31;
	s1 =	sadd.s32 s1, s30  }
0xc8: {  	s0 =	sor.u32 s4, s0;
	s1 =	sshll.u32 s1, $0x11  }
0xc9: {  	s0 =	sor.u32 s1, s0  }
0xca: {  	s0 =	sadd.s32 $0x8F2B, s0  }
0xcb: {  	[sflag:s0] =	ssyncadd.remote.s32 $0x1  }
0xcc: {  	_ =	sfence.sel $0xFFFF  }
0xcd: {  	[dreg:$0x0] =	wrdreg $0xFFFFFFFF;
	(pc) =	sbr.abs _section_cstart, $3  }
0xce: {  	[dreg:$0x1] =	wrdreg $0xFFFFFFFF  }
0xcf: {  	_ =	task.clear_ibuf [dreg:s22], $0x2FFFF;
	_ =	strace $0x9FFFFFFF  }
0xd0: {  	(tm) =	ssettm $0x7FFFFFFF  }
0xd1: {  	_ =	shalt  }
tec
execute0_lowered:
.L_overlay_start_1:
0x0: {  	(tag) =	ssettag $0x1  }
0x1: {  	s3 =	rddreg [dreg:$0x0];
	s2 =	srdreg.scid  }
0x2: {  	s0 =	rddreg [dreg:$0x1];
	s1 =	stileid.u32  }
0x3: {  	s9 =	simm.s32 $0x1;
	s10 =	simm.s32 $0x0;
	s4 =	sand.u32 $0x1, s2  }
0x4: {  	s2 =	simm.s32 $0x0;
	s5 =	sshll.u32 s1, $0xB;
	s30 =	sshll.u32 s1, $0xE  }
0x5: {  	s6 =	sshll.u32 s4, $0xA;
	[smem:$0x7FF] =	sst s2;
	s29 =	ssub.s32 $0x2, s4  }
0x6: {  	s31 =	sshll.u32 s4, $0xD;
	s5 =	sor.u32 s6, s5;
	s8 =	sshrl.u32 s29, $0x1  }
0x7: {  	_ =	strace $0x8000005C;
	s5 =	sshrl.u32 s5, $0x3;
	s6 =	ssub.s32 s29, s8  }
0x8: {  	s8 =	simm.s32 $0x80;
	s7 =	sadd.s32 s5, s3;
	s5 =	sadd.s32 s30, s3  }
0x9: {  	s3 =	sadd.s32 $0x1E2E00, s3;
	s4 =	smax.u32 s6, $0x1;
	s5 =	sadd.s32 s31, s5  }
0xa: {  	s6 =	sadd.s32 $0x1E6E00, s7;
	s7 =	simm.s32 $0x2;
	s5 =	sadd.s32 $0x1E7E00, s5  }
.LBB2_1:
0xb: {  	s11 =	sadd.s32 $0x0, s6  }
0xc: {  	[tilespmem:s2], [sflag:$0x2] =	stream.linear.gather [hbm4b:s11+s2], $0x80, $0x38;
	[tilespmem:$0x2080] =	vst v63  }
0xd: {  	_ =	swait.ge [sflag:s7], $0x80  }
0xe: {  	[sflag:s7] =	ssyncset.done $0x0  }
0xf: {  	[sflag:s7] =	ssyncadd.s32 $0xFFFFFF80  }
0x10: {  	[tilespmem:s8], [sflag:$0x1] =	stream.indirect.gather [hbm4b:s3+s8], $0x40, s2, s8, $0xb8;
	[tilespmem:$0x2080] =	vst v63  }
0x11: {  	_ =	swait.ge [sflag:s9], $0x2000  }
0x12: {  	[sflag:s9] =	ssyncset.done $0x0  }
0x13: {  	[sflag:s9] =	ssyncadd.s32 $0xFFFFE000  }
0x14: {  	[hbm4b:s5+s2] =	stream.linear.scatter [tilespmem:s8], [sflag:$0x2], $0x2000, $0x38;
	[tilespmem:$0x2080] =	vst v63  }
0x15: {  	s12 =	simm.s32 $0x10;
	_ =	swait.ge [sflag:s7], $0x2000  }
0x16: {  	s13 =	simm.s32 $0x20;
	s11 =	sadd.s32 $0x400, s5;
	[sflag:s7] =	ssyncset.done $0x0  }
.LBB2_2:
0x17: {  	s14 =	sadd.s32 s12, s6  }
0x18: {  	[sflag:s7] =	ssyncadd.s32 $0xFFFFE000;
	s12 =	smov.u32 s13;
	s15 =	sadd.s32 $0x10, s13  }
0x19: {  	[tilespmem:s2], [sflag:$0x2] =	stream.linear.gather [hbm4b:s14+s2], $0x80, $0x38;
	[tilespmem:$0x2080] =	vst v63  }
0x1a: {  	p0 =	sne.s32 s13, $0x70;
	_ =	swait.ge [sflag:s7], $0x80  }
0x1b: {  	[sflag:s7] =	ssyncset.done $0x0  }
0x1c: {  	[sflag:s7] =	ssyncadd.s32 $0xFFFFFF80  }
0x1d: {  	[tilespmem:s8], [sflag:$0x1] =	stream.indirect.gather [hbm4b:s3+s8], $0x40, s2, s8, $0xb8;
	[tilespmem:$0x2080] =	vst v63  }
0x1e: {  	_ =	swait.ge [sflag:s9], $0x2000  }
.Ltmp0:
0x1f: {  	[sflag:s9] =	ssyncset.done $0x0;
	(pc) =	sbr.rel @p0 .LBB2_2-.Ltmp0, $4  }
0x20: {  	[sflag:s9] =	ssyncadd.s32 $0xFFFFE000  }
0x21: {  	[hbm4b:s11+s2] =	stream.linear.scatter [tilespmem:s8], [sflag:$0x2], $0x2000, $0x38;
	[tilespmem:$0x2080] =	vst v63  }
0x22: {  	_ =	swait.ge [sflag:s7], $0x2000  }
0x23: {  	s13 =	smov.u32 s15;
	s11 =	sadd.s32 $0x400, s11;
	[sflag:s7] =	ssyncset.done $0x0  }
0x24: {  	s12 =	sadd.s32 s12, s6;
	[sflag:s7] =	ssyncadd.s32 $0xFFFFE000  }
0x25: {  	[tilespmem:s2], [sflag:$0x2] =	stream.linear.gather [hbm4b:s12+s2], $0x80, $0x38;
	[tilespmem:$0x2080] =	vst v63  }
0x26: {  	_ =	swait.ge [sflag:s7], $0x80  }
0x27: {  	[sflag:s7] =	ssyncset.done $0x0  }
0x28: {  	[sflag:s7] =	ssyncadd.s32 $0xFFFFFF80  }
0x29: {  	[tilespmem:s8], [sflag:$0x1] =	stream.indirect.gather [hbm4b:s3+s8], $0x40, s2, s8, $0xb8;
	[tilespmem:$0x2080] =	vst v63  }
0x2a: {  	s10 =	sadd.s32 $0x1, s10;
	_ =	swait.ge [sflag:s9], $0x2000  }
0x2b: {  	p0 =	sne.s32 s10, s4;
	[sflag:s9] =	ssyncset.done $0x0  }
.Ltmp1:
0x2c: {  	[sflag:s9] =	ssyncadd.s32 $0xFFFFE000;
	(pc) =	sbr.rel @p0 .LBB2_1-.Ltmp1, $4  }
0x2d: {  	[hbm4b:s11+s2] =	stream.linear.scatter [tilespmem:s8], [sflag:$0x2], $0x2000, $0x38;
	[tilespmem:$0x2080] =	vst v63  }
0x2e: {  	_ =	swait.ge [sflag:s7], $0x2000  }
0x2f: {  	[sflag:s7] =	ssyncset.done $0x0  }
0x30: {  	[sflag:s7] =	ssyncadd.s32 $0xFFFFE000  }
0x31: {  	_ =	sfence.sel $0x180000  }
0x32: {  	[bflag:$0x0] =	sbarrier.arrive $0xFFFF  }
0x33: {  	p0 =	sne.s32 s1, $0x0;
	_ =	strace $0x9000005C  }
0x34: {  	s0 =	sadd.s32 @!p0 $0x100000, s0;
	[bflag:$0x2] =	sbarrier.arrive $0xFFFF  }
0x35: {  	[sflag:s0] =	ssyncadd.tile.s32 @!p0 $0x1;
	_ =	shalt  }
.Lfunc_end2:
_tile_overlayer_lowered:
.L_overlay_start_2:
0x36: {  	(tag) =	ssettag $0x2  }
0x37: {  	s0 =	rddreg [dreg:$0x0];
	s2 =	stileid.u32  }
0x38: {  	s1 =	rddreg [dreg:$0x1];
	p0 =	sne.s32 s2, $0x0  }
0x39: {  	s3 =	rddreg [dreg:$0x2];
	[bflag:$0x3] =	sbarrier.arrive $0xFFFF;
	s2 =	simm.s32 @!p0 $0x1C02  }
0x3a: {  	[timem:s3], [sflag:s2] =	dma.local @!p0 [hbm:s0], s1  }
0x3b: {  	s0 =	simm.s32 @!p0 $0x2  }
0x3c: {  	_ =	swait.ge @!p0 [sflag:s0], s1  }
0x3d: {  	s1 =	ssub.s32 @!p0 $0x0, s1;
	[sflag:s0] =	ssyncset.done @!p0 $0x0  }
0x3e: {  	[sflag:s0] =	ssyncadd.s32 @!p0 s1  }
0x3f: {  	[bflag:$0x3] =	sbarrier.arrive $0xFFFF  }
0x40: {  	_ =	shalt  }

</sc_bundles>
